<compile_context>
chip_gen: v7x
topology: tpu7x:2x2x1
jax: 0.10.2.dev20260603
libtpu: 0.0.44.dev20260713+nightly
codegen_flags: <defaults>
</compile_context>

<pallas_src>
import functools

import jax
import jax.numpy as jnp
from jax import lax
from jax.experimental import pallas as pl
from jax.experimental.pallas import tpu as pltpu
from jax.experimental.pallas import tpu_sc as plsc

N = 10000
E = 320000
D = 128

NC = 2
NS = 16
NW = NC * NS
L = 16

CH = 64
HNB = 2
SNB = 4
CPW = 160
EPAD = NW * CPW * CH
CW0 = CPW
CW1 = 2 * CPW - CW0
NPAD = 10240
RPT = NPAD // NS


def _hist_body(dst_hbm, ones_hbm, zeros_hbm, out_hbm,
               dst_v0, dst_v1, ones_v0, ones_v1, acc_sh,
               si0, si1, ss0, ss1):
  dst_v = [dst_v0, dst_v1]
  ones_v = [ones_v0, ones_v1]
  sem_i = [si0, si1]
  sem_s = [ss0, ss1]
  c = lax.axis_index("c")
  s = lax.axis_index("s")
  wid = c * NS + s
  base0 = wid * CPW
  pltpu.sync_copy(zeros_hbm.at[pl.ds(s * RPT, RPT)],
                  acc_sh.at[pl.ds(s * RPT, RPT)])
  for b in range(HNB):
    pltpu.sync_copy(ones_hbm, ones_v[b])
  plsc.subcore_barrier()

  for b in range(HNB):
    eb = (base0 + b) * CH
    pltpu.async_copy(dst_hbm.at[pl.ds(eb, CH)], dst_v[b], sem_i[b])

  def group_body(i, _):
    j0 = i * HNB
    for b in range(HNB):
      pltpu.make_async_copy(
          dst_hbm.at[pl.ds(0, CH)], dst_v[b], sem_i[b]).wait()
      pltpu.async_copy(ones_v[b], acc_sh.at[dst_v[b]], sem_s[b], add=True)
    for b in range(HNB):
      pltpu.make_async_copy(
          ones_v[b], acc_sh.at[dst_v[b]], sem_s[b]).wait()
      nxt = j0 + HNB + b

      @pl.when(nxt < CPW)
      def _():
        eb = (base0 + nxt) * CH
        pltpu.async_copy(dst_hbm.at[pl.ds(eb, CH)], dst_v[b], sem_i[b])
    return 0

  lax.fori_loop(0, CPW // HNB, group_body, 0)
  plsc.subcore_barrier()
  pltpu.sync_copy(acc_sh.at[pl.ds(s * RPT, RPT)],
                  out_hbm.at[c, pl.ds(s * RPT, RPT)])


def _scatter_body(g_hbm, src_hbm, dst_hbm, zeros_hbm, out_hbm, *rest):
  src_v = list(rest[0:SNB])
  dst_v = list(rest[SNB:2 * SNB])
  rows_v = list(rest[2 * SNB:3 * SNB])
  acc_sh = rest[3 * SNB]
  sem_i = list(rest[3 * SNB + 1:3 * SNB + 1 + SNB])
  sem_g = list(rest[3 * SNB + 1 + SNB:3 * SNB + 1 + 2 * SNB])
  sem_s = list(rest[3 * SNB + 1 + 2 * SNB:3 * SNB + 1 + 3 * SNB])
  c = lax.axis_index("c")
  s = lax.axis_index("s")
  base0 = jnp.where(c == 0, s * CW0, NS * CW0 + s * CW1)
  cnt = jnp.where(c == 0, CW0, CW1)

  pltpu.sync_copy(zeros_hbm.at[pl.ds(s * RPT, RPT)],
                  acc_sh.at[pl.ds(s * RPT, RPT)])
  plsc.subcore_barrier()

  for b in range(SNB):
    eb = (base0 + b) * CH
    pltpu.async_copy(src_hbm.at[pl.ds(eb, CH)], src_v[b], sem_i[b])
    pltpu.async_copy(dst_hbm.at[pl.ds(eb, CH)], dst_v[b], sem_i[b])

  def group_body(i, _):
    j0 = i * SNB
    for b in range(SNB):
      pltpu.make_async_copy(
          src_hbm.at[pl.ds(0, CH)], src_v[b], sem_i[b]).wait()
      pltpu.make_async_copy(
          dst_hbm.at[pl.ds(0, CH)], dst_v[b], sem_i[b]).wait()
      pltpu.async_copy(g_hbm.at[src_v[b]], rows_v[b], sem_g[b])
    for b in range(SNB):
      pltpu.make_async_copy(
          g_hbm.at[src_v[b]], rows_v[b], sem_g[b]).wait()
      pltpu.async_copy(
          rows_v[b], acc_sh.at[dst_v[b]], sem_s[b], add=True)
    for b in range(SNB):
      pltpu.make_async_copy(
          rows_v[b], acc_sh.at[dst_v[b]], sem_s[b]).wait()
      nxt = j0 + SNB + b

      @pl.when(nxt < cnt)
      def _():
        eb = (base0 + nxt) * CH
        pltpu.async_copy(src_hbm.at[pl.ds(eb, CH)], src_v[b], sem_i[b])
        pltpu.async_copy(dst_hbm.at[pl.ds(eb, CH)], dst_v[b], sem_i[b])
    return 0

  lax.fori_loop(0, cnt // SNB, group_body, 0)
  plsc.subcore_barrier()
  pltpu.sync_copy(acc_sh.at[pl.ds(s * RPT, RPT)],
                  out_hbm.at[c, pl.ds(s * RPT, RPT)])


@functools.cache
def _sc_calls():
  mesh = plsc.VectorSubcoreMesh(
      core_axis_name="c", subcore_axis_name="s",
      num_cores=NC, num_subcores=NS)
  hist_call = pl.kernel(
      _hist_body,
      out_type=jax.ShapeDtypeStruct((NC, NPAD, D), jnp.float32),
      mesh=mesh,
      scratch_types=(
          [pltpu.VMEM((CH,), jnp.int32)] * HNB
          + [pltpu.VMEM((CH, D), jnp.float32)] * HNB
          + [pltpu.VMEM_SHARED((NPAD, D), jnp.float32)]
          + [pltpu.SemaphoreType.DMA] * (2 * HNB)
      ),
  )
  scatter_call = pl.kernel(
      _scatter_body,
      out_type=jax.ShapeDtypeStruct((NC, NPAD, D), jnp.float32),
      mesh=mesh,
      scratch_types=(
          [pltpu.VMEM((CH,), jnp.int32)] * (2 * SNB)
          + [pltpu.VMEM((CH, D), jnp.float32)] * SNB
          + [pltpu.VMEM_SHARED((NPAD, D), jnp.float32)]
          + [pltpu.SemaphoreType.DMA] * (3 * SNB)
      ),
  )
  return hist_call, scatter_call


BR = 2048
GRID = NPAD // BR


def _stage_b_body(x_ref, h0_ref, h1_ref, w1_ref, g1_ref, dinv_ref):
  deg = h0_ref[:, 0] + h1_ref[:, 0] + 1.0
  dinv = lax.rsqrt(deg)
  h = jnp.dot(x_ref[...], w1_ref[...], preferred_element_type=jnp.float32)
  g1_ref[...] = h * dinv[:, None]
  dinv_ref[...] = dinv


def _stage_b(x_p, h0, h1, W1):
  return pl.pallas_call(
      _stage_b_body,
      grid=(GRID,),
      in_specs=[
          pl.BlockSpec((BR, D), lambda i: (i, 0)),
          pl.BlockSpec((BR, D), lambda i: (i, 0)),
          pl.BlockSpec((BR, D), lambda i: (i, 0)),
          pl.BlockSpec((D, D), lambda i: (0, 0)),
      ],
      out_specs=[
          pl.BlockSpec((BR, D), lambda i: (i, 0)),
          pl.BlockSpec((BR,), lambda i: (i,)),
      ],
      out_shape=[
          jax.ShapeDtypeStruct((NPAD, D), jnp.float32),
          jax.ShapeDtypeStruct((NPAD,), jnp.float32),
      ],
  )(x_p, h0, h1, W1)


def _stage_d_body(p1a_ref, p1b_ref, g1_ref, dinv_ref, w2_ref, b1_ref, g2_ref):
  dinv = dinv_ref[...]
  conv = (p1a_ref[...] + p1b_ref[...] + g1_ref[...]) * dinv[:, None] \
      + b1_ref[...]
  h1 = jnp.where(conv >= 0, conv, 0.2 * conv)
  h = jnp.dot(h1, w2_ref[...], preferred_element_type=jnp.float32)
  g2_ref[...] = h * dinv[:, None]


def _stage_d(p1a, p1b, g1, dinv, W2, b1):
  return pl.pallas_call(
      _stage_d_body,
      grid=(GRID,),
      in_specs=[
          pl.BlockSpec((BR, D), lambda i: (i, 0)),
          pl.BlockSpec((BR, D), lambda i: (i, 0)),
          pl.BlockSpec((BR, D), lambda i: (i, 0)),
          pl.BlockSpec((BR,), lambda i: (i,)),
          pl.BlockSpec((D, D), lambda i: (0, 0)),
          pl.BlockSpec((1, D), lambda i: (0, 0)),
      ],
      out_specs=pl.BlockSpec((BR, D), lambda i: (i, 0)),
      out_shape=jax.ShapeDtypeStruct((NPAD, D), jnp.float32),
  )(p1a, p1b, g1, dinv, W2, b1)


def _stage_f_body(p2a_ref, p2b_ref, g2_ref, dinv_ref, b2_ref,
                  ctx_ref, wg_ref, bg_ref, wb_ref, out_ref):
  gate = jax.nn.sigmoid(
      jnp.dot(ctx_ref[...], wg_ref[...], preferred_element_type=jnp.float32)
      + bg_ref[...])
  bias = jnp.dot(ctx_ref[...], wb_ref[...],
                 preferred_element_type=jnp.float32)
  dinv = dinv_ref[...]
  conv = (p2a_ref[...] + p2b_ref[...] + g2_ref[...]) * dinv[:, None] \
      + b2_ref[...]
  out_ref[...] = conv * gate + bias


def _stage_f(p2a, p2b, g2, dinv, b2, ctx, Wg, bg, Wb):
  return pl.pallas_call(
      _stage_f_body,
      grid=(GRID,),
      in_specs=[
          pl.BlockSpec((BR, D), lambda i: (i, 0)),
          pl.BlockSpec((BR, D), lambda i: (i, 0)),
          pl.BlockSpec((BR, D), lambda i: (i, 0)),
          pl.BlockSpec((BR,), lambda i: (i,)),
          pl.BlockSpec((1, D), lambda i: (0, 0)),
          pl.BlockSpec((1, D), lambda i: (0, 0)),
          pl.BlockSpec((D, D), lambda i: (0, 0)),
          pl.BlockSpec((1, D), lambda i: (0, 0)),
          pl.BlockSpec((D, D), lambda i: (0, 0)),
      ],
      out_specs=pl.BlockSpec((BR, D), lambda i: (i, 0)),
      out_shape=jax.ShapeDtypeStruct((NPAD, D), jnp.float32),
  )(p2a, p2b, g2, dinv, b2, ctx, Wg, bg, Wb)


def kernel(x, edge_index, ctx, W1, b1, W2, b2, Wg, bg, Wb):
  hist_call, scatter_call = _sc_calls()
  src = edge_index[0]
  dst = edge_index[1]
  pad = EPAD - E
  padidx = N + jnp.arange(pad, dtype=jnp.int32) % (NPAD - N - 1)
  src_p = jnp.concatenate([src, padidx])
  dst_p = jnp.concatenate([dst, padidx])
  x_p = jnp.pad(x, ((0, NPAD - N), (0, 0)))
  zeros_d = jnp.zeros((NPAD, D), jnp.float32)
  ones_d = jnp.ones((CH, D), jnp.float32)

  hist = hist_call(dst_p, ones_d, zeros_d)
  g1, dinv = _stage_b(x_p, hist[0], hist[1], W1)
  p1 = scatter_call(g1, src_p, dst_p, zeros_d)
  g2 = _stage_d(p1[0], p1[1], g1, dinv, W2, b1.reshape(1, D))
  p2 = scatter_call(g2, src_p, dst_p, zeros_d)
  out = _stage_f(p2[0], p2[1], g2, dinv, b2.reshape(1, D),
                 ctx, Wg, bg.reshape(1, D), Wb)
  return out[:N]

# --- scband reference (transcript-rebuilt; emitter-appended) ---
"""Pipeline reference for scband-concat-squash-gnn-42752104464516 (READ-ONLY COPY).

The authoritative reference and input builder live on the scoring server;
editing this copy changes nothing except your own understanding.
"""

import jax, jax.numpy as jnp
import numpy as np

N = 10000
E = 320000
D_IN = 128
D_HID = 128
D_OUT = 128
D_CTX = 128


def setup_inputs(seed: int = 0) -> dict:
    key = jax.random.key(seed)
    ks = jax.random.split(key, 12)
    x = jax.random.normal(ks[0], (N, D_IN), dtype=jnp.float32)
    edge_index = jax.random.randint(ks[1], (2, E), 0, N, dtype=jnp.int32)
    ctx = jax.random.normal(ks[2], (1, D_CTX), dtype=jnp.float32)
    # GCNConv layer 1 params (W stored as [in, out])
    W1 = jax.random.normal(ks[3], (D_IN, D_HID), dtype=jnp.float32) * (1.0 / np.sqrt(D_IN))
    b1 = jnp.zeros((D_HID,), dtype=jnp.float32)
    # GCNConv layer 2 params
    W2 = jax.random.normal(ks[4], (D_HID, D_OUT), dtype=jnp.float32) * (1.0 / np.sqrt(D_HID))
    b2 = jnp.zeros((D_OUT,), dtype=jnp.float32)
    # hyper gate / hyper bias linear params
    Wg = jax.random.normal(ks[5], (D_CTX, D_OUT), dtype=jnp.float32) * (1.0 / np.sqrt(D_CTX))
    bg = jnp.zeros((D_OUT,), dtype=jnp.float32)
    Wb = jax.random.normal(ks[6], (D_CTX, D_OUT), dtype=jnp.float32) * (1.0 / np.sqrt(D_CTX))
    return {"x": x, "edge_index": edge_index, "ctx": ctx,
            "W1": W1, "b1": b1, "W2": W2, "b2": b2,
            "Wg": Wg, "bg": bg, "Wb": Wb}


def _gcn_conv(x, src, dst, W, b):
    # PyG GCNConv: add self loops, symmetric normalization, linear transform, scatter-add
    n = x.shape[0]
    loop = jnp.arange(n, dtype=src.dtype)
    s = jnp.concatenate([src, loop])
    d = jnp.concatenate([dst, loop])
    deg = jnp.zeros((n,), dtype=x.dtype).at[d].add(1.0)
    dinv = jnp.where(deg > 0, jax.lax.rsqrt(jnp.where(deg > 0, deg, 1.0)), 0.0)
    norm = dinv[s] * dinv[d]
    h = x @ W  # linear transform (no bias inside lin)
    msg = jnp.take(h, s, axis=0) * norm[:, None]  # gather
    out = jnp.zeros((n, h.shape[1]), dtype=x.dtype).at[d].add(msg)  # scatter-add
    return out + b


def reference(x, edge_index, ctx, W1, b1, W2, b2, Wg, bg, Wb):
    src = edge_index[0]
    dst = edge_index[1]
    gate = jax.nn.sigmoid(ctx @ Wg + bg)
    bias = ctx @ Wb
    h1 = jax.nn.leaky_relu(_gcn_conv(x, src, dst, W1, b1), negative_slope=0.2)
    h2 = _gcn_conv(h1, src, dst, W2, b2)
    return h2 * gate + bias

if __name__ == "__main__":
    import jax
    _d = setup_inputs()
    print(jax.jit(kernel)(*tuple(_d.values())))

</pallas_src>

<mosaic_0001>
#map = affine_map<(d0, d1) -> (0)>
#map1 = affine_map<(d0, d1) -> (0, 0)>
#map2 = affine_map<(d0, d1) -> (0, 0, 0)>
module attributes {stable_mosaic.version = 14 : i64} {
  func.func @_hist_body(%arg0: i32, %arg1: i32, %arg2: memref<327680xi32, #tpu.memory_space<hbm>>, %arg3: memref<64x128xf32, #tpu.memory_space<hbm>>, %arg4: memref<10240x128xf32, #tpu.memory_space<hbm>>, %arg5: memref<2x10240x128xf32, #tpu.memory_space<hbm>>, %arg6: memref<64xi32, #tpu.memory_space<vmem>>, %arg7: memref<64xi32, #tpu.memory_space<vmem>>, %arg8: memref<64x128xf32, #tpu.memory_space<vmem>>, %arg9: memref<64x128xf32, #tpu.memory_space<vmem>>, %arg10: memref<10240x128xf32, #tpu.memory_space<vmem_shared>>, %arg11: memref<!tpu.dma_semaphore, #tpu.memory_space<semaphore_mem>>, %arg12: memref<!tpu.dma_semaphore, #tpu.memory_space<semaphore_mem>>, %arg13: memref<!tpu.dma_semaphore, #tpu.memory_space<semaphore_mem>>, %arg14: memref<!tpu.dma_semaphore, #tpu.memory_space<semaphore_mem>>) attributes {dimension_semantics = [#tpu.dimension_semantics<core_parallel>, #tpu.dimension_semantics<subcore_parallel>], iteration_bounds = array<i64: 2, 16>, scalar_prefetch = 0 : i64, scratch_operands = 9 : i64, tpu.core_type = #tpu.core_type<sc_vector_subcore>, window_params = [{transform_indices = #map}, {transform_indices = #map1}, {transform_indices = #map1}, {transform_indices = #map2}]} {
    %mul3A = arith.constant 16 : i32
    %mul3A_0 = arith.muli %arg0, %mul3A : i32
    %add3A = arith.addi %mul3A_0, %arg1 : i32
    %mul3A_1 = arith.constant 160 : i32
    %mul3A_2 = arith.muli %add3A, %mul3A_1 : i32
    %mul3A_3 = arith.constant 640 : i32
    %mul3A_4 = arith.muli %arg1, %mul3A_3 : i32
    %mul3A_5 = arith.constant 640 : i32
    %mul3A_6 = arith.muli %arg1, %mul3A_5 : i32
    "tpu.region"() ({
      %run_scoped3A = tpu.sem_alloc : memref<!tpu.dma_semaphore, #tpu.memory_space<semaphore_mem>>
      %dma_start3A_29 = arith.constant 0 : i32
      %dma_start3A_30 = tpu.memref_slice %arg10[%mul3A_6, %dma_start3A_29] : memref<10240x128xf32, #tpu.memory_space<vmem_shared>> -> memref<640x128xf32, #tpu.memory_space<vmem_shared>>
      %dma_start3A_31 = arith.constant 0 : i32
      %dma_start3A_32 = tpu.memref_slice %arg4[%mul3A_4, %dma_start3A_31] : memref<10240x128xf32, #tpu.memory_space<hbm>> -> memref<640x128xf32, #tpu.memory_space<hbm>>
      tpu.enqueue_dma source(%dma_start3A_32 : memref<640x128xf32, #tpu.memory_space<hbm>>) target(%dma_start3A_30 : memref<640x128xf32, #tpu.memory_space<vmem_shared>>) target_semaphore(%run_scoped3A : memref<!tpu.dma_semaphore, #tpu.memory_space<semaphore_mem>>)
      %dma_wait3A = arith.constant 0 : i32
      %dma_wait3A_33 = tpu.memref_slice %arg10[%mul3A_6, %dma_wait3A] : memref<10240x128xf32, #tpu.memory_space<vmem_shared>> -> memref<640x128xf32, #tpu.memory_space<vmem_shared>>
      %dma_wait3A_34 = arith.constant 0 : i32
      %dma_wait3A_35 = tpu.memref_slice %arg4[%mul3A_4, %dma_wait3A_34] : memref<10240x128xf32, #tpu.memory_space<hbm>> -> memref<640x128xf32, #tpu.memory_space<hbm>>
      tpu.wait_dma2 semaphore(%run_scoped3A : memref<!tpu.dma_semaphore, #tpu.memory_space<semaphore_mem>>) src(%dma_wait3A_35 : memref<640x128xf32, #tpu.memory_space<hbm>>) dst(%dma_wait3A_33 : memref<640x128xf32, #tpu.memory_space<vmem_shared>>)
      tpu.yield
    }) : () -> ()
    "tpu.region"() ({
      %run_scoped3A = tpu.sem_alloc : memref<!tpu.dma_semaphore, #tpu.memory_space<semaphore_mem>>
      tpu.enqueue_dma source(%arg3 : memref<64x128xf32, #tpu.memory_space<hbm>>) target(%arg8 : memref<64x128xf32, #tpu.memory_space<vmem>>) target_semaphore(%run_scoped3A : memref<!tpu.dma_semaphore, #tpu.memory_space<semaphore_mem>>)
      tpu.wait_dma2 semaphore(%run_scoped3A : memref<!tpu.dma_semaphore, #tpu.memory_space<semaphore_mem>>) src(%arg3 : memref<64x128xf32, #tpu.memory_space<hbm>>) dst(%arg8 : memref<64x128xf32, #tpu.memory_space<vmem>>)
      tpu.yield
    }) : () -> ()
    "tpu.region"() ({
      %run_scoped3A = tpu.sem_alloc : memref<!tpu.dma_semaphore, #tpu.memory_space<semaphore_mem>>
      tpu.enqueue_dma source(%arg3 : memref<64x128xf32, #tpu.memory_space<hbm>>) target(%arg9 : memref<64x128xf32, #tpu.memory_space<vmem>>) target_semaphore(%run_scoped3A : memref<!tpu.dma_semaphore, #tpu.memory_space<semaphore_mem>>)
      tpu.wait_dma2 semaphore(%run_scoped3A : memref<!tpu.dma_semaphore, #tpu.memory_space<semaphore_mem>>) src(%arg3 : memref<64x128xf32, #tpu.memory_space<hbm>>) dst(%arg9 : memref<64x128xf32, #tpu.memory_space<vmem>>)
      tpu.yield
    }) : () -> ()
    %barrier3A = arith.constant 0 : index
    tpu.barrier barrier_id(%barrier3A)
    %add3A_7 = arith.constant 0 : i32
    %add3A_8 = arith.addi %mul3A_2, %add3A_7 : i32
    %mul3A_9 = arith.constant 64 : i32
    %mul3A_10 = arith.muli %add3A_8, %mul3A_9 : i32
    %dma_start3A = tpu.memref_slice %arg2[%mul3A_10] : memref<327680xi32, #tpu.memory_space<hbm>> -> memref<64xi32, #tpu.memory_space<hbm>>
    %dma_start3A_11 = tpu.memref_slice %arg2[%mul3A_10] : memref<327680xi32, #tpu.memory_space<hbm>> -> memref<64xi32, #tpu.memory_space<hbm>>
    tpu.enqueue_dma source(%dma_start3A_11 : memref<64xi32, #tpu.memory_space<hbm>>) target(%arg6 : memref<64xi32, #tpu.memory_space<vmem>>) target_semaphore(%arg11 : memref<!tpu.dma_semaphore, #tpu.memory_space<semaphore_mem>>)
    %add3A_12 = arith.constant 1 : i32
    %add3A_13 = arith.addi %mul3A_2, %add3A_12 : i32
    %mul3A_14 = arith.constant 64 : i32
    %mul3A_15 = arith.muli %add3A_13, %mul3A_14 : i32
    %dma_start3A_16 = tpu.memref_slice %arg2[%mul3A_15] : memref<327680xi32, #tpu.memory_space<hbm>> -> memref<64xi32, #tpu.memory_space<hbm>>
    %dma_start3A_17 = tpu.memref_slice %arg2[%mul3A_15] : memref<327680xi32, #tpu.memory_space<hbm>> -> memref<64xi32, #tpu.memory_space<hbm>>
    tpu.enqueue_dma source(%dma_start3A_17 : memref<64xi32, #tpu.memory_space<hbm>>) target(%arg7 : memref<64xi32, #tpu.memory_space<vmem>>) target_semaphore(%arg12 : memref<!tpu.dma_semaphore, #tpu.memory_space<semaphore_mem>>)
    %scan3A = arith.constant 0 : i32
    %scan3A_18 = arith.constant 0 : i32
    %scan3A_19 = arith.constant 80 : i32
    %scan3A_20 = arith.addi %scan3A_18, %scan3A_19 : i32
    %scan3A_21 = arith.constant 1 : i32
    %scan3A_22 = scf.for %scan3A_29 = %scan3A_18 to %scan3A_20 step %scan3A_21 iter_args(%scan3A_30 = %scan3A) -> (i32)  : i32 {
      %mul3A_31 = arith.constant 2 : i32
      %mul3A_32 = arith.muli %scan3A_29, %mul3A_31 : i32
      %dma_wait3A = arith.constant 0 : i32
      %dma_wait3A_33 = tpu.memref_slice %arg2[%dma_wait3A] : memref<327680xi32, #tpu.memory_space<hbm>> -> memref<64xi32, #tpu.memory_space<hbm>>
      %dma_wait3A_34 = arith.constant 0 : i32
      %dma_wait3A_35 = tpu.memref_slice %arg2[%dma_wait3A_34] : memref<327680xi32, #tpu.memory_space<hbm>> -> memref<64xi32, #tpu.memory_space<hbm>>
      tpu.wait_dma2 semaphore(%arg11 : memref<!tpu.dma_semaphore, #tpu.memory_space<semaphore_mem>>) src(%dma_wait3A_35 : memref<64xi32, #tpu.memory_space<hbm>>) dst(%arg6 : memref<64xi32, #tpu.memory_space<vmem>>)
      %dma_start3A_36 = arith.constant 0 : i32
      %dma_start3A_37 = arith.constant 0 : i32
      %dma_start3A_38 = tpu.memref_slice %arg10[%dma_start3A_36, %dma_start3A_37] : memref<10240x128xf32, #tpu.memory_space<vmem_shared>> -> memref<10240x128xf32, #tpu.memory_space<vmem_shared>>
      tpu.enqueue_indirect_dma source(%arg8 : memref<64x128xf32, #tpu.memory_space<vmem>>) target(%dma_start3A_38 : memref<10240x128xf32, #tpu.memory_space<vmem_shared>>) offsets(%arg6 : memref<64xi32, #tpu.memory_space<vmem>>) semaphore(%arg13 : memref<!tpu.dma_semaphore, #tpu.memory_space<semaphore_mem>>) {add = true}
      %dma_wait3A_39 = arith.constant 0 : i32
      %dma_wait3A_40 = tpu.memref_slice %arg2[%dma_wait3A_39] : memref<327680xi32, #tpu.memory_space<hbm>> -> memref<64xi32, #tpu.memory_space<hbm>>
      %dma_wait3A_41 = arith.constant 0 : i32
      %dma_wait3A_42 = tpu.memref_slice %arg2[%dma_wait3A_41] : memref<327680xi32, #tpu.memory_space<hbm>> -> memref<64xi32, #tpu.memory_space<hbm>>
      tpu.wait_dma2 semaphore(%arg12 : memref<!tpu.dma_semaphore, #tpu.memory_space<semaphore_mem>>) src(%dma_wait3A_42 : memref<64xi32, #tpu.memory_space<hbm>>) dst(%arg7 : memref<64xi32, #tpu.memory_space<vmem>>)
      %dma_start3A_43 = arith.constant 0 : i32
      %dma_start3A_44 = arith.constant 0 : i32
      %dma_start3A_45 = tpu.memref_slice %arg10[%dma_start3A_43, %dma_start3A_44] : memref<10240x128xf32, #tpu.memory_space<vmem_shared>> -> memref<10240x128xf32, #tpu.memory_space<vmem_shared>>
      tpu.enqueue_indirect_dma source(%arg9 : memref<64x128xf32, #tpu.memory_space<vmem>>) target(%dma_start3A_45 : memref<10240x128xf32, #tpu.memory_space<vmem_shared>>) offsets(%arg7 : memref<64xi32, #tpu.memory_space<vmem>>) semaphore(%arg14 : memref<!tpu.dma_semaphore, #tpu.memory_space<semaphore_mem>>) {add = true}
      %dma_wait3A_46 = arith.constant 0 : i32
      %dma_wait3A_47 = arith.constant 0 : i32
      %dma_wait3A_48 = tpu.memref_slice %arg10[%dma_wait3A_46, %dma_wait3A_47] : memref<10240x128xf32, #tpu.memory_space<vmem_shared>> -> memref<10240x128xf32, #tpu.memory_space<vmem_shared>>
      tpu.wait_indirect_dma semaphore(%arg13 : memref<!tpu.dma_semaphore, #tpu.memory_space<semaphore_mem>>) src(%arg8 : memref<64x128xf32, #tpu.memory_space<vmem>>) dst(%dma_wait3A_48 : memref<10240x128xf32, #tpu.memory_space<vmem_shared>>)
      %add3A_49 = arith.constant 2 : i32
      %add3A_50 = arith.addi %mul3A_32, %add3A_49 : i32
      %add3A_51 = arith.constant 0 : i32
      %add3A_52 = arith.addi %add3A_50, %add3A_51 : i32
      %lt3A = arith.constant 160 : i32
      %lt3A_53 = arith.cmpi slt, %add3A_52, %lt3A : i32
      %convert_element_type3A = arith.extui %lt3A_53 : i1 to i32
      %cond3A = arith.constant 0 : i32
      %cond3A_54 = arith.cmpi ne, %convert_element_type3A, %cond3A : i32
      scf.if %cond3A_54 {
        %add3A_68 = arith.addi %mul3A_2, %add3A_52 : i32
        %mul3A_69 = arith.constant 64 : i32
        %mul3A_70 = arith.muli %add3A_68, %mul3A_69 : i32
        %dma_start3A_71 = tpu.memref_slice %arg2[%mul3A_70] : memref<327680xi32, #tpu.memory_space<hbm>> -> memref<64xi32, #tpu.memory_space<hbm>>
        %dma_start3A_72 = tpu.memref_slice %arg2[%mul3A_70] : memref<327680xi32, #tpu.memory_space<hbm>> -> memref<64xi32, #tpu.memory_space<hbm>>
        tpu.enqueue_dma source(%dma_start3A_72 : memref<64xi32, #tpu.memory_space<hbm>>) target(%arg6 : memref<64xi32, #tpu.memory_space<vmem>>) target_semaphore(%arg11 : memref<!tpu.dma_semaphore, #tpu.memory_space<semaphore_mem>>)
      } else {
      }
      %dma_wait3A_55 = arith.constant 0 : i32
      %dma_wait3A_56 = arith.constant 0 : i32
      %dma_wait3A_57 = tpu.memref_slice %arg10[%dma_wait3A_55, %dma_wait3A_56] : memref<10240x128xf32, #tpu.memory_space<vmem_shared>> -> memref<10240x128xf32, #tpu.memory_space<vmem_shared>>
      tpu.wait_indirect_dma semaphore(%arg14 : memref<!tpu.dma_semaphore, #tpu.memory_space<semaphore_mem>>) src(%arg9 : memref<64x128xf32, #tpu.memory_space<vmem>>) dst(%dma_wait3A_57 : memref<10240x128xf32, #tpu.memory_space<vmem_shared>>)
      %add3A_58 = arith.constant 2 : i32
      %add3A_59 = arith.addi %mul3A_32, %add3A_58 : i32
      %add3A_60 = arith.constant 1 : i32
      %add3A_61 = arith.addi %add3A_59, %add3A_60 : i32
      %lt3A_62 = arith.constant 160 : i32
      %lt3A_63 = arith.cmpi slt, %add3A_61, %lt3A_62 : i32
      %convert_element_type3A_64 = arith.extui %lt3A_63 : i1 to i32
      %cond3A_65 = arith.constant 0 : i32
      %cond3A_66 = arith.cmpi ne, %convert_element_type3A_64, %cond3A_65 : i32
      scf.if %cond3A_66 {
        %add3A_68 = arith.addi %mul3A_2, %add3A_61 : i32
        %mul3A_69 = arith.constant 64 : i32
        %mul3A_70 = arith.muli %add3A_68, %mul3A_69 : i32
        %dma_start3A_71 = tpu.memref_slice %arg2[%mul3A_70] : memref<327680xi32, #tpu.memory_space<hbm>> -> memref<64xi32, #tpu.memory_space<hbm>>
        %dma_start3A_72 = tpu.memref_slice %arg2[%mul3A_70] : memref<327680xi32, #tpu.memory_space<hbm>> -> memref<64xi32, #tpu.memory_space<hbm>>
        tpu.enqueue_dma source(%dma_start3A_72 : memref<64xi32, #tpu.memory_space<hbm>>) target(%arg7 : memref<64xi32, #tpu.memory_space<vmem>>) target_semaphore(%arg12 : memref<!tpu.dma_semaphore, #tpu.memory_space<semaphore_mem>>)
      } else {
      }
      %scan3A_67 = arith.constant 0 : i32
      scf.yield %scan3A_67 : i32
    }
    %scan3A_23 = arith.constant 80 : i32
    %barrier3A_24 = arith.constant 0 : index
    tpu.barrier barrier_id(%barrier3A_24)
    %mul3A_25 = arith.constant 640 : i32
    %mul3A_26 = arith.muli %arg1, %mul3A_25 : i32
    %mul3A_27 = arith.constant 640 : i32
    %mul3A_28 = arith.muli %arg1, %mul3A_27 : i32
    "tpu.region"() ({
      %run_scoped3A = tpu.sem_alloc : memref<!tpu.dma_semaphore, #tpu.memory_space<semaphore_mem>>
      %dma_start3A_29 = arith.constant 0 : i32
      %dma_start3A_30 = tpu.memref_slice %arg5[%arg0, %mul3A_28, %dma_start3A_29] : memref<2x10240x128xf32, #tpu.memory_space<hbm>> -> memref<1x640x128xf32, #tpu.memory_space<hbm>>
      %dma_start3A_31 = tpu.memref_squeeze %dma_start3A_30 : memref<1x640x128xf32, #tpu.memory_space<hbm>> -> memref<640x128xf32, #tpu.memory_space<hbm>>
      %dma_start3A_32 = arith.constant 0 : i32
      %dma_start3A_33 = tpu.memref_slice %arg10[%mul3A_26, %dma_start3A_32] : memref<10240x128xf32, #tpu.memory_space<vmem_shared>> -> memref<640x128xf32, #tpu.memory_space<vmem_shared>>
      tpu.enqueue_dma source(%dma_start3A_33 : memref<640x128xf32, #tpu.memory_space<vmem_shared>>) target(%dma_start3A_31 : memref<640x128xf32, #tpu.memory_space<hbm>>) target_semaphore(%run_scoped3A : memref<!tpu.dma_semaphore, #tpu.memory_space<semaphore_mem>>)
      %dma_wait3A = arith.constant 0 : i32
      %dma_wait3A_34 = tpu.memref_slice %arg5[%arg0, %mul3A_28, %dma_wait3A] : memref<2x10240x128xf32, #tpu.memory_space<hbm>> -> memref<1x640x128xf32, #tpu.memory_space<hbm>>
      %dma_wait3A_35 = tpu.memref_squeeze %dma_wait3A_34 : memref<1x640x128xf32, #tpu.memory_space<hbm>> -> memref<640x128xf32, #tpu.memory_space<hbm>>
      %dma_wait3A_36 = arith.constant 0 : i32
      %dma_wait3A_37 = tpu.memref_slice %arg10[%mul3A_26, %dma_wait3A_36] : memref<10240x128xf32, #tpu.memory_space<vmem_shared>> -> memref<640x128xf32, #tpu.memory_space<vmem_shared>>
      tpu.wait_dma2 semaphore(%run_scoped3A : memref<!tpu.dma_semaphore, #tpu.memory_space<semaphore_mem>>) src(%dma_wait3A_37 : memref<640x128xf32, #tpu.memory_space<vmem_shared>>) dst(%dma_wait3A_35 : memref<640x128xf32, #tpu.memory_space<hbm>>)
      tpu.yield
    }) : () -> ()
    return
  }
}

#map = affine_map<(d0, d1) -> (0, 0)>
#map1 = affine_map<(d0, d1) -> (0)>
#map2 = affine_map<(d0, d1) -> (0, 0, 0)>
module attributes {stable_mosaic.version = 14 : i64} {
  func.func @_scatter_body(%arg0: i32, %arg1: i32, %arg2: memref<10240x128xf32, #tpu.memory_space<hbm>>, %arg3: memref<327680xi32, #tpu.memory_space<hbm>>, %arg4: memref<327680xi32, #tpu.memory_space<hbm>>, %arg5: memref<10240x128xf32, #tpu.memory_space<hbm>>, %arg6: memref<2x10240x128xf32, #tpu.memory_space<hbm>>, %arg7: memref<64xi32, #tpu.memory_space<vmem>>, %arg8: memref<64xi32, #tpu.memory_space<vmem>>, %arg9: memref<64xi32, #tpu.memory_space<vmem>>, %arg10: memref<64xi32, #tpu.memory_space<vmem>>, %arg11: memref<64xi32, #tpu.memory_space<vmem>>, %arg12: memref<64xi32, #tpu.memory_space<vmem>>, %arg13: memref<64xi32, #tpu.memory_space<vmem>>, %arg14: memref<64xi32, #tpu.memory_space<vmem>>, %arg15: memref<64x128xf32, #tpu.memory_space<vmem>>, %arg16: memref<64x128xf32, #tpu.memory_space<vmem>>, %arg17: memref<64x128xf32, #tpu.memory_space<vmem>>, %arg18: memref<64x128xf32, #tpu.memory_space<vmem>>, %arg19: memref<10240x128xf32, #tpu.memory_space<vmem_shared>>, %arg20: memref<!tpu.dma_semaphore, #tpu.memory_space<semaphore_mem>>, %arg21: memref<!tpu.dma_semaphore, #tpu.memory_space<semaphore_mem>>, %arg22: memref<!tpu.dma_semaphore, #tpu.memory_space<semaphore_mem>>, %arg23: memref<!tpu.dma_semaphore, #tpu.memory_space<semaphore_mem>>, %arg24: memref<!tpu.dma_semaphore, #tpu.memory_space<semaphore_mem>>, %arg25: memref<!tpu.dma_semaphore, #tpu.memory_space<semaphore_mem>>, %arg26: memref<!tpu.dma_semaphore, #tpu.memory_space<semaphore_mem>>, %arg27: memref<!tpu.dma_semaphore, #tpu.memory_space<semaphore_mem>>, %arg28: memref<!tpu.dma_semaphore, #tpu.memory_space<semaphore_mem>>, %arg29: memref<!tpu.dma_semaphore, #tpu.memory_space<semaphore_mem>>, %arg30: memref<!tpu.dma_semaphore, #tpu.memory_space<semaphore_mem>>, %arg31: memref<!tpu.dma_semaphore, #tpu.memory_space<semaphore_mem>>) attributes {dimension_semantics = [#tpu.dimension_semantics<core_parallel>, #tpu.dimension_semantics<subcore_parallel>], iteration_bounds = array<i64: 2, 16>, scalar_prefetch = 0 : i64, scratch_operands = 25 : i64, tpu.core_type = #tpu.core_type<sc_vector_subcore>, window_params = [{transform_indices = #map}, {transform_indices = #map1}, {transform_indices = #map1}, {transform_indices = #map}, {transform_indices = #map2}]} {
    %eq3A = arith.constant 0 : i32
    %eq3A_0 = arith.cmpi eq, %arg0, %eq3A : i32
    %mul3A = arith.constant 160 : i32
    %mul3A_1 = arith.muli %arg1, %mul3A : i32
    %mul3A_2 = arith.constant 160 : i32
    %mul3A_3 = arith.muli %arg1, %mul3A_2 : i32
    %add3A = arith.constant 2560 : i32
    %add3A_4 = arith.addi %add3A, %mul3A_3 : i32
    %select_n3A = arith.select %eq3A_0, %mul3A_1, %add3A_4 : i32
    %eq3A_5 = arith.constant 0 : i32
    %eq3A_6 = arith.cmpi eq, %arg0, %eq3A_5 : i32
    %jit3A = arith.constant 160 : i32
    %jit3A_7 = arith.constant 160 : i32
    %select_n3A_8 = arith.select %eq3A_6, %jit3A, %jit3A_7 : i32
    %mul3A_9 = arith.constant 640 : i32
    %mul3A_10 = arith.muli %arg1, %mul3A_9 : i32
    %mul3A_11 = arith.constant 640 : i32
    %mul3A_12 = arith.muli %arg1, %mul3A_11 : i32
    "tpu.region"() ({
      %run_scoped3A = tpu.sem_alloc : memref<!tpu.dma_semaphore, #tpu.memory_space<semaphore_mem>>
      %dma_start3A_78 = arith.constant 0 : i32
      %dma_start3A_79 = tpu.memref_slice %arg19[%mul3A_12, %dma_start3A_78] : memref<10240x128xf32, #tpu.memory_space<vmem_shared>> -> memref<640x128xf32, #tpu.memory_space<vmem_shared>>
      %dma_start3A_80 = arith.constant 0 : i32
      %dma_start3A_81 = tpu.memref_slice %arg5[%mul3A_10, %dma_start3A_80] : memref<10240x128xf32, #tpu.memory_space<hbm>> -> memref<640x128xf32, #tpu.memory_space<hbm>>
      tpu.enqueue_dma source(%dma_start3A_81 : memref<640x128xf32, #tpu.memory_space<hbm>>) target(%dma_start3A_79 : memref<640x128xf32, #tpu.memory_space<vmem_shared>>) target_semaphore(%run_scoped3A : memref<!tpu.dma_semaphore, #tpu.memory_space<semaphore_mem>>)
      %dma_wait3A = arith.constant 0 : i32
      %dma_wait3A_82 = tpu.memref_slice %arg19[%mul3A_12, %dma_wait3A] : memref<10240x128xf32, #tpu.memory_space<vmem_shared>> -> memref<640x128xf32, #tpu.memory_space<vmem_shared>>
      %dma_wait3A_83 = arith.constant 0 : i32
      %dma_wait3A_84 = tpu.memref_slice %arg5[%mul3A_10, %dma_wait3A_83] : memref<10240x128xf32, #tpu.memory_space<hbm>> -> memref<640x128xf32, #tpu.memory_space<hbm>>
      tpu.wait_dma2 semaphore(%run_scoped3A : memref<!tpu.dma_semaphore, #tpu.memory_space<semaphore_mem>>) src(%dma_wait3A_84 : memref<640x128xf32, #tpu.memory_space<hbm>>) dst(%dma_wait3A_82 : memref<640x128xf32, #tpu.memory_space<vmem_shared>>)
      tpu.yield
    }) : () -> ()
    %barrier3A = arith.constant 0 : index
    tpu.barrier barrier_id(%barrier3A)
    %add3A_13 = arith.constant 0 : i32
    %add3A_14 = arith.addi %select_n3A, %add3A_13 : i32
    %mul3A_15 = arith.constant 64 : i32
    %mul3A_16 = arith.muli %add3A_14, %mul3A_15 : i32
    %dma_start3A = tpu.memref_slice %arg3[%mul3A_16] : memref<327680xi32, #tpu.memory_space<hbm>> -> memref<64xi32, #tpu.memory_space<hbm>>
    %dma_start3A_17 = tpu.memref_slice %arg3[%mul3A_16] : memref<327680xi32, #tpu.memory_space<hbm>> -> memref<64xi32, #tpu.memory_space<hbm>>
    tpu.enqueue_dma source(%dma_start3A_17 : memref<64xi32, #tpu.memory_space<hbm>>) target(%arg7 : memref<64xi32, #tpu.memory_space<vmem>>) target_semaphore(%arg20 : memref<!tpu.dma_semaphore, #tpu.memory_space<semaphore_mem>>)
    %dma_start3A_18 = tpu.memref_slice %arg4[%mul3A_16] : memref<327680xi32, #tpu.memory_space<hbm>> -> memref<64xi32, #tpu.memory_space<hbm>>
    %dma_start3A_19 = tpu.memref_slice %arg4[%mul3A_16] : memref<327680xi32, #tpu.memory_space<hbm>> -> memref<64xi32, #tpu.memory_space<hbm>>
    tpu.enqueue_dma source(%dma_start3A_19 : memref<64xi32, #tpu.memory_space<hbm>>) target(%arg11 : memref<64xi32, #tpu.memory_space<vmem>>) target_semaphore(%arg20 : memref<!tpu.dma_semaphore, #tpu.memory_space<semaphore_mem>>)
    %add3A_20 = arith.constant 1 : i32
    %add3A_21 = arith.addi %select_n3A, %add3A_20 : i32
    %mul3A_22 = arith.constant 64 : i32
    %mul3A_23 = arith.muli %add3A_21, %mul3A_22 : i32
    %dma_start3A_24 = tpu.memref_slice %arg3[%mul3A_23] : memref<327680xi32, #tpu.memory_space<hbm>> -> memref<64xi32, #tpu.memory_space<hbm>>
    %dma_start3A_25 = tpu.memref_slice %arg3[%mul3A_23] : memref<327680xi32, #tpu.memory_space<hbm>> -> memref<64xi32, #tpu.memory_space<hbm>>
    tpu.enqueue_dma source(%dma_start3A_25 : memref<64xi32, #tpu.memory_space<hbm>>) target(%arg8 : memref<64xi32, #tpu.memory_space<vmem>>) target_semaphore(%arg21 : memref<!tpu.dma_semaphore, #tpu.memory_space<semaphore_mem>>)
    %dma_start3A_26 = tpu.memref_slice %arg4[%mul3A_23] : memref<327680xi32, #tpu.memory_space<hbm>> -> memref<64xi32, #tpu.memory_space<hbm>>
    %dma_start3A_27 = tpu.memref_slice %arg4[%mul3A_23] : memref<327680xi32, #tpu.memory_space<hbm>> -> memref<64xi32, #tpu.memory_space<hbm>>
    tpu.enqueue_dma source(%dma_start3A_27 : memref<64xi32, #tpu.memory_space<hbm>>) target(%arg12 : memref<64xi32, #tpu.memory_space<vmem>>) target_semaphore(%arg21 : memref<!tpu.dma_semaphore, #tpu.memory_space<semaphore_mem>>)
    %add3A_28 = arith.constant 2 : i32
    %add3A_29 = arith.addi %select_n3A, %add3A_28 : i32
    %mul3A_30 = arith.constant 64 : i32
    %mul3A_31 = arith.muli %add3A_29, %mul3A_30 : i32
    %dma_start3A_32 = tpu.memref_slice %arg3[%mul3A_31] : memref<327680xi32, #tpu.memory_space<hbm>> -> memref<64xi32, #tpu.memory_space<hbm>>
    %dma_start3A_33 = tpu.memref_slice %arg3[%mul3A_31] : memref<327680xi32, #tpu.memory_space<hbm>> -> memref<64xi32, #tpu.memory_space<hbm>>
    tpu.enqueue_dma source(%dma_start3A_33 : memref<64xi32, #tpu.memory_space<hbm>>) target(%arg9 : memref<64xi32, #tpu.memory_space<vmem>>) target_semaphore(%arg22 : memref<!tpu.dma_semaphore, #tpu.memory_space<semaphore_mem>>)
    %dma_start3A_34 = tpu.memref_slice %arg4[%mul3A_31] : memref<327680xi32, #tpu.memory_space<hbm>> -> memref<64xi32, #tpu.memory_space<hbm>>
    %dma_start3A_35 = tpu.memref_slice %arg4[%mul3A_31] : memref<327680xi32, #tpu.memory_space<hbm>> -> memref<64xi32, #tpu.memory_space<hbm>>
    tpu.enqueue_dma source(%dma_start3A_35 : memref<64xi32, #tpu.memory_space<hbm>>) target(%arg13 : memref<64xi32, #tpu.memory_space<vmem>>) target_semaphore(%arg22 : memref<!tpu.dma_semaphore, #tpu.memory_space<semaphore_mem>>)
    %add3A_36 = arith.constant 3 : i32
    %add3A_37 = arith.addi %select_n3A, %add3A_36 : i32
    %mul3A_38 = arith.constant 64 : i32
    %mul3A_39 = arith.muli %add3A_37, %mul3A_38 : i32
    %dma_start3A_40 = tpu.memref_slice %arg3[%mul3A_39] : memref<327680xi32, #tpu.memory_space<hbm>> -> memref<64xi32, #tpu.memory_space<hbm>>
    %dma_start3A_41 = tpu.memref_slice %arg3[%mul3A_39] : memref<327680xi32, #tpu.memory_space<hbm>> -> memref<64xi32, #tpu.memory_space<hbm>>
    tpu.enqueue_dma source(%dma_start3A_41 : memref<64xi32, #tpu.memory_space<hbm>>) target(%arg10 : memref<64xi32, #tpu.memory_space<vmem>>) target_semaphore(%arg23 : memref<!tpu.dma_semaphore, #tpu.memory_space<semaphore_mem>>)
    %dma_start3A_42 = tpu.memref_slice %arg4[%mul3A_39] : memref<327680xi32, #tpu.memory_space<hbm>> -> memref<64xi32, #tpu.memory_space<hbm>>
    %dma_start3A_43 = tpu.memref_slice %arg4[%mul3A_39] : memref<327680xi32, #tpu.memory_space<hbm>> -> memref<64xi32, #tpu.memory_space<hbm>>
    tpu.enqueue_dma source(%dma_start3A_43 : memref<64xi32, #tpu.memory_space<hbm>>) target(%arg14 : memref<64xi32, #tpu.memory_space<vmem>>) target_semaphore(%arg23 : memref<!tpu.dma_semaphore, #tpu.memory_space<semaphore_mem>>)
    %jit3A_44 = arith.constant 4 : i32
    %div3A = arith.divsi %select_n3A_8, %jit3A_44 : i32
    %sign3A = arith.constant 0 : i32
    %sign3A_45 = arith.cmpi sgt, %select_n3A_8, %sign3A : i32
    %sign3A_46 = arith.extui %sign3A_45 : i1 to i32
    %sign3A_47 = arith.constant 0 : i32
    %sign3A_48 = arith.cmpi slt, %select_n3A_8, %sign3A_47 : i32
    %sign3A_49 = arith.extui %sign3A_48 : i1 to i32
    %sign3A_50 = arith.subi %sign3A_46, %sign3A_49 : i32
    %sign3A_51 = arith.constant 0 : i32
    %sign3A_52 = arith.cmpi sgt, %jit3A_44, %sign3A_51 : i32
    %sign3A_53 = arith.extui %sign3A_52 : i1 to i32
    %sign3A_54 = arith.constant 0 : i32
    %sign3A_55 = arith.cmpi slt, %jit3A_44, %sign3A_54 : i32
    %sign3A_56 = arith.extui %sign3A_55 : i1 to i32
    %sign3A_57 = arith.subi %sign3A_53, %sign3A_56 : i32
    %ne3A = arith.cmpi ne, %sign3A_50, %sign3A_57 : i32
    %rem3A = arith.remsi %select_n3A_8, %jit3A_44 : i32
    %ne3A_58 = arith.constant 0 : i32
    %ne3A_59 = arith.cmpi ne, %rem3A, %ne3A_58 : i32
    %and3A = arith.andi %ne3A, %ne3A_59 : i1
    %sub3A = arith.constant 1 : i32
    %sub3A_60 = arith.subi %div3A, %sub3A : i32
    %select_n3A_61 = arith.select %and3A, %sub3A_60, %div3A : i32
    %while3A = arith.constant 0 : i32
    %while3A_62 = arith.constant 0 : i32
    %while3A_63 = arith.subi %select_n3A_61, %while3A : i32
    %while3A_64 = arith.addi %while3A, %while3A_63 : i32
    %while3A_65 = arith.constant 1 : i32
    %while3A_66 = arith.divsi %while3A_63, %while3A_65 : i32
    %while3A_67 = arith.muli %while3A_66, %while3A_65 : i32
    %while3A_68 = arith.addi %while3A, %while3A_67 : i32
    %while3A_69 = arith.constant 1 : i32
    %while3A_70 = scf.for %while3A_78 = %while3A to %while3A_68 step %while3A_69 iter_args(%while3A_79 = %while3A_62) -> (i32)  : i32 {
      %mul3A_80 = arith.constant 4 : i32
      %mul3A_81 = arith.muli %while3A_78, %mul3A_80 : i32
      %dma_wait3A = arith.constant 0 : i32
      %dma_wait3A_82 = tpu.memref_slice %arg3[%dma_wait3A] : memref<327680xi32, #tpu.memory_space<hbm>> -> memref<64xi32, #tpu.memory_space<hbm>>
      %dma_wait3A_83 = arith.constant 0 : i32
      %dma_wait3A_84 = tpu.memref_slice %arg3[%dma_wait3A_83] : memref<327680xi32, #tpu.memory_space<hbm>> -> memref<64xi32, #tpu.memory_space<hbm>>
      tpu.wait_dma2 semaphore(%arg20 : memref<!tpu.dma_semaphore, #tpu.memory_space<semaphore_mem>>) src(%dma_wait3A_84 : memref<64xi32, #tpu.memory_space<hbm>>) dst(%arg7 : memref<64xi32, #tpu.memory_space<vmem>>)
      %dma_wait3A_85 = arith.constant 0 : i32
      %dma_wait3A_86 = tpu.memref_slice %arg4[%dma_wait3A_85] : memref<327680xi32, #tpu.memory_space<hbm>> -> memref<64xi32, #tpu.memory_space<hbm>>
      %dma_wait3A_87 = arith.constant 0 : i32
      %dma_wait3A_88 = tpu.memref_slice %arg4[%dma_wait3A_87] : memref<327680xi32, #tpu.memory_space<hbm>> -> memref<64xi32, #tpu.memory_space<hbm>>
      tpu.wait_dma2 semaphore(%arg20 : memref<!tpu.dma_semaphore, #tpu.memory_space<semaphore_mem>>) src(%dma_wait3A_88 : memref<64xi32, #tpu.memory_space<hbm>>) dst(%arg11 : memref<64xi32, #tpu.memory_space<vmem>>)
      %dma_start3A_89 = arith.constant 0 : i32
      %dma_start3A_90 = arith.constant 0 : i32
      %dma_start3A_91 = tpu.memref_slice %arg2[%dma_start3A_89, %dma_start3A_90] : memref<10240x128xf32, #tpu.memory_space<hbm>> -> memref<10240x128xf32, #tpu.memory_space<hbm>>
      tpu.enqueue_indirect_dma source(%dma_start3A_91 : memref<10240x128xf32, #tpu.memory_space<hbm>>) target(%arg15 : memref<64x128xf32, #tpu.memory_space<vmem>>) offsets(%arg7 : memref<64xi32, #tpu.memory_space<vmem>>) semaphore(%arg24 : memref<!tpu.dma_semaphore, #tpu.memory_space<semaphore_mem>>)
      %dma_wait3A_92 = arith.constant 0 : i32
      %dma_wait3A_93 = tpu.memref_slice %arg3[%dma_wait3A_92] : memref<327680xi32, #tpu.memory_space<hbm>> -> memref<64xi32, #tpu.memory_space<hbm>>
      %dma_wait3A_94 = arith.constant 0 : i32
      %dma_wait3A_95 = tpu.memref_slice %arg3[%dma_wait3A_94] : memref<327680xi32, #tpu.memory_space<hbm>> -> memref<64xi32, #tpu.memory_space<hbm>>
      tpu.wait_dma2 semaphore(%arg21 : memref<!tpu.dma_semaphore, #tpu.memory_space<semaphore_mem>>) src(%dma_wait3A_95 : memref<64xi32, #tpu.memory_space<hbm>>) dst(%arg8 : memref<64xi32, #tpu.memory_space<vmem>>)
      %dma_wait3A_96 = arith.constant 0 : i32
      %dma_wait3A_97 = tpu.memref_slice %arg4[%dma_wait3A_96] : memref<327680xi32, #tpu.memory_space<hbm>> -> memref<64xi32, #tpu.memory_space<hbm>>
      %dma_wait3A_98 = arith.constant 0 : i32
      %dma_wait3A_99 = tpu.memref_slice %arg4[%dma_wait3A_98] : memref<327680xi32, #tpu.memory_space<hbm>> -> memref<64xi32, #tpu.memory_space<hbm>>
      tpu.wait_dma2 semaphore(%arg21 : memref<!tpu.dma_semaphore, #tpu.memory_space<semaphore_mem>>) src(%dma_wait3A_99 : memref<64xi32, #tpu.memory_space<hbm>>) dst(%arg12 : memref<64xi32, #tpu.memory_space<vmem>>)
      %dma_start3A_100 = arith.constant 0 : i32
      %dma_start3A_101 = arith.constant 0 : i32
      %dma_start3A_102 = tpu.memref_slice %arg2[%dma_start3A_100, %dma_start3A_101] : memref<10240x128xf32, #tpu.memory_space<hbm>> -> memref<10240x128xf32, #tpu.memory_space<hbm>>
      tpu.enqueue_indirect_dma source(%dma_start3A_102 : memref<10240x128xf32, #tpu.memory_space<hbm>>) target(%arg16 : memref<64x128xf32, #tpu.memory_space<vmem>>) offsets(%arg8 : memref<64xi32, #tpu.memory_space<vmem>>) semaphore(%arg25 : memref<!tpu.dma_semaphore, #tpu.memory_space<semaphore_mem>>)
      %dma_wait3A_103 = arith.constant 0 : i32
      %dma_wait3A_104 = tpu.memref_slice %arg3[%dma_wait3A_103] : memref<327680xi32, #tpu.memory_space<hbm>> -> memref<64xi32, #tpu.memory_space<hbm>>
      %dma_wait3A_105 = arith.constant 0 : i32
      %dma_wait3A_106 = tpu.memref_slice %arg3[%dma_wait3A_105] : memref<327680xi32, #tpu.memory_space<hbm>> -> memref<64xi32, #tpu.memory_space<hbm>>
      tpu.wait_dma2 semaphore(%arg22 : memref<!tpu.dma_semaphore, #tpu.memory_space<semaphore_mem>>) src(%dma_wait3A_106 : memref<64xi32, #tpu.memory_space<hbm>>) dst(%arg9 : memref<64xi32, #tpu.memory_space<vmem>>)
      %dma_wait3A_107 = arith.constant 0 : i32
      %dma_wait3A_108 = tpu.memref_slice %arg4[%dma_wait3A_107] : memref<327680xi32, #tpu.memory_space<hbm>> -> memref<64xi32, #tpu.memory_space<hbm>>
      %dma_wait3A_109 = arith.constant 0 : i32
      %dma_wait3A_110 = tpu.memref_slice %arg4[%dma_wait3A_109] : memref<327680xi32, #tpu.memory_space<hbm>> -> memref<64xi32, #tpu.memory_space<hbm>>
      tpu.wait_dma2 semaphore(%arg22 : memref<!tpu.dma_semaphore, #tpu.memory_space<semaphore_mem>>) src(%dma_wait3A_110 : memref<64xi32, #tpu.memory_space<hbm>>) dst(%arg13 : memref<64xi32, #tpu.memory_space<vmem>>)
      %dma_start3A_111 = arith.constant 0 : i32
      %dma_start3A_112 = arith.constant 0 : i32
      %dma_start3A_113 = tpu.memref_slice %arg2[%dma_start3A_111, %dma_start3A_112] : memref<10240x128xf32, #tpu.memory_space<hbm>> -> memref<10240x128xf32, #tpu.memory_space<hbm>>
      tpu.enqueue_indirect_dma source(%dma_start3A_113 : memref<10240x128xf32, #tpu.memory_space<hbm>>) target(%arg17 : memref<64x128xf32, #tpu.memory_space<vmem>>) offsets(%arg9 : memref<64xi32, #tpu.memory_space<vmem>>) semaphore(%arg26 : memref<!tpu.dma_semaphore, #tpu.memory_space<semaphore_mem>>)
      %dma_wait3A_114 = arith.constant 0 : i32
      %dma_wait3A_115 = tpu.memref_slice %arg3[%dma_wait3A_114] : memref<327680xi32, #tpu.memory_space<hbm>> -> memref<64xi32, #tpu.memory_space<hbm>>
      %dma_wait3A_116 = arith.constant 0 : i32
      %dma_wait3A_117 = tpu.memref_slice %arg3[%dma_wait3A_116] : memref<327680xi32, #tpu.memory_space<hbm>> -> memref<64xi32, #tpu.memory_space<hbm>>
      tpu.wait_dma2 semaphore(%arg23 : memref<!tpu.dma_semaphore, #tpu.memory_space<semaphore_mem>>) src(%dma_wait3A_117 : memref<64xi32, #tpu.memory_space<hbm>>) dst(%arg10 : memref<64xi32, #tpu.memory_space<vmem>>)
      %dma_wait3A_118 = arith.constant 0 : i32
      %dma_wait3A_119 = tpu.memref_slice %arg4[%dma_wait3A_118] : memref<327680xi32, #tpu.memory_space<hbm>> -> memref<64xi32, #tpu.memory_space<hbm>>
      %dma_wait3A_120 = arith.constant 0 : i32
      %dma_wait3A_121 = tpu.memref_slice %arg4[%dma_wait3A_120] : memref<327680xi32, #tpu.memory_space<hbm>> -> memref<64xi32, #tpu.memory_space<hbm>>
      tpu.wait_dma2 semaphore(%arg23 : memref<!tpu.dma_semaphore, #tpu.memory_space<semaphore_mem>>) src(%dma_wait3A_121 : memref<64xi32, #tpu.memory_space<hbm>>) dst(%arg14 : memref<64xi32, #tpu.memory_space<vmem>>)
      %dma_start3A_122 = arith.constant 0 : i32
      %dma_start3A_123 = arith.constant 0 : i32
      %dma_start3A_124 = tpu.memref_slice %arg2[%dma_start3A_122, %dma_start3A_123] : memref<10240x128xf32, #tpu.memory_space<hbm>> -> memref<10240x128xf32, #tpu.memory_space<hbm>>
      tpu.enqueue_indirect_dma source(%dma_start3A_124 : memref<10240x128xf32, #tpu.memory_space<hbm>>) target(%arg18 : memref<64x128xf32, #tpu.memory_space<vmem>>) offsets(%arg10 : memref<64xi32, #tpu.memory_space<vmem>>) semaphore(%arg27 : memref<!tpu.dma_semaphore, #tpu.memory_space<semaphore_mem>>)
      %dma_wait3A_125 = arith.constant 0 : i32
      %dma_wait3A_126 = arith.constant 0 : i32
      %dma_wait3A_127 = tpu.memref_slice %arg2[%dma_wait3A_125, %dma_wait3A_126] : memref<10240x128xf32, #tpu.memory_space<hbm>> -> memref<10240x128xf32, #tpu.memory_space<hbm>>
      tpu.wait_indirect_dma semaphore(%arg24 : memref<!tpu.dma_semaphore, #tpu.memory_space<semaphore_mem>>) src(%dma_wait3A_127 : memref<10240x128xf32, #tpu.memory_space<hbm>>) dst(%arg15 : memref<64x128xf32, #tpu.memory_space<vmem>>)
      %dma_start3A_128 = arith.constant 0 : i32
      %dma_start3A_129 = arith.constant 0 : i32
      %dma_start3A_130 = tpu.memref_slice %arg19[%dma_start3A_128, %dma_start3A_129] : memref<10240x128xf32, #tpu.memory_space<vmem_shared>> -> memref<10240x128xf32, #tpu.memory_space<vmem_shared>>
      tpu.enqueue_indirect_dma source(%arg15 : memref<64x128xf32, #tpu.memory_space<vmem>>) target(%dma_start3A_130 : memref<10240x128xf32, #tpu.memory_space<vmem_shared>>) offsets(%arg11 : memref<64xi32, #tpu.memory_space<vmem>>) semaphore(%arg28 : memref<!tpu.dma_semaphore, #tpu.memory_space<semaphore_mem>>) {add = true}
      %dma_wait3A_131 = arith.constant 0 : i32
      %dma_wait3A_132 = arith.constant 0 : i32
      %dma_wait3A_133 = tpu.memref_slice %arg2[%dma_wait3A_131, %dma_wait3A_132] : memref<10240x128xf32, #tpu.memory_space<hbm>> -> memref<10240x128xf32, #tpu.memory_space<hbm>>
      tpu.wait_indirect_dma semaphore(%arg25 : memref<!tpu.dma_semaphore, #tpu.memory_space<semaphore_mem>>) src(%dma_wait3A_133 : memref<10240x128xf32, #tpu.memory_space<hbm>>) dst(%arg16 : memref<64x128xf32, #tpu.memory_space<vmem>>)
      %dma_start3A_134 = arith.constant 0 : i32
      %dma_start3A_135 = arith.constant 0 : i32
      %dma_start3A_136 = tpu.memref_slice %arg19[%dma_start3A_134, %dma_start3A_135] : memref<10240x128xf32, #tpu.memory_space<vmem_shared>> -> memref<10240x128xf32, #tpu.memory_space<vmem_shared>>
      tpu.enqueue_indirect_dma source(%arg16 : memref<64x128xf32, #tpu.memory_space<vmem>>) target(%dma_start3A_136 : memref<10240x128xf32, #tpu.memory_space<vmem_shared>>) offsets(%arg12 : memref<64xi32, #tpu.memory_space<vmem>>) semaphore(%arg29 : memref<!tpu.dma_semaphore, #tpu.memory_space<semaphore_mem>>) {add = true}
      %dma_wait3A_137 = arith.constant 0 : i32
      %dma_wait3A_138 = arith.constant 0 : i32
      %dma_wait3A_139 = tpu.memref_slice %arg2[%dma_wait3A_137, %dma_wait3A_138] : memref<10240x128xf32, #tpu.memory_space<hbm>> -> memref<10240x128xf32, #tpu.memory_space<hbm>>
      tpu.wait_indirect_dma semaphore(%arg26 : memref<!tpu.dma_semaphore, #tpu.memory_space<semaphore_mem>>) src(%dma_wait3A_139 : memref<10240x128xf32, #tpu.memory_space<hbm>>) dst(%arg17 : memref<64x128xf32, #tpu.memory_space<vmem>>)
      %dma_start3A_140 = arith.constant 0 : i32
      %dma_start3A_141 = arith.constant 0 : i32
      %dma_start3A_142 = tpu.memref_slice %arg19[%dma_start3A_140, %dma_start3A_141] : memref<10240x128xf32, #tpu.memory_space<vmem_shared>> -> memref<10240x128xf32, #tpu.memory_space<vmem_shared>>
      tpu.enqueue_indirect_dma source(%arg17 : memref<64x128xf32, #tpu.memory_space<vmem>>) target(%dma_start3A_142 : memref<10240x128xf32, #tpu.memory_space<vmem_shared>>) offsets(%arg13 : memref<64xi32, #tpu.memory_space<vmem>>) semaphore(%arg30 : memref<!tpu.dma_semaphore, #tpu.memory_space<semaphore_mem>>) {add = true}
      %dma_wait3A_143 = arith.constant 0 : i32
      %dma_wait3A_144 = arith.constant 0 : i32
      %dma_wait3A_145 = tpu.memref_slice %arg2[%dma_wait3A_143, %dma_wait3A_144] : memref<10240x128xf32, #tpu.memory_space<hbm>> -> memref<10240x128xf32, #tpu.memory_space<hbm>>
      tpu.wait_indirect_dma semaphore(%arg27 : memref<!tpu.dma_semaphore, #tpu.memory_space<semaphore_mem>>) src(%dma_wait3A_145 : memref<10240x128xf32, #tpu.memory_space<hbm>>) dst(%arg18 : memref<64x128xf32, #tpu.memory_space<vmem>>)
      %dma_start3A_146 = arith.constant 0 : i32
      %dma_start3A_147 = arith.constant 0 : i32
      %dma_start3A_148 = tpu.memref_slice %arg19[%dma_start3A_146, %dma_start3A_147] : memref<10240x128xf32, #tpu.memory_space<vmem_shared>> -> memref<10240x128xf32, #tpu.memory_space<vmem_shared>>
      tpu.enqueue_indirect_dma source(%arg18 : memref<64x128xf32, #tpu.memory_space<vmem>>) target(%dma_start3A_148 : memref<10240x128xf32, #tpu.memory_space<vmem_shared>>) offsets(%arg14 : memref<64xi32, #tpu.memory_space<vmem>>) semaphore(%arg31 : memref<!tpu.dma_semaphore, #tpu.memory_space<semaphore_mem>>) {add = true}
      %dma_wait3A_149 = arith.constant 0 : i32
      %dma_wait3A_150 = arith.constant 0 : i32
      %dma_wait3A_151 = tpu.memref_slice %arg19[%dma_wait3A_149, %dma_wait3A_150] : memref<10240x128xf32, #tpu.memory_space<vmem_shared>> -> memref<10240x128xf32, #tpu.memory_space<vmem_shared>>
      tpu.wait_indirect_dma semaphore(%arg28 : memref<!tpu.dma_semaphore, #tpu.memory_space<semaphore_mem>>) src(%arg15 : memref<64x128xf32, #tpu.memory_space<vmem>>) dst(%dma_wait3A_151 : memref<10240x128xf32, #tpu.memory_space<vmem_shared>>)
      %add3A_152 = arith.constant 4 : i32
      %add3A_153 = arith.addi %mul3A_81, %add3A_152 : i32
      %add3A_154 = arith.constant 0 : i32
      %add3A_155 = arith.addi %add3A_153, %add3A_154 : i32
      %lt3A = arith.cmpi slt, %add3A_155, %select_n3A_8 : i32
      %convert_element_type3A = arith.extui %lt3A : i1 to i32
      %cond3A = arith.constant 0 : i32
      %cond3A_156 = arith.cmpi ne, %convert_element_type3A, %cond3A : i32
      scf.if %cond3A_156 {
        %add3A_191 = arith.addi %select_n3A, %add3A_155 : i32
        %mul3A_192 = arith.constant 64 : i32
        %mul3A_193 = arith.muli %add3A_191, %mul3A_192 : i32
        %dma_start3A_194 = tpu.memref_slice %arg3[%mul3A_193] : memref<327680xi32, #tpu.memory_space<hbm>> -> memref<64xi32, #tpu.memory_space<hbm>>
        %dma_start3A_195 = tpu.memref_slice %arg3[%mul3A_193] : memref<327680xi32, #tpu.memory_space<hbm>> -> memref<64xi32, #tpu.memory_space<hbm>>
        tpu.enqueue_dma source(%dma_start3A_195 : memref<64xi32, #tpu.memory_space<hbm>>) target(%arg7 : memref<64xi32, #tpu.memory_space<vmem>>) target_semaphore(%arg20 : memref<!tpu.dma_semaphore, #tpu.memory_space<semaphore_mem>>)
        %dma_start3A_196 = tpu.memref_slice %arg4[%mul3A_193] : memref<327680xi32, #tpu.memory_space<hbm>> -> memref<64xi32, #tpu.memory_space<hbm>>
        %dma_start3A_197 = tpu.memref_slice %arg4[%mul3A_193] : memref<327680xi32, #tpu.memory_space<hbm>> -> memref<64xi32, #tpu.memory_space<hbm>>
        tpu.enqueue_dma source(%dma_start3A_197 : memref<64xi32, #tpu.memory_space<hbm>>) target(%arg11 : memref<64xi32, #tpu.memory_space<vmem>>) target_semaphore(%arg20 : memref<!tpu.dma_semaphore, #tpu.memory_space<semaphore_mem>>)
      } else {
      }
      %dma_wait3A_157 = arith.constant 0 : i32
      %dma_wait3A_158 = arith.constant 0 : i32
      %dma_wait3A_159 = tpu.memref_slice %arg19[%dma_wait3A_157, %dma_wait3A_158] : memref<10240x128xf32, #tpu.memory_space<vmem_shared>> -> memref<10240x128xf32, #tpu.memory_space<vmem_shared>>
      tpu.wait_indirect_dma semaphore(%arg29 : memref<!tpu.dma_semaphore, #tpu.memory_space<semaphore_mem>>) src(%arg16 : memref<64x128xf32, #tpu.memory_space<vmem>>) dst(%dma_wait3A_159 : memref<10240x128xf32, #tpu.memory_space<vmem_shared>>)
      %add3A_160 = arith.constant 4 : i32
      %add3A_161 = arith.addi %mul3A_81, %add3A_160 : i32
      %add3A_162 = arith.constant 1 : i32
      %add3A_163 = arith.addi %add3A_161, %add3A_162 : i32
      %lt3A_164 = arith.cmpi slt, %add3A_163, %select_n3A_8 : i32
      %convert_element_type3A_165 = arith.extui %lt3A_164 : i1 to i32
      %cond3A_166 = arith.constant 0 : i32
      %cond3A_167 = arith.cmpi ne, %convert_element_type3A_165, %cond3A_166 : i32
      scf.if %cond3A_167 {
        %add3A_191 = arith.addi %select_n3A, %add3A_163 : i32
        %mul3A_192 = arith.constant 64 : i32
        %mul3A_193 = arith.muli %add3A_191, %mul3A_192 : i32
        %dma_start3A_194 = tpu.memref_slice %arg3[%mul3A_193] : memref<327680xi32, #tpu.memory_space<hbm>> -> memref<64xi32, #tpu.memory_space<hbm>>
        %dma_start3A_195 = tpu.memref_slice %arg3[%mul3A_193] : memref<327680xi32, #tpu.memory_space<hbm>> -> memref<64xi32, #tpu.memory_space<hbm>>
        tpu.enqueue_dma source(%dma_start3A_195 : memref<64xi32, #tpu.memory_space<hbm>>) target(%arg8 : memref<64xi32, #tpu.memory_space<vmem>>) target_semaphore(%arg21 : memref<!tpu.dma_semaphore, #tpu.memory_space<semaphore_mem>>)
        %dma_start3A_196 = tpu.memref_slice %arg4[%mul3A_193] : memref<327680xi32, #tpu.memory_space<hbm>> -> memref<64xi32, #tpu.memory_space<hbm>>
        %dma_start3A_197 = tpu.memref_slice %arg4[%mul3A_193] : memref<327680xi32, #tpu.memory_space<hbm>> -> memref<64xi32, #tpu.memory_space<hbm>>
        tpu.enqueue_dma source(%dma_start3A_197 : memref<64xi32, #tpu.memory_space<hbm>>) target(%arg12 : memref<64xi32, #tpu.memory_space<vmem>>) target_semaphore(%arg21 : memref<!tpu.dma_semaphore, #tpu.memory_space<semaphore_mem>>)
      } else {
      }
      %dma_wait3A_168 = arith.constant 0 : i32
      %dma_wait3A_169 = arith.constant 0 : i32
      %dma_wait3A_170 = tpu.memref_slice %arg19[%dma_wait3A_168, %dma_wait3A_169] : memref<10240x128xf32, #tpu.memory_space<vmem_shared>> -> memref<10240x128xf32, #tpu.memory_space<vmem_shared>>
      tpu.wait_indirect_dma semaphore(%arg30 : memref<!tpu.dma_semaphore, #tpu.memory_space<semaphore_mem>>) src(%arg17 : memref<64x128xf32, #tpu.memory_space<vmem>>) dst(%dma_wait3A_170 : memref<10240x128xf32, #tpu.memory_space<vmem_shared>>)
      %add3A_171 = arith.constant 4 : i32
      %add3A_172 = arith.addi %mul3A_81, %add3A_171 : i32
      %add3A_173 = arith.constant 2 : i32
      %add3A_174 = arith.addi %add3A_172, %add3A_173 : i32
      %lt3A_175 = arith.cmpi slt, %add3A_174, %select_n3A_8 : i32
      %convert_element_type3A_176 = arith.extui %lt3A_175 : i1 to i32
      %cond3A_177 = arith.constant 0 : i32
      %cond3A_178 = arith.cmpi ne, %convert_element_type3A_176, %cond3A_177 : i32
      scf.if %cond3A_178 {
        %add3A_191 = arith.addi %select_n3A, %add3A_174 : i32
        %mul3A_192 = arith.constant 64 : i32
        %mul3A_193 = arith.muli %add3A_191, %mul3A_192 : i32
        %dma_start3A_194 = tpu.memref_slice %arg3[%mul3A_193] : memref<327680xi32, #tpu.memory_space<hbm>> -> memref<64xi32, #tpu.memory_space<hbm>>
        %dma_start3A_195 = tpu.memref_slice %arg3[%mul3A_193] : memref<327680xi32, #tpu.memory_space<hbm>> -> memref<64xi32, #tpu.memory_space<hbm>>
        tpu.enqueue_dma source(%dma_start3A_195 : memref<64xi32, #tpu.memory_space<hbm>>) target(%arg9 : memref<64xi32, #tpu.memory_space<vmem>>) target_semaphore(%arg22 : memref<!tpu.dma_semaphore, #tpu.memory_space<semaphore_mem>>)
        %dma_start3A_196 = tpu.memref_slice %arg4[%mul3A_193] : memref<327680xi32, #tpu.memory_space<hbm>> -> memref<64xi32, #tpu.memory_space<hbm>>
        %dma_start3A_197 = tpu.memref_slice %arg4[%mul3A_193] : memref<327680xi32, #tpu.memory_space<hbm>> -> memref<64xi32, #tpu.memory_space<hbm>>
        tpu.enqueue_dma source(%dma_start3A_197 : memref<64xi32, #tpu.memory_space<hbm>>) target(%arg13 : memref<64xi32, #tpu.memory_space<vmem>>) target_semaphore(%arg22 : memref<!tpu.dma_semaphore, #tpu.memory_space<semaphore_mem>>)
      } else {
      }
      %dma_wait3A_179 = arith.constant 0 : i32
      %dma_wait3A_180 = arith.constant 0 : i32
      %dma_wait3A_181 = tpu.memref_slice %arg19[%dma_wait3A_179, %dma_wait3A_180] : memref<10240x128xf32, #tpu.memory_space<vmem_shared>> -> memref<10240x128xf32, #tpu.memory_space<vmem_shared>>
      tpu.wait_indirect_dma semaphore(%arg31 : memref<!tpu.dma_semaphore, #tpu.memory_space<semaphore_mem>>) src(%arg18 : memref<64x128xf32, #tpu.memory_space<vmem>>) dst(%dma_wait3A_181 : memref<10240x128xf32, #tpu.memory_space<vmem_shared>>)
      %add3A_182 = arith.constant 4 : i32
      %add3A_183 = arith.addi %mul3A_81, %add3A_182 : i32
      %add3A_184 = arith.constant 3 : i32
      %add3A_185 = arith.addi %add3A_183, %add3A_184 : i32
      %lt3A_186 = arith.cmpi slt, %add3A_185, %select_n3A_8 : i32
      %convert_element_type3A_187 = arith.extui %lt3A_186 : i1 to i32
      %cond3A_188 = arith.constant 0 : i32
      %cond3A_189 = arith.cmpi ne, %convert_element_type3A_187, %cond3A_188 : i32
      scf.if %cond3A_189 {
        %add3A_191 = arith.addi %select_n3A, %add3A_185 : i32
        %mul3A_192 = arith.constant 64 : i32
        %mul3A_193 = arith.muli %add3A_191, %mul3A_192 : i32
        %dma_start3A_194 = tpu.memref_slice %arg3[%mul3A_193] : memref<327680xi32, #tpu.memory_space<hbm>> -> memref<64xi32, #tpu.memory_space<hbm>>
        %dma_start3A_195 = tpu.memref_slice %arg3[%mul3A_193] : memref<327680xi32, #tpu.memory_space<hbm>> -> memref<64xi32, #tpu.memory_space<hbm>>
        tpu.enqueue_dma source(%dma_start3A_195 : memref<64xi32, #tpu.memory_space<hbm>>) target(%arg10 : memref<64xi32, #tpu.memory_space<vmem>>) target_semaphore(%arg23 : memref<!tpu.dma_semaphore, #tpu.memory_space<semaphore_mem>>)
        %dma_start3A_196 = tpu.memref_slice %arg4[%mul3A_193] : memref<327680xi32, #tpu.memory_space<hbm>> -> memref<64xi32, #tpu.memory_space<hbm>>
        %dma_start3A_197 = tpu.memref_slice %arg4[%mul3A_193] : memref<327680xi32, #tpu.memory_space<hbm>> -> memref<64xi32, #tpu.memory_space<hbm>>
        tpu.enqueue_dma source(%dma_start3A_197 : memref<64xi32, #tpu.memory_space<hbm>>) target(%arg14 : memref<64xi32, #tpu.memory_space<vmem>>) target_semaphore(%arg23 : memref<!tpu.dma_semaphore, #tpu.memory_space<semaphore_mem>>)
      } else {
      }
      %while3A_190 = arith.constant 0 : i32
      scf.yield %while3A_190 : i32
    }
    %while3A_71 = arith.constant 1 : i32
    %while3A_72 = scf.for %while3A_78 = %while3A_68 to %while3A_64 step %while3A_71 iter_args(%while3A_79 = %while3A_70) -> (i32)  : i32 {
      %mul3A_80 = arith.constant 4 : i32
      %mul3A_81 = arith.muli %while3A_78, %mul3A_80 : i32
      %dma_wait3A = arith.constant 0 : i32
      %dma_wait3A_82 = tpu.memref_slice %arg3[%dma_wait3A] : memref<327680xi32, #tpu.memory_space<hbm>> -> memref<64xi32, #tpu.memory_space<hbm>>
      %dma_wait3A_83 = arith.constant 0 : i32
      %dma_wait3A_84 = tpu.memref_slice %arg3[%dma_wait3A_83] : memref<327680xi32, #tpu.memory_space<hbm>> -> memref<64xi32, #tpu.memory_space<hbm>>
      tpu.wait_dma2 semaphore(%arg20 : memref<!tpu.dma_semaphore, #tpu.memory_space<semaphore_mem>>) src(%dma_wait3A_84 : memref<64xi32, #tpu.memory_space<hbm>>) dst(%arg7 : memref<64xi32, #tpu.memory_space<vmem>>)
      %dma_wait3A_85 = arith.constant 0 : i32
      %dma_wait3A_86 = tpu.memref_slice %arg4[%dma_wait3A_85] : memref<327680xi32, #tpu.memory_space<hbm>> -> memref<64xi32, #tpu.memory_space<hbm>>
      %dma_wait3A_87 = arith.constant 0 : i32
      %dma_wait3A_88 = tpu.memref_slice %arg4[%dma_wait3A_87] : memref<327680xi32, #tpu.memory_space<hbm>> -> memref<64xi32, #tpu.memory_space<hbm>>
      tpu.wait_dma2 semaphore(%arg20 : memref<!tpu.dma_semaphore, #tpu.memory_space<semaphore_mem>>) src(%dma_wait3A_88 : memref<64xi32, #tpu.memory_space<hbm>>) dst(%arg11 : memref<64xi32, #tpu.memory_space<vmem>>)
      %dma_start3A_89 = arith.constant 0 : i32
      %dma_start3A_90 = arith.constant 0 : i32
      %dma_start3A_91 = tpu.memref_slice %arg2[%dma_start3A_89, %dma_start3A_90] : memref<10240x128xf32, #tpu.memory_space<hbm>> -> memref<10240x128xf32, #tpu.memory_space<hbm>>
      tpu.enqueue_indirect_dma source(%dma_start3A_91 : memref<10240x128xf32, #tpu.memory_space<hbm>>) target(%arg15 : memref<64x128xf32, #tpu.memory_space<vmem>>) offsets(%arg7 : memref<64xi32, #tpu.memory_space<vmem>>) semaphore(%arg24 : memref<!tpu.dma_semaphore, #tpu.memory_space<semaphore_mem>>)
      %dma_wait3A_92 = arith.constant 0 : i32
      %dma_wait3A_93 = tpu.memref_slice %arg3[%dma_wait3A_92] : memref<327680xi32, #tpu.memory_space<hbm>> -> memref<64xi32, #tpu.memory_space<hbm>>
      %dma_wait3A_94 = arith.constant 0 : i32
      %dma_wait3A_95 = tpu.memref_slice %arg3[%dma_wait3A_94] : memref<327680xi32, #tpu.memory_space<hbm>> -> memref<64xi32, #tpu.memory_space<hbm>>
      tpu.wait_dma2 semaphore(%arg21 : memref<!tpu.dma_semaphore, #tpu.memory_space<semaphore_mem>>) src(%dma_wait3A_95 : memref<64xi32, #tpu.memory_space<hbm>>) dst(%arg8 : memref<64xi32, #tpu.memory_space<vmem>>)
      %dma_wait3A_96 = arith.constant 0 : i32
      %dma_wait3A_97 = tpu.memref_slice %arg4[%dma_wait3A_96] : memref<327680xi32, #tpu.memory_space<hbm>> -> memref<64xi32, #tpu.memory_space<hbm>>
      %dma_wait3A_98 = arith.constant 0 : i32
      %dma_wait3A_99 = tpu.memref_slice %arg4[%dma_wait3A_98] : memref<327680xi32, #tpu.memory_space<hbm>> -> memref<64xi32, #tpu.memory_space<hbm>>
      tpu.wait_dma2 semaphore(%arg21 : memref<!tpu.dma_semaphore, #tpu.memory_space<semaphore_mem>>) src(%dma_wait3A_99 : memref<64xi32, #tpu.memory_space<hbm>>) dst(%arg12 : memref<64xi32, #tpu.memory_space<vmem>>)
      %dma_start3A_100 = arith.constant 0 : i32
      %dma_start3A_101 = arith.constant 0 : i32
      %dma_start3A_102 = tpu.memref_slice %arg2[%dma_start3A_100, %dma_start3A_101] : memref<10240x128xf32, #tpu.memory_space<hbm>> -> memref<10240x128xf32, #tpu.memory_space<hbm>>
      tpu.enqueue_indirect_dma source(%dma_start3A_102 : memref<10240x128xf32, #tpu.memory_space<hbm>>) target(%arg16 : memref<64x128xf32, #tpu.memory_space<vmem>>) offsets(%arg8 : memref<64xi32, #tpu.memory_space<vmem>>) semaphore(%arg25 : memref<!tpu.dma_semaphore, #tpu.memory_space<semaphore_mem>>)
      %dma_wait3A_103 = arith.constant 0 : i32
      %dma_wait3A_104 = tpu.memref_slice %arg3[%dma_wait3A_103] : memref<327680xi32, #tpu.memory_space<hbm>> -> memref<64xi32, #tpu.memory_space<hbm>>
      %dma_wait3A_105 = arith.constant 0 : i32
      %dma_wait3A_106 = tpu.memref_slice %arg3[%dma_wait3A_105] : memref<327680xi32, #tpu.memory_space<hbm>> -> memref<64xi32, #tpu.memory_space<hbm>>
      tpu.wait_dma2 semaphore(%arg22 : memref<!tpu.dma_semaphore, #tpu.memory_space<semaphore_mem>>) src(%dma_wait3A_106 : memref<64xi32, #tpu.memory_space<hbm>>) dst(%arg9 : memref<64xi32, #tpu.memory_space<vmem>>)
      %dma_wait3A_107 = arith.constant 0 : i32
      %dma_wait3A_108 = tpu.memref_slice %arg4[%dma_wait3A_107] : memref<327680xi32, #tpu.memory_space<hbm>> -> memref<64xi32, #tpu.memory_space<hbm>>
      %dma_wait3A_109 = arith.constant 0 : i32
      %dma_wait3A_110 = tpu.memref_slice %arg4[%dma_wait3A_109] : memref<327680xi32, #tpu.memory_space<hbm>> -> memref<64xi32, #tpu.memory_space<hbm>>
      tpu.wait_dma2 semaphore(%arg22 : memref<!tpu.dma_semaphore, #tpu.memory_space<semaphore_mem>>) src(%dma_wait3A_110 : memref<64xi32, #tpu.memory_space<hbm>>) dst(%arg13 : memref<64xi32, #tpu.memory_space<vmem>>)
      %dma_start3A_111 = arith.constant 0 : i32
      %dma_start3A_112 = arith.constant 0 : i32
      %dma_start3A_113 = tpu.memref_slice %arg2[%dma_start3A_111, %dma_start3A_112] : memref<10240x128xf32, #tpu.memory_space<hbm>> -> memref<10240x128xf32, #tpu.memory_space<hbm>>
      tpu.enqueue_indirect_dma source(%dma_start3A_113 : memref<10240x128xf32, #tpu.memory_space<hbm>>) target(%arg17 : memref<64x128xf32, #tpu.memory_space<vmem>>) offsets(%arg9 : memref<64xi32, #tpu.memory_space<vmem>>) semaphore(%arg26 : memref<!tpu.dma_semaphore, #tpu.memory_space<semaphore_mem>>)
      %dma_wait3A_114 = arith.constant 0 : i32
      %dma_wait3A_115 = tpu.memref_slice %arg3[%dma_wait3A_114] : memref<327680xi32, #tpu.memory_space<hbm>> -> memref<64xi32, #tpu.memory_space<hbm>>
      %dma_wait3A_116 = arith.constant 0 : i32
      %dma_wait3A_117 = tpu.memref_slice %arg3[%dma_wait3A_116] : memref<327680xi32, #tpu.memory_space<hbm>> -> memref<64xi32, #tpu.memory_space<hbm>>
      tpu.wait_dma2 semaphore(%arg23 : memref<!tpu.dma_semaphore, #tpu.memory_space<semaphore_mem>>) src(%dma_wait3A_117 : memref<64xi32, #tpu.memory_space<hbm>>) dst(%arg10 : memref<64xi32, #tpu.memory_space<vmem>>)
      %dma_wait3A_118 = arith.constant 0 : i32
      %dma_wait3A_119 = tpu.memref_slice %arg4[%dma_wait3A_118] : memref<327680xi32, #tpu.memory_space<hbm>> -> memref<64xi32, #tpu.memory_space<hbm>>
      %dma_wait3A_120 = arith.constant 0 : i32
      %dma_wait3A_121 = tpu.memref_slice %arg4[%dma_wait3A_120] : memref<327680xi32, #tpu.memory_space<hbm>> -> memref<64xi32, #tpu.memory_space<hbm>>
      tpu.wait_dma2 semaphore(%arg23 : memref<!tpu.dma_semaphore, #tpu.memory_space<semaphore_mem>>) src(%dma_wait3A_121 : memref<64xi32, #tpu.memory_space<hbm>>) dst(%arg14 : memref<64xi32, #tpu.memory_space<vmem>>)
      %dma_start3A_122 = arith.constant 0 : i32
      %dma_start3A_123 = arith.constant 0 : i32
      %dma_start3A_124 = tpu.memref_slice %arg2[%dma_start3A_122, %dma_start3A_123] : memref<10240x128xf32, #tpu.memory_space<hbm>> -> memref<10240x128xf32, #tpu.memory_space<hbm>>
      tpu.enqueue_indirect_dma source(%dma_start3A_124 : memref<10240x128xf32, #tpu.memory_space<hbm>>) target(%arg18 : memref<64x128xf32, #tpu.memory_space<vmem>>) offsets(%arg10 : memref<64xi32, #tpu.memory_space<vmem>>) semaphore(%arg27 : memref<!tpu.dma_semaphore, #tpu.memory_space<semaphore_mem>>)
      %dma_wait3A_125 = arith.constant 0 : i32
      %dma_wait3A_126 = arith.constant 0 : i32
      %dma_wait3A_127 = tpu.memref_slice %arg2[%dma_wait3A_125, %dma_wait3A_126] : memref<10240x128xf32, #tpu.memory_space<hbm>> -> memref<10240x128xf32, #tpu.memory_space<hbm>>
      tpu.wait_indirect_dma semaphore(%arg24 : memref<!tpu.dma_semaphore, #tpu.memory_space<semaphore_mem>>) src(%dma_wait3A_127 : memref<10240x128xf32, #tpu.memory_space<hbm>>) dst(%arg15 : memref<64x128xf32, #tpu.memory_space<vmem>>)
      %dma_start3A_128 = arith.constant 0 : i32
      %dma_start3A_129 = arith.constant 0 : i32
      %dma_start3A_130 = tpu.memref_slice %arg19[%dma_start3A_128, %dma_start3A_129] : memref<10240x128xf32, #tpu.memory_space<vmem_shared>> -> memref<10240x128xf32, #tpu.memory_space<vmem_shared>>
      tpu.enqueue_indirect_dma source(%arg15 : memref<64x128xf32, #tpu.memory_space<vmem>>) target(%dma_start3A_130 : memref<10240x128xf32, #tpu.memory_space<vmem_shared>>) offsets(%arg11 : memref<64xi32, #tpu.memory_space<vmem>>) semaphore(%arg28 : memref<!tpu.dma_semaphore, #tpu.memory_space<semaphore_mem>>) {add = true}
      %dma_wait3A_131 = arith.constant 0 : i32
      %dma_wait3A_132 = arith.constant 0 : i32
      %dma_wait3A_133 = tpu.memref_slice %arg2[%dma_wait3A_131, %dma_wait3A_132] : memref<10240x128xf32, #tpu.memory_space<hbm>> -> memref<10240x128xf32, #tpu.memory_space<hbm>>
      tpu.wait_indirect_dma semaphore(%arg25 : memref<!tpu.dma_semaphore, #tpu.memory_space<semaphore_mem>>) src(%dma_wait3A_133 : memref<10240x128xf32, #tpu.memory_space<hbm>>) dst(%arg16 : memref<64x128xf32, #tpu.memory_space<vmem>>)
      %dma_start3A_134 = arith.constant 0 : i32
      %dma_start3A_135 = arith.constant 0 : i32
      %dma_start3A_136 = tpu.memref_slice %arg19[%dma_start3A_134, %dma_start3A_135] : memref<10240x128xf32, #tpu.memory_space<vmem_shared>> -> memref<10240x128xf32, #tpu.memory_space<vmem_shared>>
      tpu.enqueue_indirect_dma source(%arg16 : memref<64x128xf32, #tpu.memory_space<vmem>>) target(%dma_start3A_136 : memref<10240x128xf32, #tpu.memory_space<vmem_shared>>) offsets(%arg12 : memref<64xi32, #tpu.memory_space<vmem>>) semaphore(%arg29 : memref<!tpu.dma_semaphore, #tpu.memory_space<semaphore_mem>>) {add = true}
      %dma_wait3A_137 = arith.constant 0 : i32
      %dma_wait3A_138 = arith.constant 0 : i32
      %dma_wait3A_139 = tpu.memref_slice %arg2[%dma_wait3A_137, %dma_wait3A_138] : memref<10240x128xf32, #tpu.memory_space<hbm>> -> memref<10240x128xf32, #tpu.memory_space<hbm>>
      tpu.wait_indirect_dma semaphore(%arg26 : memref<!tpu.dma_semaphore, #tpu.memory_space<semaphore_mem>>) src(%dma_wait3A_139 : memref<10240x128xf32, #tpu.memory_space<hbm>>) dst(%arg17 : memref<64x128xf32, #tpu.memory_space<vmem>>)
      %dma_start3A_140 = arith.constant 0 : i32
      %dma_start3A_141 = arith.constant 0 : i32
      %dma_start3A_142 = tpu.memref_slice %arg19[%dma_start3A_140, %dma_start3A_141] : memref<10240x128xf32, #tpu.memory_space<vmem_shared>> -> memref<10240x128xf32, #tpu.memory_space<vmem_shared>>
      tpu.enqueue_indirect_dma source(%arg17 : memref<64x128xf32, #tpu.memory_space<vmem>>) target(%dma_start3A_142 : memref<10240x128xf32, #tpu.memory_space<vmem_shared>>) offsets(%arg13 : memref<64xi32, #tpu.memory_space<vmem>>) semaphore(%arg30 : memref<!tpu.dma_semaphore, #tpu.memory_space<semaphore_mem>>) {add = true}
      %dma_wait3A_143 = arith.constant 0 : i32
      %dma_wait3A_144 = arith.constant 0 : i32
      %dma_wait3A_145 = tpu.memref_slice %arg2[%dma_wait3A_143, %dma_wait3A_144] : memref<10240x128xf32, #tpu.memory_space<hbm>> -> memref<10240x128xf32, #tpu.memory_space<hbm>>
      tpu.wait_indirect_dma semaphore(%arg27 : memref<!tpu.dma_semaphore, #tpu.memory_space<semaphore_mem>>) src(%dma_wait3A_145 : memref<10240x128xf32, #tpu.memory_space<hbm>>) dst(%arg18 : memref<64x128xf32, #tpu.memory_space<vmem>>)
      %dma_start3A_146 = arith.constant 0 : i32
      %dma_start3A_147 = arith.constant 0 : i32
      %dma_start3A_148 = tpu.memref_slice %arg19[%dma_start3A_146, %dma_start3A_147] : memref<10240x128xf32, #tpu.memory_space<vmem_shared>> -> memref<10240x128xf32, #tpu.memory_space<vmem_shared>>
      tpu.enqueue_indirect_dma source(%arg18 : memref<64x128xf32, #tpu.memory_space<vmem>>) target(%dma_start3A_148 : memref<10240x128xf32, #tpu.memory_space<vmem_shared>>) offsets(%arg14 : memref<64xi32, #tpu.memory_space<vmem>>) semaphore(%arg31 : memref<!tpu.dma_semaphore, #tpu.memory_space<semaphore_mem>>) {add = true}
      %dma_wait3A_149 = arith.constant 0 : i32
      %dma_wait3A_150 = arith.constant 0 : i32
      %dma_wait3A_151 = tpu.memref_slice %arg19[%dma_wait3A_149, %dma_wait3A_150] : memref<10240x128xf32, #tpu.memory_space<vmem_shared>> -> memref<10240x128xf32, #tpu.memory_space<vmem_shared>>
      tpu.wait_indirect_dma semaphore(%arg28 : memref<!tpu.dma_semaphore, #tpu.memory_space<semaphore_mem>>) src(%arg15 : memref<64x128xf32, #tpu.memory_space<vmem>>) dst(%dma_wait3A_151 : memref<10240x128xf32, #tpu.memory_space<vmem_shared>>)
      %add3A_152 = arith.constant 4 : i32
      %add3A_153 = arith.addi %mul3A_81, %add3A_152 : i32
      %add3A_154 = arith.constant 0 : i32
      %add3A_155 = arith.addi %add3A_153, %add3A_154 : i32
      %lt3A = arith.cmpi slt, %add3A_155, %select_n3A_8 : i32
      %convert_element_type3A = arith.extui %lt3A : i1 to i32
      %cond3A = arith.constant 0 : i32
      %cond3A_156 = arith.cmpi ne, %convert_element_type3A, %cond3A : i32
      scf.if %cond3A_156 {
        %add3A_191 = arith.addi %select_n3A, %add3A_155 : i32
        %mul3A_192 = arith.constant 64 : i32
        %mul3A_193 = arith.muli %add3A_191, %mul3A_192 : i32
        %dma_start3A_194 = tpu.memref_slice %arg3[%mul3A_193] : memref<327680xi32, #tpu.memory_space<hbm>> -> memref<64xi32, #tpu.memory_space<hbm>>
        %dma_start3A_195 = tpu.memref_slice %arg3[%mul3A_193] : memref<327680xi32, #tpu.memory_space<hbm>> -> memref<64xi32, #tpu.memory_space<hbm>>
        tpu.enqueue_dma source(%dma_start3A_195 : memref<64xi32, #tpu.memory_space<hbm>>) target(%arg7 : memref<64xi32, #tpu.memory_space<vmem>>) target_semaphore(%arg20 : memref<!tpu.dma_semaphore, #tpu.memory_space<semaphore_mem>>)
        %dma_start3A_196 = tpu.memref_slice %arg4[%mul3A_193] : memref<327680xi32, #tpu.memory_space<hbm>> -> memref<64xi32, #tpu.memory_space<hbm>>
        %dma_start3A_197 = tpu.memref_slice %arg4[%mul3A_193] : memref<327680xi32, #tpu.memory_space<hbm>> -> memref<64xi32, #tpu.memory_space<hbm>>
        tpu.enqueue_dma source(%dma_start3A_197 : memref<64xi32, #tpu.memory_space<hbm>>) target(%arg11 : memref<64xi32, #tpu.memory_space<vmem>>) target_semaphore(%arg20 : memref<!tpu.dma_semaphore, #tpu.memory_space<semaphore_mem>>)
      } else {
      }
      %dma_wait3A_157 = arith.constant 0 : i32
      %dma_wait3A_158 = arith.constant 0 : i32
      %dma_wait3A_159 = tpu.memref_slice %arg19[%dma_wait3A_157, %dma_wait3A_158] : memref<10240x128xf32, #tpu.memory_space<vmem_shared>> -> memref<10240x128xf32, #tpu.memory_space<vmem_shared>>
      tpu.wait_indirect_dma semaphore(%arg29 : memref<!tpu.dma_semaphore, #tpu.memory_space<semaphore_mem>>) src(%arg16 : memref<64x128xf32, #tpu.memory_space<vmem>>) dst(%dma_wait3A_159 : memref<10240x128xf32, #tpu.memory_space<vmem_shared>>)
      %add3A_160 = arith.constant 4 : i32
      %add3A_161 = arith.addi %mul3A_81, %add3A_160 : i32
      %add3A_162 = arith.constant 1 : i32
      %add3A_163 = arith.addi %add3A_161, %add3A_162 : i32
      %lt3A_164 = arith.cmpi slt, %add3A_163, %select_n3A_8 : i32
      %convert_element_type3A_165 = arith.extui %lt3A_164 : i1 to i32
      %cond3A_166 = arith.constant 0 : i32
      %cond3A_167 = arith.cmpi ne, %convert_element_type3A_165, %cond3A_166 : i32
      scf.if %cond3A_167 {
        %add3A_191 = arith.addi %select_n3A, %add3A_163 : i32
        %mul3A_192 = arith.constant 64 : i32
        %mul3A_193 = arith.muli %add3A_191, %mul3A_192 : i32
        %dma_start3A_194 = tpu.memref_slice %arg3[%mul3A_193] : memref<327680xi32, #tpu.memory_space<hbm>> -> memref<64xi32, #tpu.memory_space<hbm>>
        %dma_start3A_195 = tpu.memref_slice %arg3[%mul3A_193] : memref<327680xi32, #tpu.memory_space<hbm>> -> memref<64xi32, #tpu.memory_space<hbm>>
        tpu.enqueue_dma source(%dma_start3A_195 : memref<64xi32, #tpu.memory_space<hbm>>) target(%arg8 : memref<64xi32, #tpu.memory_space<vmem>>) target_semaphore(%arg21 : memref<!tpu.dma_semaphore, #tpu.memory_space<semaphore_mem>>)
        %dma_start3A_196 = tpu.memref_slice %arg4[%mul3A_193] : memref<327680xi32, #tpu.memory_space<hbm>> -> memref<64xi32, #tpu.memory_space<hbm>>
        %dma_start3A_197 = tpu.memref_slice %arg4[%mul3A_193] : memref<327680xi32, #tpu.memory_space<hbm>> -> memref<64xi32, #tpu.memory_space<hbm>>
        tpu.enqueue_dma source(%dma_start3A_197 : memref<64xi32, #tpu.memory_space<hbm>>) target(%arg12 : memref<64xi32, #tpu.memory_space<vmem>>) target_semaphore(%arg21 : memref<!tpu.dma_semaphore, #tpu.memory_space<semaphore_mem>>)
      } else {
      }
      %dma_wait3A_168 = arith.constant 0 : i32
      %dma_wait3A_169 = arith.constant 0 : i32
      %dma_wait3A_170 = tpu.memref_slice %arg19[%dma_wait3A_168, %dma_wait3A_169] : memref<10240x128xf32, #tpu.memory_space<vmem_shared>> -> memref<10240x128xf32, #tpu.memory_space<vmem_shared>>
      tpu.wait_indirect_dma semaphore(%arg30 : memref<!tpu.dma_semaphore, #tpu.memory_space<semaphore_mem>>) src(%arg17 : memref<64x128xf32, #tpu.memory_space<vmem>>) dst(%dma_wait3A_170 : memref<10240x128xf32, #tpu.memory_space<vmem_shared>>)
      %add3A_171 = arith.constant 4 : i32
      %add3A_172 = arith.addi %mul3A_81, %add3A_171 : i32
      %add3A_173 = arith.constant 2 : i32
      %add3A_174 = arith.addi %add3A_172, %add3A_173 : i32
      %lt3A_175 = arith.cmpi slt, %add3A_174, %select_n3A_8 : i32
      %convert_element_type3A_176 = arith.extui %lt3A_175 : i1 to i32
      %cond3A_177 = arith.constant 0 : i32
      %cond3A_178 = arith.cmpi ne, %convert_element_type3A_176, %cond3A_177 : i32
      scf.if %cond3A_178 {
        %add3A_191 = arith.addi %select_n3A, %add3A_174 : i32
        %mul3A_192 = arith.constant 64 : i32
        %mul3A_193 = arith.muli %add3A_191, %mul3A_192 : i32
        %dma_start3A_194 = tpu.memref_slice %arg3[%mul3A_193] : memref<327680xi32, #tpu.memory_space<hbm>> -> memref<64xi32, #tpu.memory_space<hbm>>
        %dma_start3A_195 = tpu.memref_slice %arg3[%mul3A_193] : memref<327680xi32, #tpu.memory_space<hbm>> -> memref<64xi32, #tpu.memory_space<hbm>>
        tpu.enqueue_dma source(%dma_start3A_195 : memref<64xi32, #tpu.memory_space<hbm>>) target(%arg9 : memref<64xi32, #tpu.memory_space<vmem>>) target_semaphore(%arg22 : memref<!tpu.dma_semaphore, #tpu.memory_space<semaphore_mem>>)
        %dma_start3A_196 = tpu.memref_slice %arg4[%mul3A_193] : memref<327680xi32, #tpu.memory_space<hbm>> -> memref<64xi32, #tpu.memory_space<hbm>>
        %dma_start3A_197 = tpu.memref_slice %arg4[%mul3A_193] : memref<327680xi32, #tpu.memory_space<hbm>> -> memref<64xi32, #tpu.memory_space<hbm>>
        tpu.enqueue_dma source(%dma_start3A_197 : memref<64xi32, #tpu.memory_space<hbm>>) target(%arg13 : memref<64xi32, #tpu.memory_space<vmem>>) target_semaphore(%arg22 : memref<!tpu.dma_semaphore, #tpu.memory_space<semaphore_mem>>)
      } else {
      }
      %dma_wait3A_179 = arith.constant 0 : i32
      %dma_wait3A_180 = arith.constant 0 : i32
      %dma_wait3A_181 = tpu.memref_slice %arg19[%dma_wait3A_179, %dma_wait3A_180] : memref<10240x128xf32, #tpu.memory_space<vmem_shared>> -> memref<10240x128xf32, #tpu.memory_space<vmem_shared>>
      tpu.wait_indirect_dma semaphore(%arg31 : memref<!tpu.dma_semaphore, #tpu.memory_space<semaphore_mem>>) src(%arg18 : memref<64x128xf32, #tpu.memory_space<vmem>>) dst(%dma_wait3A_181 : memref<10240x128xf32, #tpu.memory_space<vmem_shared>>)
      %add3A_182 = arith.constant 4 : i32
      %add3A_183 = arith.addi %mul3A_81, %add3A_182 : i32
      %add3A_184 = arith.constant 3 : i32
      %add3A_185 = arith.addi %add3A_183, %add3A_184 : i32
      %lt3A_186 = arith.cmpi slt, %add3A_185, %select_n3A_8 : i32
      %convert_element_type3A_187 = arith.extui %lt3A_186 : i1 to i32
      %cond3A_188 = arith.constant 0 : i32
      %cond3A_189 = arith.cmpi ne, %convert_element_type3A_187, %cond3A_188 : i32
      scf.if %cond3A_189 {
        %add3A_191 = arith.addi %select_n3A, %add3A_185 : i32
        %mul3A_192 = arith.constant 64 : i32
        %mul3A_193 = arith.muli %add3A_191, %mul3A_192 : i32
        %dma_start3A_194 = tpu.memref_slice %arg3[%mul3A_193] : memref<327680xi32, #tpu.memory_space<hbm>> -> memref<64xi32, #tpu.memory_space<hbm>>
        %dma_start3A_195 = tpu.memref_slice %arg3[%mul3A_193] : memref<327680xi32, #tpu.memory_space<hbm>> -> memref<64xi32, #tpu.memory_space<hbm>>
        tpu.enqueue_dma source(%dma_start3A_195 : memref<64xi32, #tpu.memory_space<hbm>>) target(%arg10 : memref<64xi32, #tpu.memory_space<vmem>>) target_semaphore(%arg23 : memref<!tpu.dma_semaphore, #tpu.memory_space<semaphore_mem>>)
        %dma_start3A_196 = tpu.memref_slice %arg4[%mul3A_193] : memref<327680xi32, #tpu.memory_space<hbm>> -> memref<64xi32, #tpu.memory_space<hbm>>
        %dma_start3A_197 = tpu.memref_slice %arg4[%mul3A_193] : memref<327680xi32, #tpu.memory_space<hbm>> -> memref<64xi32, #tpu.memory_space<hbm>>
        tpu.enqueue_dma source(%dma_start3A_197 : memref<64xi32, #tpu.memory_space<hbm>>) target(%arg14 : memref<64xi32, #tpu.memory_space<vmem>>) target_semaphore(%arg23 : memref<!tpu.dma_semaphore, #tpu.memory_space<semaphore_mem>>)
      } else {
      }
      %while3A_190 = arith.constant 0 : i32
      scf.yield %while3A_190 : i32
    }
    %barrier3A_73 = arith.constant 0 : index
    tpu.barrier barrier_id(%barrier3A_73)
    %mul3A_74 = arith.constant 640 : i32
    %mul3A_75 = arith.muli %arg1, %mul3A_74 : i32
    %mul3A_76 = arith.constant 640 : i32
    %mul3A_77 = arith.muli %arg1, %mul3A_76 : i32
    "tpu.region"() ({
      %run_scoped3A = tpu.sem_alloc : memref<!tpu.dma_semaphore, #tpu.memory_space<semaphore_mem>>
      %dma_start3A_78 = arith.constant 0 : i32
      %dma_start3A_79 = tpu.memref_slice %arg6[%arg0, %mul3A_77, %dma_start3A_78] : memref<2x10240x128xf32, #tpu.memory_space<hbm>> -> memref<1x640x128xf32, #tpu.memory_space<hbm>>
      %dma_start3A_80 = tpu.memref_squeeze %dma_start3A_79 : memref<1x640x128xf32, #tpu.memory_space<hbm>> -> memref<640x128xf32, #tpu.memory_space<hbm>>
      %dma_start3A_81 = arith.constant 0 : i32
      %dma_start3A_82 = tpu.memref_slice %arg19[%mul3A_75, %dma_start3A_81] : memref<10240x128xf32, #tpu.memory_space<vmem_shared>> -> memref<640x128xf32, #tpu.memory_space<vmem_shared>>
      tpu.enqueue_dma source(%dma_start3A_82 : memref<640x128xf32, #tpu.memory_space<vmem_shared>>) target(%dma_start3A_80 : memref<640x128xf32, #tpu.memory_space<hbm>>) target_semaphore(%run_scoped3A : memref<!tpu.dma_semaphore, #tpu.memory_space<semaphore_mem>>)
      %dma_wait3A = arith.constant 0 : i32
      %dma_wait3A_83 = tpu.memref_slice %arg6[%arg0, %mul3A_77, %dma_wait3A] : memref<2x10240x128xf32, #tpu.memory_space<hbm>> -> memref<1x640x128xf32, #tpu.memory_space<hbm>>
      %dma_wait3A_84 = tpu.memref_squeeze %dma_wait3A_83 : memref<1x640x128xf32, #tpu.memory_space<hbm>> -> memref<640x128xf32, #tpu.memory_space<hbm>>
      %dma_wait3A_85 = arith.constant 0 : i32
      %dma_wait3A_86 = tpu.memref_slice %arg19[%mul3A_75, %dma_wait3A_85] : memref<10240x128xf32, #tpu.memory_space<vmem_shared>> -> memref<640x128xf32, #tpu.memory_space<vmem_shared>>
      tpu.wait_dma2 semaphore(%run_scoped3A : memref<!tpu.dma_semaphore, #tpu.memory_space<semaphore_mem>>) src(%dma_wait3A_86 : memref<640x128xf32, #tpu.memory_space<vmem_shared>>) dst(%dma_wait3A_84 : memref<640x128xf32, #tpu.memory_space<hbm>>)
      tpu.yield
    }) : () -> ()
    return
  }
}

#map = affine_map<(d0, d1) -> (0, 0)>
#map1 = affine_map<(d0, d1) -> (0)>
#map2 = affine_map<(d0, d1) -> (0, 0, 0)>
module attributes {stable_mosaic.version = 14 : i64} {
  func.func @_scatter_body(%arg0: i32, %arg1: i32, %arg2: memref<10240x128xf32, #tpu.memory_space<hbm>>, %arg3: memref<327680xi32, #tpu.memory_space<hbm>>, %arg4: memref<327680xi32, #tpu.memory_space<hbm>>, %arg5: memref<10240x128xf32, #tpu.memory_space<hbm>>, %arg6: memref<2x10240x128xf32, #tpu.memory_space<hbm>>, %arg7: memref<64xi32, #tpu.memory_space<vmem>>, %arg8: memref<64xi32, #tpu.memory_space<vmem>>, %arg9: memref<64xi32, #tpu.memory_space<vmem>>, %arg10: memref<64xi32, #tpu.memory_space<vmem>>, %arg11: memref<64xi32, #tpu.memory_space<vmem>>, %arg12: memref<64xi32, #tpu.memory_space<vmem>>, %arg13: memref<64xi32, #tpu.memory_space<vmem>>, %arg14: memref<64xi32, #tpu.memory_space<vmem>>, %arg15: memref<64x128xf32, #tpu.memory_space<vmem>>, %arg16: memref<64x128xf32, #tpu.memory_space<vmem>>, %arg17: memref<64x128xf32, #tpu.memory_space<vmem>>, %arg18: memref<64x128xf32, #tpu.memory_space<vmem>>, %arg19: memref<10240x128xf32, #tpu.memory_space<vmem_shared>>, %arg20: memref<!tpu.dma_semaphore, #tpu.memory_space<semaphore_mem>>, %arg21: memref<!tpu.dma_semaphore, #tpu.memory_space<semaphore_mem>>, %arg22: memref<!tpu.dma_semaphore, #tpu.memory_space<semaphore_mem>>, %arg23: memref<!tpu.dma_semaphore, #tpu.memory_space<semaphore_mem>>, %arg24: memref<!tpu.dma_semaphore, #tpu.memory_space<semaphore_mem>>, %arg25: memref<!tpu.dma_semaphore, #tpu.memory_space<semaphore_mem>>, %arg26: memref<!tpu.dma_semaphore, #tpu.memory_space<semaphore_mem>>, %arg27: memref<!tpu.dma_semaphore, #tpu.memory_space<semaphore_mem>>, %arg28: memref<!tpu.dma_semaphore, #tpu.memory_space<semaphore_mem>>, %arg29: memref<!tpu.dma_semaphore, #tpu.memory_space<semaphore_mem>>, %arg30: memref<!tpu.dma_semaphore, #tpu.memory_space<semaphore_mem>>, %arg31: memref<!tpu.dma_semaphore, #tpu.memory_space<semaphore_mem>>) attributes {dimension_semantics = [#tpu.dimension_semantics<core_parallel>, #tpu.dimension_semantics<subcore_parallel>], iteration_bounds = array<i64: 2, 16>, scalar_prefetch = 0 : i64, scratch_operands = 25 : i64, tpu.core_type = #tpu.core_type<sc_vector_subcore>, window_params = [{transform_indices = #map}, {transform_indices = #map1}, {transform_indices = #map1}, {transform_indices = #map}, {transform_indices = #map2}]} {
    %eq3A = arith.constant 0 : i32
    %eq3A_0 = arith.cmpi eq, %arg0, %eq3A : i32
    %mul3A = arith.constant 160 : i32
    %mul3A_1 = arith.muli %arg1, %mul3A : i32
    %mul3A_2 = arith.constant 160 : i32
    %mul3A_3 = arith.muli %arg1, %mul3A_2 : i32
    %add3A = arith.constant 2560 : i32
    %add3A_4 = arith.addi %add3A, %mul3A_3 : i32
    %select_n3A = arith.select %eq3A_0, %mul3A_1, %add3A_4 : i32
    %eq3A_5 = arith.constant 0 : i32
    %eq3A_6 = arith.cmpi eq, %arg0, %eq3A_5 : i32
    %jit3A = arith.constant 160 : i32
    %jit3A_7 = arith.constant 160 : i32
    %select_n3A_8 = arith.select %eq3A_6, %jit3A, %jit3A_7 : i32
    %mul3A_9 = arith.constant 640 : i32
    %mul3A_10 = arith.muli %arg1, %mul3A_9 : i32
    %mul3A_11 = arith.constant 640 : i32
    %mul3A_12 = arith.muli %arg1, %mul3A_11 : i32
    "tpu.region"() ({
      %run_scoped3A = tpu.sem_alloc : memref<!tpu.dma_semaphore, #tpu.memory_space<semaphore_mem>>
      %dma_start3A_78 = arith.constant 0 : i32
      %dma_start3A_79 = tpu.memref_slice %arg19[%mul3A_12, %dma_start3A_78] : memref<10240x128xf32, #tpu.memory_space<vmem_shared>> -> memref<640x128xf32, #tpu.memory_space<vmem_shared>>
      %dma_start3A_80 = arith.constant 0 : i32
      %dma_start3A_81 = tpu.memref_slice %arg5[%mul3A_10, %dma_start3A_80] : memref<10240x128xf32, #tpu.memory_space<hbm>> -> memref<640x128xf32, #tpu.memory_space<hbm>>
      tpu.enqueue_dma source(%dma_start3A_81 : memref<640x128xf32, #tpu.memory_space<hbm>>) target(%dma_start3A_79 : memref<640x128xf32, #tpu.memory_space<vmem_shared>>) target_semaphore(%run_scoped3A : memref<!tpu.dma_semaphore, #tpu.memory_space<semaphore_mem>>)
      %dma_wait3A = arith.constant 0 : i32
      %dma_wait3A_82 = tpu.memref_slice %arg19[%mul3A_12, %dma_wait3A] : memref<10240x128xf32, #tpu.memory_space<vmem_shared>> -> memref<640x128xf32, #tpu.memory_space<vmem_shared>>
      %dma_wait3A_83 = arith.constant 0 : i32
      %dma_wait3A_84 = tpu.memref_slice %arg5[%mul3A_10, %dma_wait3A_83] : memref<10240x128xf32, #tpu.memory_space<hbm>> -> memref<640x128xf32, #tpu.memory_space<hbm>>
      tpu.wait_dma2 semaphore(%run_scoped3A : memref<!tpu.dma_semaphore, #tpu.memory_space<semaphore_mem>>) src(%dma_wait3A_84 : memref<640x128xf32, #tpu.memory_space<hbm>>) dst(%dma_wait3A_82 : memref<640x128xf32, #tpu.memory_space<vmem_shared>>)
      tpu.yield
    }) : () -> ()
    %barrier3A = arith.constant 0 : index
    tpu.barrier barrier_id(%barrier3A)
    %add3A_13 = arith.constant 0 : i32
    %add3A_14 = arith.addi %select_n3A, %add3A_13 : i32
    %mul3A_15 = arith.constant 64 : i32
    %mul3A_16 = arith.muli %add3A_14, %mul3A_15 : i32
    %dma_start3A = tpu.memref_slice %arg3[%mul3A_16] : memref<327680xi32, #tpu.memory_space<hbm>> -> memref<64xi32, #tpu.memory_space<hbm>>
    %dma_start3A_17 = tpu.memref_slice %arg3[%mul3A_16] : memref<327680xi32, #tpu.memory_space<hbm>> -> memref<64xi32, #tpu.memory_space<hbm>>
    tpu.enqueue_dma source(%dma_start3A_17 : memref<64xi32, #tpu.memory_space<hbm>>) target(%arg7 : memref<64xi32, #tpu.memory_space<vmem>>) target_semaphore(%arg20 : memref<!tpu.dma_semaphore, #tpu.memory_space<semaphore_mem>>)
    %dma_start3A_18 = tpu.memref_slice %arg4[%mul3A_16] : memref<327680xi32, #tpu.memory_space<hbm>> -> memref<64xi32, #tpu.memory_space<hbm>>
    %dma_start3A_19 = tpu.memref_slice %arg4[%mul3A_16] : memref<327680xi32, #tpu.memory_space<hbm>> -> memref<64xi32, #tpu.memory_space<hbm>>
    tpu.enqueue_dma source(%dma_start3A_19 : memref<64xi32, #tpu.memory_space<hbm>>) target(%arg11 : memref<64xi32, #tpu.memory_space<vmem>>) target_semaphore(%arg20 : memref<!tpu.dma_semaphore, #tpu.memory_space<semaphore_mem>>)
    %add3A_20 = arith.constant 1 : i32
    %add3A_21 = arith.addi %select_n3A, %add3A_20 : i32
    %mul3A_22 = arith.constant 64 : i32
    %mul3A_23 = arith.muli %add3A_21, %mul3A_22 : i32
    %dma_start3A_24 = tpu.memref_slice %arg3[%mul3A_23] : memref<327680xi32, #tpu.memory_space<hbm>> -> memref<64xi32, #tpu.memory_space<hbm>>
    %dma_start3A_25 = tpu.memref_slice %arg3[%mul3A_23] : memref<327680xi32, #tpu.memory_space<hbm>> -> memref<64xi32, #tpu.memory_space<hbm>>
    tpu.enqueue_dma source(%dma_start3A_25 : memref<64xi32, #tpu.memory_space<hbm>>) target(%arg8 : memref<64xi32, #tpu.memory_space<vmem>>) target_semaphore(%arg21 : memref<!tpu.dma_semaphore, #tpu.memory_space<semaphore_mem>>)
    %dma_start3A_26 = tpu.memref_slice %arg4[%mul3A_23] : memref<327680xi32, #tpu.memory_space<hbm>> -> memref<64xi32, #tpu.memory_space<hbm>>
    %dma_start3A_27 = tpu.memref_slice %arg4[%mul3A_23] : memref<327680xi32, #tpu.memory_space<hbm>> -> memref<64xi32, #tpu.memory_space<hbm>>
    tpu.enqueue_dma source(%dma_start3A_27 : memref<64xi32, #tpu.memory_space<hbm>>) target(%arg12 : memref<64xi32, #tpu.memory_space<vmem>>) target_semaphore(%arg21 : memref<!tpu.dma_semaphore, #tpu.memory_space<semaphore_mem>>)
    %add3A_28 = arith.constant 2 : i32
    %add3A_29 = arith.addi %select_n3A, %add3A_28 : i32
    %mul3A_30 = arith.constant 64 : i32
    %mul3A_31 = arith.muli %add3A_29, %mul3A_30 : i32
    %dma_start3A_32 = tpu.memref_slice %arg3[%mul3A_31] : memref<327680xi32, #tpu.memory_space<hbm>> -> memref<64xi32, #tpu.memory_space<hbm>>
    %dma_start3A_33 = tpu.memref_slice %arg3[%mul3A_31] : memref<327680xi32, #tpu.memory_space<hbm>> -> memref<64xi32, #tpu.memory_space<hbm>>
    tpu.enqueue_dma source(%dma_start3A_33 : memref<64xi32, #tpu.memory_space<hbm>>) target(%arg9 : memref<64xi32, #tpu.memory_space<vmem>>) target_semaphore(%arg22 : memref<!tpu.dma_semaphore, #tpu.memory_space<semaphore_mem>>)
    %dma_start3A_34 = tpu.memref_slice %arg4[%mul3A_31] : memref<327680xi32, #tpu.memory_space<hbm>> -> memref<64xi32, #tpu.memory_space<hbm>>
    %dma_start3A_35 = tpu.memref_slice %arg4[%mul3A_31] : memref<327680xi32, #tpu.memory_space<hbm>> -> memref<64xi32, #tpu.memory_space<hbm>>
    tpu.enqueue_dma source(%dma_start3A_35 : memref<64xi32, #tpu.memory_space<hbm>>) target(%arg13 : memref<64xi32, #tpu.memory_space<vmem>>) target_semaphore(%arg22 : memref<!tpu.dma_semaphore, #tpu.memory_space<semaphore_mem>>)
    %add3A_36 = arith.constant 3 : i32
    %add3A_37 = arith.addi %select_n3A, %add3A_36 : i32
    %mul3A_38 = arith.constant 64 : i32
    %mul3A_39 = arith.muli %add3A_37, %mul3A_38 : i32
    %dma_start3A_40 = tpu.memref_slice %arg3[%mul3A_39] : memref<327680xi32, #tpu.memory_space<hbm>> -> memref<64xi32, #tpu.memory_space<hbm>>
    %dma_start3A_41 = tpu.memref_slice %arg3[%mul3A_39] : memref<327680xi32, #tpu.memory_space<hbm>> -> memref<64xi32, #tpu.memory_space<hbm>>
    tpu.enqueue_dma source(%dma_start3A_41 : memref<64xi32, #tpu.memory_space<hbm>>) target(%arg10 : memref<64xi32, #tpu.memory_space<vmem>>) target_semaphore(%arg23 : memref<!tpu.dma_semaphore, #tpu.memory_space<semaphore_mem>>)
    %dma_start3A_42 = tpu.memref_slice %arg4[%mul3A_39] : memref<327680xi32, #tpu.memory_space<hbm>> -> memref<64xi32, #tpu.memory_space<hbm>>
    %dma_start3A_43 = tpu.memref_slice %arg4[%mul3A_39] : memref<327680xi32, #tpu.memory_space<hbm>> -> memref<64xi32, #tpu.memory_space<hbm>>
    tpu.enqueue_dma source(%dma_start3A_43 : memref<64xi32, #tpu.memory_space<hbm>>) target(%arg14 : memref<64xi32, #tpu.memory_space<vmem>>) target_semaphore(%arg23 : memref<!tpu.dma_semaphore, #tpu.memory_space<semaphore_mem>>)
    %jit3A_44 = arith.constant 4 : i32
    %div3A = arith.divsi %select_n3A_8, %jit3A_44 : i32
    %sign3A = arith.constant 0 : i32
    %sign3A_45 = arith.cmpi sgt, %select_n3A_8, %sign3A : i32
    %sign3A_46 = arith.extui %sign3A_45 : i1 to i32
    %sign3A_47 = arith.constant 0 : i32
    %sign3A_48 = arith.cmpi slt, %select_n3A_8, %sign3A_47 : i32
    %sign3A_49 = arith.extui %sign3A_48 : i1 to i32
    %sign3A_50 = arith.subi %sign3A_46, %sign3A_49 : i32
    %sign3A_51 = arith.constant 0 : i32
    %sign3A_52 = arith.cmpi sgt, %jit3A_44, %sign3A_51 : i32
    %sign3A_53 = arith.extui %sign3A_52 : i1 to i32
    %sign3A_54 = arith.constant 0 : i32
    %sign3A_55 = arith.cmpi slt, %jit3A_44, %sign3A_54 : i32
    %sign3A_56 = arith.extui %sign3A_55 : i1 to i32
    %sign3A_57 = arith.subi %sign3A_53, %sign3A_56 : i32
    %ne3A = arith.cmpi ne, %sign3A_50, %sign3A_57 : i32
    %rem3A = arith.remsi %select_n3A_8, %jit3A_44 : i32
    %ne3A_58 = arith.constant 0 : i32
    %ne3A_59 = arith.cmpi ne, %rem3A, %ne3A_58 : i32
    %and3A = arith.andi %ne3A, %ne3A_59 : i1
    %sub3A = arith.constant 1 : i32
    %sub3A_60 = arith.subi %div3A, %sub3A : i32
    %select_n3A_61 = arith.select %and3A, %sub3A_60, %div3A : i32
    %while3A = arith.constant 0 : i32
    %while3A_62 = arith.constant 0 : i32
    %while3A_63 = arith.subi %select_n3A_61, %while3A : i32
    %while3A_64 = arith.addi %while3A, %while3A_63 : i32
    %while3A_65 = arith.constant 1 : i32
    %while3A_66 = arith.divsi %while3A_63, %while3A_65 : i32
    %while3A_67 = arith.muli %while3A_66, %while3A_65 : i32
    %while3A_68 = arith.addi %while3A, %while3A_67 : i32
    %while3A_69 = arith.constant 1 : i32
    %while3A_70 = scf.for %while3A_78 = %while3A to %while3A_68 step %while3A_69 iter_args(%while3A_79 = %while3A_62) -> (i32)  : i32 {
      %mul3A_80 = arith.constant 4 : i32
      %mul3A_81 = arith.muli %while3A_78, %mul3A_80 : i32
      %dma_wait3A = arith.constant 0 : i32
      %dma_wait3A_82 = tpu.memref_slice %arg3[%dma_wait3A] : memref<327680xi32, #tpu.memory_space<hbm>> -> memref<64xi32, #tpu.memory_space<hbm>>
      %dma_wait3A_83 = arith.constant 0 : i32
      %dma_wait3A_84 = tpu.memref_slice %arg3[%dma_wait3A_83] : memref<327680xi32, #tpu.memory_space<hbm>> -> memref<64xi32, #tpu.memory_space<hbm>>
      tpu.wait_dma2 semaphore(%arg20 : memref<!tpu.dma_semaphore, #tpu.memory_space<semaphore_mem>>) src(%dma_wait3A_84 : memref<64xi32, #tpu.memory_space<hbm>>) dst(%arg7 : memref<64xi32, #tpu.memory_space<vmem>>)
      %dma_wait3A_85 = arith.constant 0 : i32
      %dma_wait3A_86 = tpu.memref_slice %arg4[%dma_wait3A_85] : memref<327680xi32, #tpu.memory_space<hbm>> -> memref<64xi32, #tpu.memory_space<hbm>>
      %dma_wait3A_87 = arith.constant 0 : i32
      %dma_wait3A_88 = tpu.memref_slice %arg4[%dma_wait3A_87] : memref<327680xi32, #tpu.memory_space<hbm>> -> memref<64xi32, #tpu.memory_space<hbm>>
      tpu.wait_dma2 semaphore(%arg20 : memref<!tpu.dma_semaphore, #tpu.memory_space<semaphore_mem>>) src(%dma_wait3A_88 : memref<64xi32, #tpu.memory_space<hbm>>) dst(%arg11 : memref<64xi32, #tpu.memory_space<vmem>>)
      %dma_start3A_89 = arith.constant 0 : i32
      %dma_start3A_90 = arith.constant 0 : i32
      %dma_start3A_91 = tpu.memref_slice %arg2[%dma_start3A_89, %dma_start3A_90] : memref<10240x128xf32, #tpu.memory_space<hbm>> -> memref<10240x128xf32, #tpu.memory_space<hbm>>
      tpu.enqueue_indirect_dma source(%dma_start3A_91 : memref<10240x128xf32, #tpu.memory_space<hbm>>) target(%arg15 : memref<64x128xf32, #tpu.memory_space<vmem>>) offsets(%arg7 : memref<64xi32, #tpu.memory_space<vmem>>) semaphore(%arg24 : memref<!tpu.dma_semaphore, #tpu.memory_space<semaphore_mem>>)
      %dma_wait3A_92 = arith.constant 0 : i32
      %dma_wait3A_93 = tpu.memref_slice %arg3[%dma_wait3A_92] : memref<327680xi32, #tpu.memory_space<hbm>> -> memref<64xi32, #tpu.memory_space<hbm>>
      %dma_wait3A_94 = arith.constant 0 : i32
      %dma_wait3A_95 = tpu.memref_slice %arg3[%dma_wait3A_94] : memref<327680xi32, #tpu.memory_space<hbm>> -> memref<64xi32, #tpu.memory_space<hbm>>
      tpu.wait_dma2 semaphore(%arg21 : memref<!tpu.dma_semaphore, #tpu.memory_space<semaphore_mem>>) src(%dma_wait3A_95 : memref<64xi32, #tpu.memory_space<hbm>>) dst(%arg8 : memref<64xi32, #tpu.memory_space<vmem>>)
      %dma_wait3A_96 = arith.constant 0 : i32
      %dma_wait3A_97 = tpu.memref_slice %arg4[%dma_wait3A_96] : memref<327680xi32, #tpu.memory_space<hbm>> -> memref<64xi32, #tpu.memory_space<hbm>>
      %dma_wait3A_98 = arith.constant 0 : i32
      %dma_wait3A_99 = tpu.memref_slice %arg4[%dma_wait3A_98] : memref<327680xi32, #tpu.memory_space<hbm>> -> memref<64xi32, #tpu.memory_space<hbm>>
      tpu.wait_dma2 semaphore(%arg21 : memref<!tpu.dma_semaphore, #tpu.memory_space<semaphore_mem>>) src(%dma_wait3A_99 : memref<64xi32, #tpu.memory_space<hbm>>) dst(%arg12 : memref<64xi32, #tpu.memory_space<vmem>>)
      %dma_start3A_100 = arith.constant 0 : i32
      %dma_start3A_101 = arith.constant 0 : i32
      %dma_start3A_102 = tpu.memref_slice %arg2[%dma_start3A_100, %dma_start3A_101] : memref<10240x128xf32, #tpu.memory_space<hbm>> -> memref<10240x128xf32, #tpu.memory_space<hbm>>
      tpu.enqueue_indirect_dma source(%dma_start3A_102 : memref<10240x128xf32, #tpu.memory_space<hbm>>) target(%arg16 : memref<64x128xf32, #tpu.memory_space<vmem>>) offsets(%arg8 : memref<64xi32, #tpu.memory_space<vmem>>) semaphore(%arg25 : memref<!tpu.dma_semaphore, #tpu.memory_space<semaphore_mem>>)
      %dma_wait3A_103 = arith.constant 0 : i32
      %dma_wait3A_104 = tpu.memref_slice %arg3[%dma_wait3A_103] : memref<327680xi32, #tpu.memory_space<hbm>> -> memref<64xi32, #tpu.memory_space<hbm>>
      %dma_wait3A_105 = arith.constant 0 : i32
      %dma_wait3A_106 = tpu.memref_slice %arg3[%dma_wait3A_105] : memref<327680xi32, #tpu.memory_space<hbm>> -> memref<64xi32, #tpu.memory_space<hbm>>
      tpu.wait_dma2 semaphore(%arg22 : memref<!tpu.dma_semaphore, #tpu.memory_space<semaphore_mem>>) src(%dma_wait3A_106 : memref<64xi32, #tpu.memory_space<hbm>>) dst(%arg9 : memref<64xi32, #tpu.memory_space<vmem>>)
      %dma_wait3A_107 = arith.constant 0 : i32
      %dma_wait3A_108 = tpu.memref_slice %arg4[%dma_wait3A_107] : memref<327680xi32, #tpu.memory_space<hbm>> -> memref<64xi32, #tpu.memory_space<hbm>>
      %dma_wait3A_109 = arith.constant 0 : i32
      %dma_wait3A_110 = tpu.memref_slice %arg4[%dma_wait3A_109] : memref<327680xi32, #tpu.memory_space<hbm>> -> memref<64xi32, #tpu.memory_space<hbm>>
      tpu.wait_dma2 semaphore(%arg22 : memref<!tpu.dma_semaphore, #tpu.memory_space<semaphore_mem>>) src(%dma_wait3A_110 : memref<64xi32, #tpu.memory_space<hbm>>) dst(%arg13 : memref<64xi32, #tpu.memory_space<vmem>>)
      %dma_start3A_111 = arith.constant 0 : i32
      %dma_start3A_112 = arith.constant 0 : i32
      %dma_start3A_113 = tpu.memref_slice %arg2[%dma_start3A_111, %dma_start3A_112] : memref<10240x128xf32, #tpu.memory_space<hbm>> -> memref<10240x128xf32, #tpu.memory_space<hbm>>
      tpu.enqueue_indirect_dma source(%dma_start3A_113 : memref<10240x128xf32, #tpu.memory_space<hbm>>) target(%arg17 : memref<64x128xf32, #tpu.memory_space<vmem>>) offsets(%arg9 : memref<64xi32, #tpu.memory_space<vmem>>) semaphore(%arg26 : memref<!tpu.dma_semaphore, #tpu.memory_space<semaphore_mem>>)
      %dma_wait3A_114 = arith.constant 0 : i32
      %dma_wait3A_115 = tpu.memref_slice %arg3[%dma_wait3A_114] : memref<327680xi32, #tpu.memory_space<hbm>> -> memref<64xi32, #tpu.memory_space<hbm>>
      %dma_wait3A_116 = arith.constant 0 : i32
      %dma_wait3A_117 = tpu.memref_slice %arg3[%dma_wait3A_116] : memref<327680xi32, #tpu.memory_space<hbm>> -> memref<64xi32, #tpu.memory_space<hbm>>
      tpu.wait_dma2 semaphore(%arg23 : memref<!tpu.dma_semaphore, #tpu.memory_space<semaphore_mem>>) src(%dma_wait3A_117 : memref<64xi32, #tpu.memory_space<hbm>>) dst(%arg10 : memref<64xi32, #tpu.memory_space<vmem>>)
      %dma_wait3A_118 = arith.constant 0 : i32
      %dma_wait3A_119 = tpu.memref_slice %arg4[%dma_wait3A_118] : memref<327680xi32, #tpu.memory_space<hbm>> -> memref<64xi32, #tpu.memory_space<hbm>>
      %dma_wait3A_120 = arith.constant 0 : i32
      %dma_wait3A_121 = tpu.memref_slice %arg4[%dma_wait3A_120] : memref<327680xi32, #tpu.memory_space<hbm>> -> memref<64xi32, #tpu.memory_space<hbm>>
      tpu.wait_dma2 semaphore(%arg23 : memref<!tpu.dma_semaphore, #tpu.memory_space<semaphore_mem>>) src(%dma_wait3A_121 : memref<64xi32, #tpu.memory_space<hbm>>) dst(%arg14 : memref<64xi32, #tpu.memory_space<vmem>>)
      %dma_start3A_122 = arith.constant 0 : i32
      %dma_start3A_123 = arith.constant 0 : i32
      %dma_start3A_124 = tpu.memref_slice %arg2[%dma_start3A_122, %dma_start3A_123] : memref<10240x128xf32, #tpu.memory_space<hbm>> -> memref<10240x128xf32, #tpu.memory_space<hbm>>
      tpu.enqueue_indirect_dma source(%dma_start3A_124 : memref<10240x128xf32, #tpu.memory_space<hbm>>) target(%arg18 : memref<64x128xf32, #tpu.memory_space<vmem>>) offsets(%arg10 : memref<64xi32, #tpu.memory_space<vmem>>) semaphore(%arg27 : memref<!tpu.dma_semaphore, #tpu.memory_space<semaphore_mem>>)
      %dma_wait3A_125 = arith.constant 0 : i32
      %dma_wait3A_126 = arith.constant 0 : i32
      %dma_wait3A_127 = tpu.memref_slice %arg2[%dma_wait3A_125, %dma_wait3A_126] : memref<10240x128xf32, #tpu.memory_space<hbm>> -> memref<10240x128xf32, #tpu.memory_space<hbm>>
      tpu.wait_indirect_dma semaphore(%arg24 : memref<!tpu.dma_semaphore, #tpu.memory_space<semaphore_mem>>) src(%dma_wait3A_127 : memref<10240x128xf32, #tpu.memory_space<hbm>>) dst(%arg15 : memref<64x128xf32, #tpu.memory_space<vmem>>)
      %dma_start3A_128 = arith.constant 0 : i32
      %dma_start3A_129 = arith.constant 0 : i32
      %dma_start3A_130 = tpu.memref_slice %arg19[%dma_start3A_128, %dma_start3A_129] : memref<10240x128xf32, #tpu.memory_space<vmem_shared>> -> memref<10240x128xf32, #tpu.memory_space<vmem_shared>>
      tpu.enqueue_indirect_dma source(%arg15 : memref<64x128xf32, #tpu.memory_space<vmem>>) target(%dma_start3A_130 : memref<10240x128xf32, #tpu.memory_space<vmem_shared>>) offsets(%arg11 : memref<64xi32, #tpu.memory_space<vmem>>) semaphore(%arg28 : memref<!tpu.dma_semaphore, #tpu.memory_space<semaphore_mem>>) {add = true}
      %dma_wait3A_131 = arith.constant 0 : i32
      %dma_wait3A_132 = arith.constant 0 : i32
      %dma_wait3A_133 = tpu.memref_slice %arg2[%dma_wait3A_131, %dma_wait3A_132] : memref<10240x128xf32, #tpu.memory_space<hbm>> -> memref<10240x128xf32, #tpu.memory_space<hbm>>
      tpu.wait_indirect_dma semaphore(%arg25 : memref<!tpu.dma_semaphore, #tpu.memory_space<semaphore_mem>>) src(%dma_wait3A_133 : memref<10240x128xf32, #tpu.memory_space<hbm>>) dst(%arg16 : memref<64x128xf32, #tpu.memory_space<vmem>>)
      %dma_start3A_134 = arith.constant 0 : i32
      %dma_start3A_135 = arith.constant 0 : i32
      %dma_start3A_136 = tpu.memref_slice %arg19[%dma_start3A_134, %dma_start3A_135] : memref<10240x128xf32, #tpu.memory_space<vmem_shared>> -> memref<10240x128xf32, #tpu.memory_space<vmem_shared>>
      tpu.enqueue_indirect_dma source(%arg16 : memref<64x128xf32, #tpu.memory_space<vmem>>) target(%dma_start3A_136 : memref<10240x128xf32, #tpu.memory_space<vmem_shared>>) offsets(%arg12 : memref<64xi32, #tpu.memory_space<vmem>>) semaphore(%arg29 : memref<!tpu.dma_semaphore, #tpu.memory_space<semaphore_mem>>) {add = true}
      %dma_wait3A_137 = arith.constant 0 : i32
      %dma_wait3A_138 = arith.constant 0 : i32
      %dma_wait3A_139 = tpu.memref_slice %arg2[%dma_wait3A_137, %dma_wait3A_138] : memref<10240x128xf32, #tpu.memory_space<hbm>> -> memref<10240x128xf32, #tpu.memory_space<hbm>>
      tpu.wait_indirect_dma semaphore(%arg26 : memref<!tpu.dma_semaphore, #tpu.memory_space<semaphore_mem>>) src(%dma_wait3A_139 : memref<10240x128xf32, #tpu.memory_space<hbm>>) dst(%arg17 : memref<64x128xf32, #tpu.memory_space<vmem>>)
      %dma_start3A_140 = arith.constant 0 : i32
      %dma_start3A_141 = arith.constant 0 : i32
      %dma_start3A_142 = tpu.memref_slice %arg19[%dma_start3A_140, %dma_start3A_141] : memref<10240x128xf32, #tpu.memory_space<vmem_shared>> -> memref<10240x128xf32, #tpu.memory_space<vmem_shared>>
      tpu.enqueue_indirect_dma source(%arg17 : memref<64x128xf32, #tpu.memory_space<vmem>>) target(%dma_start3A_142 : memref<10240x128xf32, #tpu.memory_space<vmem_shared>>) offsets(%arg13 : memref<64xi32, #tpu.memory_space<vmem>>) semaphore(%arg30 : memref<!tpu.dma_semaphore, #tpu.memory_space<semaphore_mem>>) {add = true}
      %dma_wait3A_143 = arith.constant 0 : i32
      %dma_wait3A_144 = arith.constant 0 : i32
      %dma_wait3A_145 = tpu.memref_slice %arg2[%dma_wait3A_143, %dma_wait3A_144] : memref<10240x128xf32, #tpu.memory_space<hbm>> -> memref<10240x128xf32, #tpu.memory_space<hbm>>
      tpu.wait_indirect_dma semaphore(%arg27 : memref<!tpu.dma_semaphore, #tpu.memory_space<semaphore_mem>>) src(%dma_wait3A_145 : memref<10240x128xf32, #tpu.memory_space<hbm>>) dst(%arg18 : memref<64x128xf32, #tpu.memory_space<vmem>>)
      %dma_start3A_146 = arith.constant 0 : i32
      %dma_start3A_147 = arith.constant 0 : i32
      %dma_start3A_148 = tpu.memref_slice %arg19[%dma_start3A_146, %dma_start3A_147] : memref<10240x128xf32, #tpu.memory_space<vmem_shared>> -> memref<10240x128xf32, #tpu.memory_space<vmem_shared>>
      tpu.enqueue_indirect_dma source(%arg18 : memref<64x128xf32, #tpu.memory_space<vmem>>) target(%dma_start3A_148 : memref<10240x128xf32, #tpu.memory_space<vmem_shared>>) offsets(%arg14 : memref<64xi32, #tpu.memory_space<vmem>>) semaphore(%arg31 : memref<!tpu.dma_semaphore, #tpu.memory_space<semaphore_mem>>) {add = true}
      %dma_wait3A_149 = arith.constant 0 : i32
      %dma_wait3A_150 = arith.constant 0 : i32
      %dma_wait3A_151 = tpu.memref_slice %arg19[%dma_wait3A_149, %dma_wait3A_150] : memref<10240x128xf32, #tpu.memory_space<vmem_shared>> -> memref<10240x128xf32, #tpu.memory_space<vmem_shared>>
      tpu.wait_indirect_dma semaphore(%arg28 : memref<!tpu.dma_semaphore, #tpu.memory_space<semaphore_mem>>) src(%arg15 : memref<64x128xf32, #tpu.memory_space<vmem>>) dst(%dma_wait3A_151 : memref<10240x128xf32, #tpu.memory_space<vmem_shared>>)
      %add3A_152 = arith.constant 4 : i32
      %add3A_153 = arith.addi %mul3A_81, %add3A_152 : i32
      %add3A_154 = arith.constant 0 : i32
      %add3A_155 = arith.addi %add3A_153, %add3A_154 : i32
      %lt3A = arith.cmpi slt, %add3A_155, %select_n3A_8 : i32
      %convert_element_type3A = arith.extui %lt3A : i1 to i32
      %cond3A = arith.constant 0 : i32
      %cond3A_156 = arith.cmpi ne, %convert_element_type3A, %cond3A : i32
      scf.if %cond3A_156 {
        %add3A_191 = arith.addi %select_n3A, %add3A_155 : i32
        %mul3A_192 = arith.constant 64 : i32
        %mul3A_193 = arith.muli %add3A_191, %mul3A_192 : i32
        %dma_start3A_194 = tpu.memref_slice %arg3[%mul3A_193] : memref<327680xi32, #tpu.memory_space<hbm>> -> memref<64xi32, #tpu.memory_space<hbm>>
        %dma_start3A_195 = tpu.memref_slice %arg3[%mul3A_193] : memref<327680xi32, #tpu.memory_space<hbm>> -> memref<64xi32, #tpu.memory_space<hbm>>
        tpu.enqueue_dma source(%dma_start3A_195 : memref<64xi32, #tpu.memory_space<hbm>>) target(%arg7 : memref<64xi32, #tpu.memory_space<vmem>>) target_semaphore(%arg20 : memref<!tpu.dma_semaphore, #tpu.memory_space<semaphore_mem>>)
        %dma_start3A_196 = tpu.memref_slice %arg4[%mul3A_193] : memref<327680xi32, #tpu.memory_space<hbm>> -> memref<64xi32, #tpu.memory_space<hbm>>
        %dma_start3A_197 = tpu.memref_slice %arg4[%mul3A_193] : memref<327680xi32, #tpu.memory_space<hbm>> -> memref<64xi32, #tpu.memory_space<hbm>>
        tpu.enqueue_dma source(%dma_start3A_197 : memref<64xi32, #tpu.memory_space<hbm>>) target(%arg11 : memref<64xi32, #tpu.memory_space<vmem>>) target_semaphore(%arg20 : memref<!tpu.dma_semaphore, #tpu.memory_space<semaphore_mem>>)
      } else {
      }
      %dma_wait3A_157 = arith.constant 0 : i32
      %dma_wait3A_158 = arith.constant 0 : i32
      %dma_wait3A_159 = tpu.memref_slice %arg19[%dma_wait3A_157, %dma_wait3A_158] : memref<10240x128xf32, #tpu.memory_space<vmem_shared>> -> memref<10240x128xf32, #tpu.memory_space<vmem_shared>>
      tpu.wait_indirect_dma semaphore(%arg29 : memref<!tpu.dma_semaphore, #tpu.memory_space<semaphore_mem>>) src(%arg16 : memref<64x128xf32, #tpu.memory_space<vmem>>) dst(%dma_wait3A_159 : memref<10240x128xf32, #tpu.memory_space<vmem_shared>>)
      %add3A_160 = arith.constant 4 : i32
      %add3A_161 = arith.addi %mul3A_81, %add3A_160 : i32
      %add3A_162 = arith.constant 1 : i32
      %add3A_163 = arith.addi %add3A_161, %add3A_162 : i32
      %lt3A_164 = arith.cmpi slt, %add3A_163, %select_n3A_8 : i32
      %convert_element_type3A_165 = arith.extui %lt3A_164 : i1 to i32
      %cond3A_166 = arith.constant 0 : i32
      %cond3A_167 = arith.cmpi ne, %convert_element_type3A_165, %cond3A_166 : i32
      scf.if %cond3A_167 {
        %add3A_191 = arith.addi %select_n3A, %add3A_163 : i32
        %mul3A_192 = arith.constant 64 : i32
        %mul3A_193 = arith.muli %add3A_191, %mul3A_192 : i32
        %dma_start3A_194 = tpu.memref_slice %arg3[%mul3A_193] : memref<327680xi32, #tpu.memory_space<hbm>> -> memref<64xi32, #tpu.memory_space<hbm>>
        %dma_start3A_195 = tpu.memref_slice %arg3[%mul3A_193] : memref<327680xi32, #tpu.memory_space<hbm>> -> memref<64xi32, #tpu.memory_space<hbm>>
        tpu.enqueue_dma source(%dma_start3A_195 : memref<64xi32, #tpu.memory_space<hbm>>) target(%arg8 : memref<64xi32, #tpu.memory_space<vmem>>) target_semaphore(%arg21 : memref<!tpu.dma_semaphore, #tpu.memory_space<semaphore_mem>>)
        %dma_start3A_196 = tpu.memref_slice %arg4[%mul3A_193] : memref<327680xi32, #tpu.memory_space<hbm>> -> memref<64xi32, #tpu.memory_space<hbm>>
        %dma_start3A_197 = tpu.memref_slice %arg4[%mul3A_193] : memref<327680xi32, #tpu.memory_space<hbm>> -> memref<64xi32, #tpu.memory_space<hbm>>
        tpu.enqueue_dma source(%dma_start3A_197 : memref<64xi32, #tpu.memory_space<hbm>>) target(%arg12 : memref<64xi32, #tpu.memory_space<vmem>>) target_semaphore(%arg21 : memref<!tpu.dma_semaphore, #tpu.memory_space<semaphore_mem>>)
      } else {
      }
      %dma_wait3A_168 = arith.constant 0 : i32
      %dma_wait3A_169 = arith.constant 0 : i32
      %dma_wait3A_170 = tpu.memref_slice %arg19[%dma_wait3A_168, %dma_wait3A_169] : memref<10240x128xf32, #tpu.memory_space<vmem_shared>> -> memref<10240x128xf32, #tpu.memory_space<vmem_shared>>
      tpu.wait_indirect_dma semaphore(%arg30 : memref<!tpu.dma_semaphore, #tpu.memory_space<semaphore_mem>>) src(%arg17 : memref<64x128xf32, #tpu.memory_space<vmem>>) dst(%dma_wait3A_170 : memref<10240x128xf32, #tpu.memory_space<vmem_shared>>)
      %add3A_171 = arith.constant 4 : i32
      %add3A_172 = arith.addi %mul3A_81, %add3A_171 : i32
      %add3A_173 = arith.constant 2 : i32
      %add3A_174 = arith.addi %add3A_172, %add3A_173 : i32
      %lt3A_175 = arith.cmpi slt, %add3A_174, %select_n3A_8 : i32
      %convert_element_type3A_176 = arith.extui %lt3A_175 : i1 to i32
      %cond3A_177 = arith.constant 0 : i32
      %cond3A_178 = arith.cmpi ne, %convert_element_type3A_176, %cond3A_177 : i32
      scf.if %cond3A_178 {
        %add3A_191 = arith.addi %select_n3A, %add3A_174 : i32
        %mul3A_192 = arith.constant 64 : i32
        %mul3A_193 = arith.muli %add3A_191, %mul3A_192 : i32
        %dma_start3A_194 = tpu.memref_slice %arg3[%mul3A_193] : memref<327680xi32, #tpu.memory_space<hbm>> -> memref<64xi32, #tpu.memory_space<hbm>>
        %dma_start3A_195 = tpu.memref_slice %arg3[%mul3A_193] : memref<327680xi32, #tpu.memory_space<hbm>> -> memref<64xi32, #tpu.memory_space<hbm>>
        tpu.enqueue_dma source(%dma_start3A_195 : memref<64xi32, #tpu.memory_space<hbm>>) target(%arg9 : memref<64xi32, #tpu.memory_space<vmem>>) target_semaphore(%arg22 : memref<!tpu.dma_semaphore, #tpu.memory_space<semaphore_mem>>)
        %dma_start3A_196 = tpu.memref_slice %arg4[%mul3A_193] : memref<327680xi32, #tpu.memory_space<hbm>> -> memref<64xi32, #tpu.memory_space<hbm>>
        %dma_start3A_197 = tpu.memref_slice %arg4[%mul3A_193] : memref<327680xi32, #tpu.memory_space<hbm>> -> memref<64xi32, #tpu.memory_space<hbm>>
        tpu.enqueue_dma source(%dma_start3A_197 : memref<64xi32, #tpu.memory_space<hbm>>) target(%arg13 : memref<64xi32, #tpu.memory_space<vmem>>) target_semaphore(%arg22 : memref<!tpu.dma_semaphore, #tpu.memory_space<semaphore_mem>>)
      } else {
      }
      %dma_wait3A_179 = arith.constant 0 : i32
      %dma_wait3A_180 = arith.constant 0 : i32
      %dma_wait3A_181 = tpu.memref_slice %arg19[%dma_wait3A_179, %dma_wait3A_180] : memref<10240x128xf32, #tpu.memory_space<vmem_shared>> -> memref<10240x128xf32, #tpu.memory_space<vmem_shared>>
      tpu.wait_indirect_dma semaphore(%arg31 : memref<!tpu.dma_semaphore, #tpu.memory_space<semaphore_mem>>) src(%arg18 : memref<64x128xf32, #tpu.memory_space<vmem>>) dst(%dma_wait3A_181 : memref<10240x128xf32, #tpu.memory_space<vmem_shared>>)
      %add3A_182 = arith.constant 4 : i32
      %add3A_183 = arith.addi %mul3A_81, %add3A_182 : i32
      %add3A_184 = arith.constant 3 : i32
      %add3A_185 = arith.addi %add3A_183, %add3A_184 : i32
      %lt3A_186 = arith.cmpi slt, %add3A_185, %select_n3A_8 : i32
      %convert_element_type3A_187 = arith.extui %lt3A_186 : i1 to i32
      %cond3A_188 = arith.constant 0 : i32
      %cond3A_189 = arith.cmpi ne, %convert_element_type3A_187, %cond3A_188 : i32
      scf.if %cond3A_189 {
        %add3A_191 = arith.addi %select_n3A, %add3A_185 : i32
        %mul3A_192 = arith.constant 64 : i32
        %mul3A_193 = arith.muli %add3A_191, %mul3A_192 : i32
        %dma_start3A_194 = tpu.memref_slice %arg3[%mul3A_193] : memref<327680xi32, #tpu.memory_space<hbm>> -> memref<64xi32, #tpu.memory_space<hbm>>
        %dma_start3A_195 = tpu.memref_slice %arg3[%mul3A_193] : memref<327680xi32, #tpu.memory_space<hbm>> -> memref<64xi32, #tpu.memory_space<hbm>>
        tpu.enqueue_dma source(%dma_start3A_195 : memref<64xi32, #tpu.memory_space<hbm>>) target(%arg10 : memref<64xi32, #tpu.memory_space<vmem>>) target_semaphore(%arg23 : memref<!tpu.dma_semaphore, #tpu.memory_space<semaphore_mem>>)
        %dma_start3A_196 = tpu.memref_slice %arg4[%mul3A_193] : memref<327680xi32, #tpu.memory_space<hbm>> -> memref<64xi32, #tpu.memory_space<hbm>>
        %dma_start3A_197 = tpu.memref_slice %arg4[%mul3A_193] : memref<327680xi32, #tpu.memory_space<hbm>> -> memref<64xi32, #tpu.memory_space<hbm>>
        tpu.enqueue_dma source(%dma_start3A_197 : memref<64xi32, #tpu.memory_space<hbm>>) target(%arg14 : memref<64xi32, #tpu.memory_space<vmem>>) target_semaphore(%arg23 : memref<!tpu.dma_semaphore, #tpu.memory_space<semaphore_mem>>)
      } else {
      }
      %while3A_190 = arith.constant 0 : i32
      scf.yield %while3A_190 : i32
    }
    %while3A_71 = arith.constant 1 : i32
    %while3A_72 = scf.for %while3A_78 = %while3A_68 to %while3A_64 step %while3A_71 iter_args(%while3A_79 = %while3A_70) -> (i32)  : i32 {
      %mul3A_80 = arith.constant 4 : i32
      %mul3A_81 = arith.muli %while3A_78, %mul3A_80 : i32
      %dma_wait3A = arith.constant 0 : i32
      %dma_wait3A_82 = tpu.memref_slice %arg3[%dma_wait3A] : memref<327680xi32, #tpu.memory_space<hbm>> -> memref<64xi32, #tpu.memory_space<hbm>>
      %dma_wait3A_83 = arith.constant 0 : i32
      %dma_wait3A_84 = tpu.memref_slice %arg3[%dma_wait3A_83] : memref<327680xi32, #tpu.memory_space<hbm>> -> memref<64xi32, #tpu.memory_space<hbm>>
      tpu.wait_dma2 semaphore(%arg20 : memref<!tpu.dma_semaphore, #tpu.memory_space<semaphore_mem>>) src(%dma_wait3A_84 : memref<64xi32, #tpu.memory_space<hbm>>) dst(%arg7 : memref<64xi32, #tpu.memory_space<vmem>>)
      %dma_wait3A_85 = arith.constant 0 : i32
      %dma_wait3A_86 = tpu.memref_slice %arg4[%dma_wait3A_85] : memref<327680xi32, #tpu.memory_space<hbm>> -> memref<64xi32, #tpu.memory_space<hbm>>
      %dma_wait3A_87 = arith.constant 0 : i32
      %dma_wait3A_88 = tpu.memref_slice %arg4[%dma_wait3A_87] : memref<327680xi32, #tpu.memory_space<hbm>> -> memref<64xi32, #tpu.memory_space<hbm>>
      tpu.wait_dma2 semaphore(%arg20 : memref<!tpu.dma_semaphore, #tpu.memory_space<semaphore_mem>>) src(%dma_wait3A_88 : memref<64xi32, #tpu.memory_space<hbm>>) dst(%arg11 : memref<64xi32, #tpu.memory_space<vmem>>)
      %dma_start3A_89 = arith.constant 0 : i32
      %dma_start3A_90 = arith.constant 0 : i32
      %dma_start3A_91 = tpu.memref_slice %arg2[%dma_start3A_89, %dma_start3A_90] : memref<10240x128xf32, #tpu.memory_space<hbm>> -> memref<10240x128xf32, #tpu.memory_space<hbm>>
      tpu.enqueue_indirect_dma source(%dma_start3A_91 : memref<10240x128xf32, #tpu.memory_space<hbm>>) target(%arg15 : memref<64x128xf32, #tpu.memory_space<vmem>>) offsets(%arg7 : memref<64xi32, #tpu.memory_space<vmem>>) semaphore(%arg24 : memref<!tpu.dma_semaphore, #tpu.memory_space<semaphore_mem>>)
      %dma_wait3A_92 = arith.constant 0 : i32
      %dma_wait3A_93 = tpu.memref_slice %arg3[%dma_wait3A_92] : memref<327680xi32, #tpu.memory_space<hbm>> -> memref<64xi32, #tpu.memory_space<hbm>>
      %dma_wait3A_94 = arith.constant 0 : i32
      %dma_wait3A_95 = tpu.memref_slice %arg3[%dma_wait3A_94] : memref<327680xi32, #tpu.memory_space<hbm>> -> memref<64xi32, #tpu.memory_space<hbm>>
      tpu.wait_dma2 semaphore(%arg21 : memref<!tpu.dma_semaphore, #tpu.memory_space<semaphore_mem>>) src(%dma_wait3A_95 : memref<64xi32, #tpu.memory_space<hbm>>) dst(%arg8 : memref<64xi32, #tpu.memory_space<vmem>>)
      %dma_wait3A_96 = arith.constant 0 : i32
      %dma_wait3A_97 = tpu.memref_slice %arg4[%dma_wait3A_96] : memref<327680xi32, #tpu.memory_space<hbm>> -> memref<64xi32, #tpu.memory_space<hbm>>
      %dma_wait3A_98 = arith.constant 0 : i32
      %dma_wait3A_99 = tpu.memref_slice %arg4[%dma_wait3A_98] : memref<327680xi32, #tpu.memory_space<hbm>> -> memref<64xi32, #tpu.memory_space<hbm>>
      tpu.wait_dma2 semaphore(%arg21 : memref<!tpu.dma_semaphore, #tpu.memory_space<semaphore_mem>>) src(%dma_wait3A_99 : memref<64xi32, #tpu.memory_space<hbm>>) dst(%arg12 : memref<64xi32, #tpu.memory_space<vmem>>)
      %dma_start3A_100 = arith.constant 0 : i32
      %dma_start3A_101 = arith.constant 0 : i32
      %dma_start3A_102 = tpu.memref_slice %arg2[%dma_start3A_100, %dma_start3A_101] : memref<10240x128xf32, #tpu.memory_space<hbm>> -> memref<10240x128xf32, #tpu.memory_space<hbm>>
      tpu.enqueue_indirect_dma source(%dma_start3A_102 : memref<10240x128xf32, #tpu.memory_space<hbm>>) target(%arg16 : memref<64x128xf32, #tpu.memory_space<vmem>>) offsets(%arg8 : memref<64xi32, #tpu.memory_space<vmem>>) semaphore(%arg25 : memref<!tpu.dma_semaphore, #tpu.memory_space<semaphore_mem>>)
      %dma_wait3A_103 = arith.constant 0 : i32
      %dma_wait3A_104 = tpu.memref_slice %arg3[%dma_wait3A_103] : memref<327680xi32, #tpu.memory_space<hbm>> -> memref<64xi32, #tpu.memory_space<hbm>>
      %dma_wait3A_105 = arith.constant 0 : i32
      %dma_wait3A_106 = tpu.memref_slice %arg3[%dma_wait3A_105] : memref<327680xi32, #tpu.memory_space<hbm>> -> memref<64xi32, #tpu.memory_space<hbm>>
      tpu.wait_dma2 semaphore(%arg22 : memref<!tpu.dma_semaphore, #tpu.memory_space<semaphore_mem>>) src(%dma_wait3A_106 : memref<64xi32, #tpu.memory_space<hbm>>) dst(%arg9 : memref<64xi32, #tpu.memory_space<vmem>>)
      %dma_wait3A_107 = arith.constant 0 : i32
      %dma_wait3A_108 = tpu.memref_slice %arg4[%dma_wait3A_107] : memref<327680xi32, #tpu.memory_space<hbm>> -> memref<64xi32, #tpu.memory_space<hbm>>
      %dma_wait3A_109 = arith.constant 0 : i32
      %dma_wait3A_110 = tpu.memref_slice %arg4[%dma_wait3A_109] : memref<327680xi32, #tpu.memory_space<hbm>> -> memref<64xi32, #tpu.memory_space<hbm>>
      tpu.wait_dma2 semaphore(%arg22 : memref<!tpu.dma_semaphore, #tpu.memory_space<semaphore_mem>>) src(%dma_wait3A_110 : memref<64xi32, #tpu.memory_space<hbm>>) dst(%arg13 : memref<64xi32, #tpu.memory_space<vmem>>)
      %dma_start3A_111 = arith.constant 0 : i32
      %dma_start3A_112 = arith.constant 0 : i32
      %dma_start3A_113 = tpu.memref_slice %arg2[%dma_start3A_111, %dma_start3A_112] : memref<10240x128xf32, #tpu.memory_space<hbm>> -> memref<10240x128xf32, #tpu.memory_space<hbm>>
      tpu.enqueue_indirect_dma source(%dma_start3A_113 : memref<10240x128xf32, #tpu.memory_space<hbm>>) target(%arg17 : memref<64x128xf32, #tpu.memory_space<vmem>>) offsets(%arg9 : memref<64xi32, #tpu.memory_space<vmem>>) semaphore(%arg26 : memref<!tpu.dma_semaphore, #tpu.memory_space<semaphore_mem>>)
      %dma_wait3A_114 = arith.constant 0 : i32
      %dma_wait3A_115 = tpu.memref_slice %arg3[%dma_wait3A_114] : memref<327680xi32, #tpu.memory_space<hbm>> -> memref<64xi32, #tpu.memory_space<hbm>>
      %dma_wait3A_116 = arith.constant 0 : i32
      %dma_wait3A_117 = tpu.memref_slice %arg3[%dma_wait3A_116] : memref<327680xi32, #tpu.memory_space<hbm>> -> memref<64xi32, #tpu.memory_space<hbm>>
      tpu.wait_dma2 semaphore(%arg23 : memref<!tpu.dma_semaphore, #tpu.memory_space<semaphore_mem>>) src(%dma_wait3A_117 : memref<64xi32, #tpu.memory_space<hbm>>) dst(%arg10 : memref<64xi32, #tpu.memory_space<vmem>>)
      %dma_wait3A_118 = arith.constant 0 : i32
      %dma_wait3A_119 = tpu.memref_slice %arg4[%dma_wait3A_118] : memref<327680xi32, #tpu.memory_space<hbm>> -> memref<64xi32, #tpu.memory_space<hbm>>
      %dma_wait3A_120 = arith.constant 0 : i32
      %dma_wait3A_121 = tpu.memref_slice %arg4[%dma_wait3A_120] : memref<327680xi32, #tpu.memory_space<hbm>> -> memref<64xi32, #tpu.memory_space<hbm>>
      tpu.wait_dma2 semaphore(%arg23 : memref<!tpu.dma_semaphore, #tpu.memory_space<semaphore_mem>>) src(%dma_wait3A_121 : memref<64xi32, #tpu.memory_space<hbm>>) dst(%arg14 : memref<64xi32, #tpu.memory_space<vmem>>)
      %dma_start3A_122 = arith.constant 0 : i32
      %dma_start3A_123 = arith.constant 0 : i32
      %dma_start3A_124 = tpu.memref_slice %arg2[%dma_start3A_122, %dma_start3A_123] : memref<10240x128xf32, #tpu.memory_space<hbm>> -> memref<10240x128xf32, #tpu.memory_space<hbm>>
      tpu.enqueue_indirect_dma source(%dma_start3A_124 : memref<10240x128xf32, #tpu.memory_space<hbm>>) target(%arg18 : memref<64x128xf32, #tpu.memory_space<vmem>>) offsets(%arg10 : memref<64xi32, #tpu.memory_space<vmem>>) semaphore(%arg27 : memref<!tpu.dma_semaphore, #tpu.memory_space<semaphore_mem>>)
      %dma_wait3A_125 = arith.constant 0 : i32
      %dma_wait3A_126 = arith.constant 0 : i32
      %dma_wait3A_127 = tpu.memref_slice %arg2[%dma_wait3A_125, %dma_wait3A_126] : memref<10240x128xf32, #tpu.memory_space<hbm>> -> memref<10240x128xf32, #tpu.memory_space<hbm>>
      tpu.wait_indirect_dma semaphore(%arg24 : memref<!tpu.dma_semaphore, #tpu.memory_space<semaphore_mem>>) src(%dma_wait3A_127 : memref<10240x128xf32, #tpu.memory_space<hbm>>) dst(%arg15 : memref<64x128xf32, #tpu.memory_space<vmem>>)
      %dma_start3A_128 = arith.constant 0 : i32
      %dma_start3A_129 = arith.constant 0 : i32
      %dma_start3A_130 = tpu.memref_slice %arg19[%dma_start3A_128, %dma_start3A_129] : memref<10240x128xf32, #tpu.memory_space<vmem_shared>> -> memref<10240x128xf32, #tpu.memory_space<vmem_shared>>
      tpu.enqueue_indirect_dma source(%arg15 : memref<64x128xf32, #tpu.memory_space<vmem>>) target(%dma_start3A_130 : memref<10240x128xf32, #tpu.memory_space<vmem_shared>>) offsets(%arg11 : memref<64xi32, #tpu.memory_space<vmem>>) semaphore(%arg28 : memref<!tpu.dma_semaphore, #tpu.memory_space<semaphore_mem>>) {add = true}
      %dma_wait3A_131 = arith.constant 0 : i32
      %dma_wait3A_132 = arith.constant 0 : i32
      %dma_wait3A_133 = tpu.memref_slice %arg2[%dma_wait3A_131, %dma_wait3A_132] : memref<10240x128xf32, #tpu.memory_space<hbm>> -> memref<10240x128xf32, #tpu.memory_space<hbm>>
      tpu.wait_indirect_dma semaphore(%arg25 : memref<!tpu.dma_semaphore, #tpu.memory_space<semaphore_mem>>) src(%dma_wait3A_133 : memref<10240x128xf32, #tpu.memory_space<hbm>>) dst(%arg16 : memref<64x128xf32, #tpu.memory_space<vmem>>)
      %dma_start3A_134 = arith.constant 0 : i32
      %dma_start3A_135 = arith.constant 0 : i32
      %dma_start3A_136 = tpu.memref_slice %arg19[%dma_start3A_134, %dma_start3A_135] : memref<10240x128xf32, #tpu.memory_space<vmem_shared>> -> memref<10240x128xf32, #tpu.memory_space<vmem_shared>>
      tpu.enqueue_indirect_dma source(%arg16 : memref<64x128xf32, #tpu.memory_space<vmem>>) target(%dma_start3A_136 : memref<10240x128xf32, #tpu.memory_space<vmem_shared>>) offsets(%arg12 : memref<64xi32, #tpu.memory_space<vmem>>) semaphore(%arg29 : memref<!tpu.dma_semaphore, #tpu.memory_space<semaphore_mem>>) {add = true}
      %dma_wait3A_137 = arith.constant 0 : i32
      %dma_wait3A_138 = arith.constant 0 : i32
      %dma_wait3A_139 = tpu.memref_slice %arg2[%dma_wait3A_137, %dma_wait3A_138] : memref<10240x128xf32, #tpu.memory_space<hbm>> -> memref<10240x128xf32, #tpu.memory_space<hbm>>
      tpu.wait_indirect_dma semaphore(%arg26 : memref<!tpu.dma_semaphore, #tpu.memory_space<semaphore_mem>>) src(%dma_wait3A_139 : memref<10240x128xf32, #tpu.memory_space<hbm>>) dst(%arg17 : memref<64x128xf32, #tpu.memory_space<vmem>>)
      %dma_start3A_140 = arith.constant 0 : i32
      %dma_start3A_141 = arith.constant 0 : i32
      %dma_start3A_142 = tpu.memref_slice %arg19[%dma_start3A_140, %dma_start3A_141] : memref<10240x128xf32, #tpu.memory_space<vmem_shared>> -> memref<10240x128xf32, #tpu.memory_space<vmem_shared>>
      tpu.enqueue_indirect_dma source(%arg17 : memref<64x128xf32, #tpu.memory_space<vmem>>) target(%dma_start3A_142 : memref<10240x128xf32, #tpu.memory_space<vmem_shared>>) offsets(%arg13 : memref<64xi32, #tpu.memory_space<vmem>>) semaphore(%arg30 : memref<!tpu.dma_semaphore, #tpu.memory_space<semaphore_mem>>) {add = true}
      %dma_wait3A_143 = arith.constant 0 : i32
      %dma_wait3A_144 = arith.constant 0 : i32
      %dma_wait3A_145 = tpu.memref_slice %arg2[%dma_wait3A_143, %dma_wait3A_144] : memref<10240x128xf32, #tpu.memory_space<hbm>> -> memref<10240x128xf32, #tpu.memory_space<hbm>>
      tpu.wait_indirect_dma semaphore(%arg27 : memref<!tpu.dma_semaphore, #tpu.memory_space<semaphore_mem>>) src(%dma_wait3A_145 : memref<10240x128xf32, #tpu.memory_space<hbm>>) dst(%arg18 : memref<64x128xf32, #tpu.memory_space<vmem>>)
      %dma_start3A_146 = arith.constant 0 : i32
      %dma_start3A_147 = arith.constant 0 : i32
      %dma_start3A_148 = tpu.memref_slice %arg19[%dma_start3A_146, %dma_start3A_147] : memref<10240x128xf32, #tpu.memory_space<vmem_shared>> -> memref<10240x128xf32, #tpu.memory_space<vmem_shared>>
      tpu.enqueue_indirect_dma source(%arg18 : memref<64x128xf32, #tpu.memory_space<vmem>>) target(%dma_start3A_148 : memref<10240x128xf32, #tpu.memory_space<vmem_shared>>) offsets(%arg14 : memref<64xi32, #tpu.memory_space<vmem>>) semaphore(%arg31 : memref<!tpu.dma_semaphore, #tpu.memory_space<semaphore_mem>>) {add = true}
      %dma_wait3A_149 = arith.constant 0 : i32
      %dma_wait3A_150 = arith.constant 0 : i32
      %dma_wait3A_151 = tpu.memref_slice %arg19[%dma_wait3A_149, %dma_wait3A_150] : memref<10240x128xf32, #tpu.memory_space<vmem_shared>> -> memref<10240x128xf32, #tpu.memory_space<vmem_shared>>
      tpu.wait_indirect_dma semaphore(%arg28 : memref<!tpu.dma_semaphore, #tpu.memory_space<semaphore_mem>>) src(%arg15 : memref<64x128xf32, #tpu.memory_space<vmem>>) dst(%dma_wait3A_151 : memref<10240x128xf32, #tpu.memory_space<vmem_shared>>)
      %add3A_152 = arith.constant 4 : i32
      %add3A_153 = arith.addi %mul3A_81, %add3A_152 : i32
      %add3A_154 = arith.constant 0 : i32
      %add3A_155 = arith.addi %add3A_153, %add3A_154 : i32
      %lt3A = arith.cmpi slt, %add3A_155, %select_n3A_8 : i32
      %convert_element_type3A = arith.extui %lt3A : i1 to i32
      %cond3A = arith.constant 0 : i32
      %cond3A_156 = arith.cmpi ne, %convert_element_type3A, %cond3A : i32
      scf.if %cond3A_156 {
        %add3A_191 = arith.addi %select_n3A, %add3A_155 : i32
        %mul3A_192 = arith.constant 64 : i32
        %mul3A_193 = arith.muli %add3A_191, %mul3A_192 : i32
        %dma_start3A_194 = tpu.memref_slice %arg3[%mul3A_193] : memref<327680xi32, #tpu.memory_space<hbm>> -> memref<64xi32, #tpu.memory_space<hbm>>
        %dma_start3A_195 = tpu.memref_slice %arg3[%mul3A_193] : memref<327680xi32, #tpu.memory_space<hbm>> -> memref<64xi32, #tpu.memory_space<hbm>>
        tpu.enqueue_dma source(%dma_start3A_195 : memref<64xi32, #tpu.memory_space<hbm>>) target(%arg7 : memref<64xi32, #tpu.memory_space<vmem>>) target_semaphore(%arg20 : memref<!tpu.dma_semaphore, #tpu.memory_space<semaphore_mem>>)
        %dma_start3A_196 = tpu.memref_slice %arg4[%mul3A_193] : memref<327680xi32, #tpu.memory_space<hbm>> -> memref<64xi32, #tpu.memory_space<hbm>>
        %dma_start3A_197 = tpu.memref_slice %arg4[%mul3A_193] : memref<327680xi32, #tpu.memory_space<hbm>> -> memref<64xi32, #tpu.memory_space<hbm>>
        tpu.enqueue_dma source(%dma_start3A_197 : memref<64xi32, #tpu.memory_space<hbm>>) target(%arg11 : memref<64xi32, #tpu.memory_space<vmem>>) target_semaphore(%arg20 : memref<!tpu.dma_semaphore, #tpu.memory_space<semaphore_mem>>)
      } else {
      }
      %dma_wait3A_157 = arith.constant 0 : i32
      %dma_wait3A_158 = arith.constant 0 : i32
      %dma_wait3A_159 = tpu.memref_slice %arg19[%dma_wait3A_157, %dma_wait3A_158] : memref<10240x128xf32, #tpu.memory_space<vmem_shared>> -> memref<10240x128xf32, #tpu.memory_space<vmem_shared>>
      tpu.wait_indirect_dma semaphore(%arg29 : memref<!tpu.dma_semaphore, #tpu.memory_space<semaphore_mem>>) src(%arg16 : memref<64x128xf32, #tpu.memory_space<vmem>>) dst(%dma_wait3A_159 : memref<10240x128xf32, #tpu.memory_space<vmem_shared>>)
      %add3A_160 = arith.constant 4 : i32
      %add3A_161 = arith.addi %mul3A_81, %add3A_160 : i32
      %add3A_162 = arith.constant 1 : i32
      %add3A_163 = arith.addi %add3A_161, %add3A_162 : i32
      %lt3A_164 = arith.cmpi slt, %add3A_163, %select_n3A_8 : i32
      %convert_element_type3A_165 = arith.extui %lt3A_164 : i1 to i32
      %cond3A_166 = arith.constant 0 : i32
      %cond3A_167 = arith.cmpi ne, %convert_element_type3A_165, %cond3A_166 : i32
      scf.if %cond3A_167 {
        %add3A_191 = arith.addi %select_n3A, %add3A_163 : i32
        %mul3A_192 = arith.constant 64 : i32
        %mul3A_193 = arith.muli %add3A_191, %mul3A_192 : i32
        %dma_start3A_194 = tpu.memref_slice %arg3[%mul3A_193] : memref<327680xi32, #tpu.memory_space<hbm>> -> memref<64xi32, #tpu.memory_space<hbm>>
        %dma_start3A_195 = tpu.memref_slice %arg3[%mul3A_193] : memref<327680xi32, #tpu.memory_space<hbm>> -> memref<64xi32, #tpu.memory_space<hbm>>
        tpu.enqueue_dma source(%dma_start3A_195 : memref<64xi32, #tpu.memory_space<hbm>>) target(%arg8 : memref<64xi32, #tpu.memory_space<vmem>>) target_semaphore(%arg21 : memref<!tpu.dma_semaphore, #tpu.memory_space<semaphore_mem>>)
        %dma_start3A_196 = tpu.memref_slice %arg4[%mul3A_193] : memref<327680xi32, #tpu.memory_space<hbm>> -> memref<64xi32, #tpu.memory_space<hbm>>
        %dma_start3A_197 = tpu.memref_slice %arg4[%mul3A_193] : memref<327680xi32, #tpu.memory_space<hbm>> -> memref<64xi32, #tpu.memory_space<hbm>>
        tpu.enqueue_dma source(%dma_start3A_197 : memref<64xi32, #tpu.memory_space<hbm>>) target(%arg12 : memref<64xi32, #tpu.memory_space<vmem>>) target_semaphore(%arg21 : memref<!tpu.dma_semaphore, #tpu.memory_space<semaphore_mem>>)
      } else {
      }
      %dma_wait3A_168 = arith.constant 0 : i32
      %dma_wait3A_169 = arith.constant 0 : i32
      %dma_wait3A_170 = tpu.memref_slice %arg19[%dma_wait3A_168, %dma_wait3A_169] : memref<10240x128xf32, #tpu.memory_space<vmem_shared>> -> memref<10240x128xf32, #tpu.memory_space<vmem_shared>>
      tpu.wait_indirect_dma semaphore(%arg30 : memref<!tpu.dma_semaphore, #tpu.memory_space<semaphore_mem>>) src(%arg17 : memref<64x128xf32, #tpu.memory_space<vmem>>) dst(%dma_wait3A_170 : memref<10240x128xf32, #tpu.memory_space<vmem_shared>>)
      %add3A_171 = arith.constant 4 : i32
      %add3A_172 = arith.addi %mul3A_81, %add3A_171 : i32
      %add3A_173 = arith.constant 2 : i32
      %add3A_174 = arith.addi %add3A_172, %add3A_173 : i32
      %lt3A_175 = arith.cmpi slt, %add3A_174, %select_n3A_8 : i32
      %convert_element_type3A_176 = arith.extui %lt3A_175 : i1 to i32
      %cond3A_177 = arith.constant 0 : i32
      %cond3A_178 = arith.cmpi ne, %convert_element_type3A_176, %cond3A_177 : i32
      scf.if %cond3A_178 {
        %add3A_191 = arith.addi %select_n3A, %add3A_174 : i32
        %mul3A_192 = arith.constant 64 : i32
        %mul3A_193 = arith.muli %add3A_191, %mul3A_192 : i32
        %dma_start3A_194 = tpu.memref_slice %arg3[%mul3A_193] : memref<327680xi32, #tpu.memory_space<hbm>> -> memref<64xi32, #tpu.memory_space<hbm>>
        %dma_start3A_195 = tpu.memref_slice %arg3[%mul3A_193] : memref<327680xi32, #tpu.memory_space<hbm>> -> memref<64xi32, #tpu.memory_space<hbm>>
        tpu.enqueue_dma source(%dma_start3A_195 : memref<64xi32, #tpu.memory_space<hbm>>) target(%arg9 : memref<64xi32, #tpu.memory_space<vmem>>) target_semaphore(%arg22 : memref<!tpu.dma_semaphore, #tpu.memory_space<semaphore_mem>>)
        %dma_start3A_196 = tpu.memref_slice %arg4[%mul3A_193] : memref<327680xi32, #tpu.memory_space<hbm>> -> memref<64xi32, #tpu.memory_space<hbm>>
        %dma_start3A_197 = tpu.memref_slice %arg4[%mul3A_193] : memref<327680xi32, #tpu.memory_space<hbm>> -> memref<64xi32, #tpu.memory_space<hbm>>
        tpu.enqueue_dma source(%dma_start3A_197 : memref<64xi32, #tpu.memory_space<hbm>>) target(%arg13 : memref<64xi32, #tpu.memory_space<vmem>>) target_semaphore(%arg22 : memref<!tpu.dma_semaphore, #tpu.memory_space<semaphore_mem>>)
      } else {
      }
      %dma_wait3A_179 = arith.constant 0 : i32
      %dma_wait3A_180 = arith.constant 0 : i32
      %dma_wait3A_181 = tpu.memref_slice %arg19[%dma_wait3A_179, %dma_wait3A_180] : memref<10240x128xf32, #tpu.memory_space<vmem_shared>> -> memref<10240x128xf32, #tpu.memory_space<vmem_shared>>
      tpu.wait_indirect_dma semaphore(%arg31 : memref<!tpu.dma_semaphore, #tpu.memory_space<semaphore_mem>>) src(%arg18 : memref<64x128xf32, #tpu.memory_space<vmem>>) dst(%dma_wait3A_181 : memref<10240x128xf32, #tpu.memory_space<vmem_shared>>)
      %add3A_182 = arith.constant 4 : i32
      %add3A_183 = arith.addi %mul3A_81, %add3A_182 : i32
      %add3A_184 = arith.constant 3 : i32
      %add3A_185 = arith.addi %add3A_183, %add3A_184 : i32
      %lt3A_186 = arith.cmpi slt, %add3A_185, %select_n3A_8 : i32
      %convert_element_type3A_187 = arith.extui %lt3A_186 : i1 to i32
      %cond3A_188 = arith.constant 0 : i32
      %cond3A_189 = arith.cmpi ne, %convert_element_type3A_187, %cond3A_188 : i32
      scf.if %cond3A_189 {
        %add3A_191 = arith.addi %select_n3A, %add3A_185 : i32
        %mul3A_192 = arith.constant 64 : i32
        %mul3A_193 = arith.muli %add3A_191, %mul3A_192 : i32
        %dma_start3A_194 = tpu.memref_slice %arg3[%mul3A_193] : memref<327680xi32, #tpu.memory_space<hbm>> -> memref<64xi32, #tpu.memory_space<hbm>>
        %dma_start3A_195 = tpu.memref_slice %arg3[%mul3A_193] : memref<327680xi32, #tpu.memory_space<hbm>> -> memref<64xi32, #tpu.memory_space<hbm>>
        tpu.enqueue_dma source(%dma_start3A_195 : memref<64xi32, #tpu.memory_space<hbm>>) target(%arg10 : memref<64xi32, #tpu.memory_space<vmem>>) target_semaphore(%arg23 : memref<!tpu.dma_semaphore, #tpu.memory_space<semaphore_mem>>)
        %dma_start3A_196 = tpu.memref_slice %arg4[%mul3A_193] : memref<327680xi32, #tpu.memory_space<hbm>> -> memref<64xi32, #tpu.memory_space<hbm>>
        %dma_start3A_197 = tpu.memref_slice %arg4[%mul3A_193] : memref<327680xi32, #tpu.memory_space<hbm>> -> memref<64xi32, #tpu.memory_space<hbm>>
        tpu.enqueue_dma source(%dma_start3A_197 : memref<64xi32, #tpu.memory_space<hbm>>) target(%arg14 : memref<64xi32, #tpu.memory_space<vmem>>) target_semaphore(%arg23 : memref<!tpu.dma_semaphore, #tpu.memory_space<semaphore_mem>>)
      } else {
      }
      %while3A_190 = arith.constant 0 : i32
      scf.yield %while3A_190 : i32
    }
    %barrier3A_73 = arith.constant 0 : index
    tpu.barrier barrier_id(%barrier3A_73)
    %mul3A_74 = arith.constant 640 : i32
    %mul3A_75 = arith.muli %arg1, %mul3A_74 : i32
    %mul3A_76 = arith.constant 640 : i32
    %mul3A_77 = arith.muli %arg1, %mul3A_76 : i32
    "tpu.region"() ({
      %run_scoped3A = tpu.sem_alloc : memref<!tpu.dma_semaphore, #tpu.memory_space<semaphore_mem>>
      %dma_start3A_78 = arith.constant 0 : i32
      %dma_start3A_79 = tpu.memref_slice %arg6[%arg0, %mul3A_77, %dma_start3A_78] : memref<2x10240x128xf32, #tpu.memory_space<hbm>> -> memref<1x640x128xf32, #tpu.memory_space<hbm>>
      %dma_start3A_80 = tpu.memref_squeeze %dma_start3A_79 : memref<1x640x128xf32, #tpu.memory_space<hbm>> -> memref<640x128xf32, #tpu.memory_space<hbm>>
      %dma_start3A_81 = arith.constant 0 : i32
      %dma_start3A_82 = tpu.memref_slice %arg19[%mul3A_75, %dma_start3A_81] : memref<10240x128xf32, #tpu.memory_space<vmem_shared>> -> memref<640x128xf32, #tpu.memory_space<vmem_shared>>
      tpu.enqueue_dma source(%dma_start3A_82 : memref<640x128xf32, #tpu.memory_space<vmem_shared>>) target(%dma_start3A_80 : memref<640x128xf32, #tpu.memory_space<hbm>>) target_semaphore(%run_scoped3A : memref<!tpu.dma_semaphore, #tpu.memory_space<semaphore_mem>>)
      %dma_wait3A = arith.constant 0 : i32
      %dma_wait3A_83 = tpu.memref_slice %arg6[%arg0, %mul3A_77, %dma_wait3A] : memref<2x10240x128xf32, #tpu.memory_space<hbm>> -> memref<1x640x128xf32, #tpu.memory_space<hbm>>
      %dma_wait3A_84 = tpu.memref_squeeze %dma_wait3A_83 : memref<1x640x128xf32, #tpu.memory_space<hbm>> -> memref<640x128xf32, #tpu.memory_space<hbm>>
      %dma_wait3A_85 = arith.constant 0 : i32
      %dma_wait3A_86 = tpu.memref_slice %arg19[%mul3A_75, %dma_wait3A_85] : memref<10240x128xf32, #tpu.memory_space<vmem_shared>> -> memref<640x128xf32, #tpu.memory_space<vmem_shared>>
      tpu.wait_dma2 semaphore(%run_scoped3A : memref<!tpu.dma_semaphore, #tpu.memory_space<semaphore_mem>>) src(%dma_wait3A_86 : memref<640x128xf32, #tpu.memory_space<vmem_shared>>) dst(%dma_wait3A_84 : memref<640x128xf32, #tpu.memory_space<hbm>>)
      tpu.yield
    }) : () -> ()
    return
  }
}

module attributes {stable_mosaic.version = 14 : i64} {
  func.func @_stage_d_body(%arg0: i32, %arg1: memref<2048x128xf32, #tpu.memory_space<vmem>>, %arg2: memref<2048x128xf32, #tpu.memory_space<vmem>>, %arg3: memref<2048x128xf32, #tpu.memory_space<vmem>>, %arg4: memref<2048xf32, #tpu.memory_space<vmem>>, %arg5: memref<128x128xf32, #tpu.memory_space<vmem>>, %arg6: memref<1x128xf32, #tpu.memory_space<vmem>>, %arg7: memref<2048x128xf32, #tpu.memory_space<vmem>>) attributes {dimension_semantics = [#tpu.dimension_semantics<arbitrary>], iteration_bounds = array<i64: 5>, scalar_prefetch = 0 : i64, scratch_operands = 0 : i64, tpu.core_type = #tpu.core_type<tc>, window_params = [{transform_indices = @transform_0, window_bounds = array<i64: 2048, 128>}, {transform_indices = @transform_1, window_bounds = array<i64: 2048, 128>}, {transform_indices = @transform_2, window_bounds = array<i64: 2048, 128>}, {transform_indices = @transform_3, window_bounds = array<i64: 2048>}, {pipeline_mode = #tpu.pipeline_mode<synchronous>, transform_indices = @transform_4, window_bounds = array<i64: 128, 128>}, {pipeline_mode = #tpu.pipeline_mode<synchronous>, transform_indices = @transform_5, window_bounds = array<i64: 1, 128>}, {transform_indices = @transform_6, window_bounds = array<i64: 2048, 128>}]} {
    %get3A = arith.constant 0 : index
    %get3A_0 = vector.load %arg4[%get3A] : memref<2048xf32, #tpu.memory_space<vmem>>, vector<2048xf32>
    %get3A_1 = arith.constant 0 : index
    %get3A_2 = arith.constant 0 : index
    %get3A_3 = vector.load %arg1[%get3A_1, %get3A_2] : memref<2048x128xf32, #tpu.memory_space<vmem>>, vector<2048x128xf32>
    %get3A_4 = arith.constant 0 : index
    %get3A_5 = arith.constant 0 : index
    %get3A_6 = vector.load %arg2[%get3A_4, %get3A_5] : memref<2048x128xf32, #tpu.memory_space<vmem>>, vector<2048x128xf32>
    %add3A = arith.addf %get3A_3, %get3A_6 : vector<2048x128xf32>
    %get3A_7 = arith.constant 0 : index
    %get3A_8 = arith.constant 0 : index
    %get3A_9 = vector.load %arg3[%get3A_7, %get3A_8] : memref<2048x128xf32, #tpu.memory_space<vmem>>, vector<2048x128xf32>
    %add3A_10 = arith.addf %add3A, %get3A_9 : vector<2048x128xf32>
    %broadcast_in_dim3A = vector.shape_cast %get3A_0 : vector<2048xf32> to vector<2048x1xf32>
    %mul3A = vector.broadcast %broadcast_in_dim3A : vector<2048x1xf32> to vector<2048x128xf32>
    %mul3A_11 = arith.mulf %add3A_10, %mul3A : vector<2048x128xf32>
    %get3A_12 = arith.constant 0 : index
    %get3A_13 = arith.constant 0 : index
    %get3A_14 = vector.load %arg6[%get3A_12, %get3A_13] : memref<1x128xf32, #tpu.memory_space<vmem>>, vector<1x128xf32>
    %add3A_15 = vector.broadcast %get3A_14 : vector<1x128xf32> to vector<2048x128xf32>
    %add3A_16 = arith.addf %mul3A_11, %add3A_15 : vector<2048x128xf32>
    %ge3A = arith.constant 0.000000e+00 : f32
    %ge3A_17 = vector.broadcast %ge3A : f32 to vector<2048x128xf32>
    %ge3A_18 = arith.cmpf oge, %add3A_16, %ge3A_17 : vector<2048x128xf32>
    %mul3A_19 = arith.constant 2.000000e-01 : f32
    %mul3A_20 = vector.broadcast %mul3A_19 : f32 to vector<2048x128xf32>
    %mul3A_21 = arith.mulf %mul3A_20, %add3A_16 : vector<2048x128xf32>
    %select_n3A = arith.select %ge3A_18, %add3A_16, %mul3A_21 : vector<2048x128xi1>, vector<2048x128xf32>
    %get3A_22 = arith.constant 0 : index
    %get3A_23 = arith.constant 0 : index
    %get3A_24 = vector.load %arg5[%get3A_22, %get3A_23] : memref<128x128xf32, #tpu.memory_space<vmem>>, vector<128x128xf32>
    %dot_general3A = arith.constant dense<0.000000e+00> : vector<2048x128xf32>
    %dot_general3A_25 = tpu.matmul %select_n3A, %get3A_24, %dot_general3A {dimension_numbers = #tpu.dot_dimension_numbers<[1], [0], [0], [1], [0, 0, 1, 1], [], []>, transpose_lhs_hint = false} : vector<2048x128xf32>, vector<128x128xf32>, vector<2048x128xf32> -> vector<2048x128xf32>
    %broadcast_in_dim3A_26 = vector.shape_cast %get3A_0 : vector<2048xf32> to vector<2048x1xf32>
    %mul3A_27 = vector.broadcast %broadcast_in_dim3A_26 : vector<2048x1xf32> to vector<2048x128xf32>
    %mul3A_28 = arith.mulf %dot_general3A_25, %mul3A_27 : vector<2048x128xf32>
    %swap3A = arith.constant 0 : index
    %swap3A_29 = arith.constant 0 : index
    %swap3A_30 = vector.load %arg7[%swap3A, %swap3A_29] : memref<2048x128xf32, #tpu.memory_space<vmem>>, vector<2048x128xf32>
    tpu.vector_store %arg7[%swap3A, %swap3A_29], %mul3A_28 {strides = array<i32>} : memref<2048x128xf32, #tpu.memory_space<vmem>>, vector<2048x128xf32>,
    return
  }
  func.func @transform_0(%arg0: i32) -> (i32, i32) {
    %c0_i32 = arith.constant 0 : i32
    %c0_i32_0 = arith.constant 0 : i32
    return %arg0, %c0_i32 : i32, i32
  }
  func.func @transform_1(%arg0: i32) -> (i32, i32) {
    %c0_i32 = arith.constant 0 : i32
    %c0_i32_0 = arith.constant 0 : i32
    return %arg0, %c0_i32 : i32, i32
  }
  func.func @transform_2(%arg0: i32) -> (i32, i32) {
    %c0_i32 = arith.constant 0 : i32
    %c0_i32_0 = arith.constant 0 : i32
    return %arg0, %c0_i32 : i32, i32
  }
  func.func @transform_3(%arg0: i32) -> i32 {
    %c0_i32 = arith.constant 0 : i32
    return %arg0 : i32
  }
  func.func @transform_4(%arg0: i32) -> (i32, i32) {
    %c0_i32 = arith.constant 0 : i32
    %c0_i32_0 = arith.constant 0 : i32
    %c0_i32_1 = arith.constant 0 : i32
    return %c0_i32, %c0_i32_0 : i32, i32
  }
  func.func @transform_5(%arg0: i32) -> (i32, i32) {
    %c0_i32 = arith.constant 0 : i32
    %c0_i32_0 = arith.constant 0 : i32
    %c0_i32_1 = arith.constant 0 : i32
    return %c0_i32, %c0_i32_0 : i32, i32
  }
  func.func @transform_6(%arg0: i32) -> (i32, i32) {
    %c0_i32 = arith.constant 0 : i32
    %c0_i32_0 = arith.constant 0 : i32
    return %arg0, %c0_i32 : i32, i32
  }
}

module attributes {stable_mosaic.version = 14 : i64} {
  func.func @_stage_b_body(%arg0: i32, %arg1: memref<2048x128xf32, #tpu.memory_space<vmem>>, %arg2: memref<2048x128xf32, #tpu.memory_space<vmem>>, %arg3: memref<2048x128xf32, #tpu.memory_space<vmem>>, %arg4: memref<128x128xf32, #tpu.memory_space<vmem>>, %arg5: memref<2048x128xf32, #tpu.memory_space<vmem>>, %arg6: memref<2048xf32, #tpu.memory_space<vmem>>) attributes {dimension_semantics = [#tpu.dimension_semantics<arbitrary>], iteration_bounds = array<i64: 5>, scalar_prefetch = 0 : i64, scratch_operands = 0 : i64, tpu.core_type = #tpu.core_type<tc>, window_params = [{transform_indices = @transform_0, window_bounds = array<i64: 2048, 128>}, {transform_indices = @transform_1, window_bounds = array<i64: 2048, 128>}, {transform_indices = @transform_2, window_bounds = array<i64: 2048, 128>}, {pipeline_mode = #tpu.pipeline_mode<synchronous>, transform_indices = @transform_3, window_bounds = array<i64: 128, 128>}, {transform_indices = @transform_4, window_bounds = array<i64: 2048, 128>}, {transform_indices = @transform_5, window_bounds = array<i64: 2048>}]} {
    %get3A = arith.constant 0 : index
    %get3A_0 = arith.constant 0 : index
    %get3A_1 = vector.load %arg2[%get3A, %get3A_0] : memref<2048x128xf32, #tpu.memory_space<vmem>>, vector<2048x1xf32>
    %get3A_2 = vector.shape_cast %get3A_1 : vector<2048x1xf32> to vector<2048xf32>
    %get3A_3 = arith.constant 0 : index
    %get3A_4 = arith.constant 0 : index
    %get3A_5 = vector.load %arg3[%get3A_3, %get3A_4] : memref<2048x128xf32, #tpu.memory_space<vmem>>, vector<2048x1xf32>
    %get3A_6 = vector.shape_cast %get3A_5 : vector<2048x1xf32> to vector<2048xf32>
    %add3A = arith.addf %get3A_2, %get3A_6 : vector<2048xf32>
    %add3A_7 = arith.constant 1.000000e+00 : f32
    %add3A_8 = vector.broadcast %add3A_7 : f32 to vector<2048xf32>
    %add3A_9 = arith.addf %add3A, %add3A_8 : vector<2048xf32>
    %rsqrt3A = math.rsqrt %add3A_9 : vector<2048xf32>
    %get3A_10 = arith.constant 0 : index
    %get3A_11 = arith.constant 0 : index
    %get3A_12 = vector.load %arg1[%get3A_10, %get3A_11] : memref<2048x128xf32, #tpu.memory_space<vmem>>, vector<2048x128xf32>
    %get3A_13 = arith.constant 0 : index
    %get3A_14 = arith.constant 0 : index
    %get3A_15 = vector.load %arg4[%get3A_13, %get3A_14] : memref<128x128xf32, #tpu.memory_space<vmem>>, vector<128x128xf32>
    %dot_general3A = arith.constant dense<0.000000e+00> : vector<2048x128xf32>
    %dot_general3A_16 = tpu.matmul %get3A_12, %get3A_15, %dot_general3A {dimension_numbers = #tpu.dot_dimension_numbers<[1], [0], [0], [1], [0, 0, 1, 1], [], []>, transpose_lhs_hint = false} : vector<2048x128xf32>, vector<128x128xf32>, vector<2048x128xf32> -> vector<2048x128xf32>
    %broadcast_in_dim3A = vector.shape_cast %rsqrt3A : vector<2048xf32> to vector<2048x1xf32>
    %mul3A = vector.broadcast %broadcast_in_dim3A : vector<2048x1xf32> to vector<2048x128xf32>
    %mul3A_17 = arith.mulf %dot_general3A_16, %mul3A : vector<2048x128xf32>
    %swap3A = arith.constant 0 : index
    %swap3A_18 = arith.constant 0 : index
    %swap3A_19 = vector.load %arg5[%swap3A, %swap3A_18] : memref<2048x128xf32, #tpu.memory_space<vmem>>, vector<2048x128xf32>
    tpu.vector_store %arg5[%swap3A, %swap3A_18], %mul3A_17 {strides = array<i32>} : memref<2048x128xf32, #tpu.memory_space<vmem>>, vector<2048x128xf32>,
    %swap3A_20 = arith.constant 0 : index
    %swap3A_21 = vector.load %arg6[%swap3A_20] : memref<2048xf32, #tpu.memory_space<vmem>>, vector<2048xf32>
    tpu.vector_store %arg6[%swap3A_20], %rsqrt3A {strides = array<i32>} : memref<2048xf32, #tpu.memory_space<vmem>>, vector<2048xf32>,
    return
  }
  func.func @transform_0(%arg0: i32) -> (i32, i32) {
    %c0_i32 = arith.constant 0 : i32
    %c0_i32_0 = arith.constant 0 : i32
    return %arg0, %c0_i32 : i32, i32
  }
  func.func @transform_1(%arg0: i32) -> (i32, i32) {
    %c0_i32 = arith.constant 0 : i32
    %c0_i32_0 = arith.constant 0 : i32
    return %arg0, %c0_i32 : i32, i32
  }
  func.func @transform_2(%arg0: i32) -> (i32, i32) {
    %c0_i32 = arith.constant 0 : i32
    %c0_i32_0 = arith.constant 0 : i32
    return %arg0, %c0_i32 : i32, i32
  }
  func.func @transform_3(%arg0: i32) -> (i32, i32) {
    %c0_i32 = arith.constant 0 : i32
    %c0_i32_0 = arith.constant 0 : i32
    %c0_i32_1 = arith.constant 0 : i32
    return %c0_i32, %c0_i32_0 : i32, i32
  }
  func.func @transform_4(%arg0: i32) -> (i32, i32) {
    %c0_i32 = arith.constant 0 : i32
    %c0_i32_0 = arith.constant 0 : i32
    return %arg0, %c0_i32 : i32, i32
  }
  func.func @transform_5(%arg0: i32) -> i32 {
    %c0_i32 = arith.constant 0 : i32
    return %arg0 : i32
  }
}

module attributes {stable_mosaic.version = 14 : i64} {
  func.func @_stage_f_body(%arg0: i32, %arg1: memref<2048x128xf32, #tpu.memory_space<vmem>>, %arg2: memref<2048x128xf32, #tpu.memory_space<vmem>>, %arg3: memref<2048x128xf32, #tpu.memory_space<vmem>>, %arg4: memref<2048xf32, #tpu.memory_space<vmem>>, %arg5: memref<1x128xf32, #tpu.memory_space<vmem>>, %arg6: memref<1x128xf32, #tpu.memory_space<vmem>>, %arg7: memref<128x128xf32, #tpu.memory_space<vmem>>, %arg8: memref<1x128xf32, #tpu.memory_space<vmem>>, %arg9: memref<128x128xf32, #tpu.memory_space<vmem>>, %arg10: memref<2048x128xf32, #tpu.memory_space<vmem>>) attributes {dimension_semantics = [#tpu.dimension_semantics<arbitrary>], iteration_bounds = array<i64: 5>, scalar_prefetch = 0 : i64, scratch_operands = 0 : i64, tpu.core_type = #tpu.core_type<tc>, window_params = [{transform_indices = @transform_0, window_bounds = array<i64: 2048, 128>}, {transform_indices = @transform_1, window_bounds = array<i64: 2048, 128>}, {transform_indices = @transform_2, window_bounds = array<i64: 2048, 128>}, {transform_indices = @transform_3, window_bounds = array<i64: 2048>}, {pipeline_mode = #tpu.pipeline_mode<synchronous>, transform_indices = @transform_4, window_bounds = array<i64: 1, 128>}, {pipeline_mode = #tpu.pipeline_mode<synchronous>, transform_indices = @transform_5, window_bounds = array<i64: 1, 128>}, {pipeline_mode = #tpu.pipeline_mode<synchronous>, transform_indices = @transform_6, window_bounds = array<i64: 128, 128>}, {pipeline_mode = #tpu.pipeline_mode<synchronous>, transform_indices = @transform_7, window_bounds = array<i64: 1, 128>}, {pipeline_mode = #tpu.pipeline_mode<synchronous>, transform_indices = @transform_8, window_bounds = array<i64: 128, 128>}, {transform_indices = @transform_9, window_bounds = array<i64: 2048, 128>}]} {
    %get3A = arith.constant 0 : index
    %get3A_0 = arith.constant 0 : index
    %get3A_1 = vector.load %arg6[%get3A, %get3A_0] : memref<1x128xf32, #tpu.memory_space<vmem>>, vector<1x128xf32>
    %get3A_2 = arith.constant 0 : index
    %get3A_3 = arith.constant 0 : index
    %get3A_4 = vector.load %arg7[%get3A_2, %get3A_3] : memref<128x128xf32, #tpu.memory_space<vmem>>, vector<128x128xf32>
    %dot_general3A = arith.constant dense<0.000000e+00> : vector<1x128xf32>
    %dot_general3A_5 = tpu.matmul %get3A_1, %get3A_4, %dot_general3A {dimension_numbers = #tpu.dot_dimension_numbers<[1], [0], [0], [1], [0, 0, 1, 1], [], []>, transpose_lhs_hint = false} : vector<1x128xf32>, vector<128x128xf32>, vector<1x128xf32> -> vector<1x128xf32>
    %get3A_6 = arith.constant 0 : index
    %get3A_7 = arith.constant 0 : index
    %get3A_8 = vector.load %arg8[%get3A_6, %get3A_7] : memref<1x128xf32, #tpu.memory_space<vmem>>, vector<1x128xf32>
    %add3A = arith.addf %dot_general3A_5, %get3A_8 : vector<1x128xf32>
    %logistic3A = arith.negf %add3A : vector<1x128xf32>
    %logistic3A_9 = math.exp %logistic3A : vector<1x128xf32>
    %logistic3A_10 = arith.constant 1.000000e+00 : f32
    %logistic3A_11 = vector.broadcast %logistic3A_10 : f32 to vector<1x128xf32>
    %logistic3A_12 = arith.addf %logistic3A_11, %logistic3A_9 : vector<1x128xf32>
    %logistic3A_13 = arith.divf %logistic3A_11, %logistic3A_12 : vector<1x128xf32>
    %get3A_14 = arith.constant 0 : index
    %get3A_15 = arith.constant 0 : index
    %get3A_16 = vector.load %arg6[%get3A_14, %get3A_15] : memref<1x128xf32, #tpu.memory_space<vmem>>, vector<1x128xf32>
    %get3A_17 = arith.constant 0 : index
    %get3A_18 = arith.constant 0 : index
    %get3A_19 = vector.load %arg9[%get3A_17, %get3A_18] : memref<128x128xf32, #tpu.memory_space<vmem>>, vector<128x128xf32>
    %dot_general3A_20 = arith.constant dense<0.000000e+00> : vector<1x128xf32>
    %dot_general3A_21 = tpu.matmul %get3A_16, %get3A_19, %dot_general3A_20 {dimension_numbers = #tpu.dot_dimension_numbers<[1], [0], [0], [1], [0, 0, 1, 1], [], []>, transpose_lhs_hint = false} : vector<1x128xf32>, vector<128x128xf32>, vector<1x128xf32> -> vector<1x128xf32>
    %get3A_22 = arith.constant 0 : index
    %get3A_23 = vector.load %arg4[%get3A_22] : memref<2048xf32, #tpu.memory_space<vmem>>, vector<2048xf32>
    %get3A_24 = arith.constant 0 : index
    %get3A_25 = arith.constant 0 : index
    %get3A_26 = vector.load %arg1[%get3A_24, %get3A_25] : memref<2048x128xf32, #tpu.memory_space<vmem>>, vector<2048x128xf32>
    %get3A_27 = arith.constant 0 : index
    %get3A_28 = arith.constant 0 : index
    %get3A_29 = vector.load %arg2[%get3A_27, %get3A_28] : memref<2048x128xf32, #tpu.memory_space<vmem>>, vector<2048x128xf32>
    %add3A_30 = arith.addf %get3A_26, %get3A_29 : vector<2048x128xf32>
    %get3A_31 = arith.constant 0 : index
    %get3A_32 = arith.constant 0 : index
    %get3A_33 = vector.load %arg3[%get3A_31, %get3A_32] : memref<2048x128xf32, #tpu.memory_space<vmem>>, vector<2048x128xf32>
    %add3A_34 = arith.addf %add3A_30, %get3A_33 : vector<2048x128xf32>
    %broadcast_in_dim3A = vector.shape_cast %get3A_23 : vector<2048xf32> to vector<2048x1xf32>
    %mul3A = vector.broadcast %broadcast_in_dim3A : vector<2048x1xf32> to vector<2048x128xf32>
    %mul3A_35 = arith.mulf %add3A_34, %mul3A : vector<2048x128xf32>
    %get3A_36 = arith.constant 0 : index
    %get3A_37 = arith.constant 0 : index
    %get3A_38 = vector.load %arg5[%get3A_36, %get3A_37] : memref<1x128xf32, #tpu.memory_space<vmem>>, vector<1x128xf32>
    %add3A_39 = vector.broadcast %get3A_38 : vector<1x128xf32> to vector<2048x128xf32>
    %add3A_40 = arith.addf %mul3A_35, %add3A_39 : vector<2048x128xf32>
    %mul3A_41 = vector.broadcast %logistic3A_13 : vector<1x128xf32> to vector<2048x128xf32>
    %mul3A_42 = arith.mulf %add3A_40, %mul3A_41 : vector<2048x128xf32>
    %add3A_43 = vector.broadcast %dot_general3A_21 : vector<1x128xf32> to vector<2048x128xf32>
    %add3A_44 = arith.addf %mul3A_42, %add3A_43 : vector<2048x128xf32>
    %swap3A = arith.constant 0 : index
    %swap3A_45 = arith.constant 0 : index
    %swap3A_46 = vector.load %arg10[%swap3A, %swap3A_45] : memref<2048x128xf32, #tpu.memory_space<vmem>>, vector<2048x128xf32>
    tpu.vector_store %arg10[%swap3A, %swap3A_45], %add3A_44 {strides = array<i32>} : memref<2048x128xf32, #tpu.memory_space<vmem>>, vector<2048x128xf32>,
    return
  }
  func.func @transform_0(%arg0: i32) -> (i32, i32) {
    %c0_i32 = arith.constant 0 : i32
    %c0_i32_0 = arith.constant 0 : i32
    return %arg0, %c0_i32 : i32, i32
  }
  func.func @transform_1(%arg0: i32) -> (i32, i32) {
    %c0_i32 = arith.constant 0 : i32
    %c0_i32_0 = arith.constant 0 : i32
    return %arg0, %c0_i32 : i32, i32
  }
  func.func @transform_2(%arg0: i32) -> (i32, i32) {
    %c0_i32 = arith.constant 0 : i32
    %c0_i32_0 = arith.constant 0 : i32
    return %arg0, %c0_i32 : i32, i32
  }
  func.func @transform_3(%arg0: i32) -> i32 {
    %c0_i32 = arith.constant 0 : i32
    return %arg0 : i32
  }
  func.func @transform_4(%arg0: i32) -> (i32, i32) {
    %c0_i32 = arith.constant 0 : i32
    %c0_i32_0 = arith.constant 0 : i32
    %c0_i32_1 = arith.constant 0 : i32
    return %c0_i32, %c0_i32_0 : i32, i32
  }
  func.func @transform_5(%arg0: i32) -> (i32, i32) {
    %c0_i32 = arith.constant 0 : i32
    %c0_i32_0 = arith.constant 0 : i32
    %c0_i32_1 = arith.constant 0 : i32
    return %c0_i32, %c0_i32_0 : i32, i32
  }
  func.func @transform_6(%arg0: i32) -> (i32, i32) {
    %c0_i32 = arith.constant 0 : i32
    %c0_i32_0 = arith.constant 0 : i32
    %c0_i32_1 = arith.constant 0 : i32
    return %c0_i32, %c0_i32_0 : i32, i32
  }
  func.func @transform_7(%arg0: i32) -> (i32, i32) {
    %c0_i32 = arith.constant 0 : i32
    %c0_i32_0 = arith.constant 0 : i32
    %c0_i32_1 = arith.constant 0 : i32
    return %c0_i32, %c0_i32_0 : i32, i32
  }
  func.func @transform_8(%arg0: i32) -> (i32, i32) {
    %c0_i32 = arith.constant 0 : i32
    %c0_i32_0 = arith.constant 0 : i32
    %c0_i32_1 = arith.constant 0 : i32
    return %c0_i32, %c0_i32_0 : i32, i32
  }
  func.func @transform_9(%arg0: i32) -> (i32, i32) {
    %c0_i32 = arith.constant 0 : i32
    %c0_i32_0 = arith.constant 0 : i32
    return %arg0, %c0_i32 : i32, i32
  }
}

</mosaic_0001>

<sc_bundles>
// kernel: kernel.11.cloned.1.call-start
scs
__scs_entry_jumppad:
0x0: {  	(pc) =	sbr.rel $0x88, $3  }
0x1: {  	(tag) =	ssettag $0x0;
	lr =	simm.s32 $0x1  }
0x2: {  	[smem:$0x3F97] =	sst lr;
	_ =	strace $0xD0000000  }
0x3: {  	_ = 	snop  }
0x4: {  	_ = 	snop  }
0x5: {  	_ = 	snop  }
0x6: {  	_ = 	snop  }
0x7: {  	_ = 	snop  }
__scs_overlays_trampoline_lowered:
0x8: {  	[smem:$0x3FA6] =	sst s0  }
0x9: {  	[smem:$0x3FA7] =	sst s1  }
0xa: {  	[smem:$0x3FA8] =	sst s2  }
0xb: {  	[smem:$0x3FA9] =	sst s3  }
0xc: {  	[smem:$0x3FAA] =	sst s4  }
0xd: {  	[smem:$0x3FAB] =	sst s5  }
0xe: {  	[smem:$0x3FAC] =	sst s6  }
0xf: {  	[smem:$0x3FAD] =	sst s7  }
0x10: {  	[smem:$0x3FAE] =	sst s8  }
0x11: {  	[smem:$0x3FAF] =	sst s9;
	s0 =	simm.s32 @!p0 $0x0  }
0x12: {  	s1 =	sld [smem:$0x3F95];
	s0 =	simm.s32 @p0 $0x1  }
0x13: {  	[smem:$0x3FB0] =	sst s0;
	s0 =	simm.s32 @!p1 $0x0  }
0x14: {  	s2 =	sld [smem:$0x3F94];
	s0 =	simm.s32 @p1 $0x1  }
0x15: {  	[smem:$0x3FB1] =	sst s0;
	s0 =	simm.s32 @!p2 $0x0  }
0x16: {  	s3 =	sld [smem:$0x3FDB];
	s0 =	simm.s32 @p2 $0x1  }
0x17: {  	s4 =	simm.s32 $0x1BF5;
	[smem:$0x3FB3] =	sst s0  }
0x18: {  	s0 =	sld [smem:$0x3F96];
	_ =	swait.ge [sflag:s4], $0x0  }
0x19: {  	s7 =	sld [smem:$0x3F97]  }
0x1a: {  	s8 =	sadd.s32 $0xFFFFE003, lr  }
0x1b: {  	s9 =	sadd.s32 $0xFFFFFEF7, lr;
	s5 =	simm.s32 $0xFFFFFFFF;
	p2 =	slt.u32 s8, $0xFFFFF086  }
0x1c: {  	p1 =	slt.u32 s9, $0xF7A;
	s5 =	simm.s32 @!p2 $0x0  }
0x1d: {  	s5 =	simm.s32 @p1 $0x1;
	p0 =	seq.s32 s7, s2  }
0x1e: {  	s7 =	smul.u32 @!p0 $0xF7A, s2;
	p2 =	seq.s32 @!p0 s5, $0x0  }
0x1f: {  	s9 =	smul.u32 $0xF7A, s1;
	s8 =	simm.s32 @!p0 $0x1BF5;
	p2 =	por !p2, p0  }
0x20: {  	[sflag:s8] =	ssyncset.s32 @!p0 $0xFFFFF086;
	s6 =	sadd.s32 @!p0 s3, s7;
	s7 =	simm.s32 @!p0 $0x108  }
0x21: {  	s3 =	sadd.s32 s3, s9;
	s6 =	sadd.s32 @!p0 $0x88, s6;
	s7 =	simm.s32 @p2 $0x1082  }
0x22: {  	[simem:s7], [sflag:s8] =	dma.local @!p0 [hbm:s6], $0xF7A  }
0x23: {  	s9 =	sor.u32 $0xD0000000, s2;
	s6 =	simm.s32 $0x108;
	_ =	swait.ge @!p0 [sflag:s8], $0x0  }
0x24: {  	s3 =	sadd.s32 $0x88, s3;
	s6 =	simm.s32 @!p1 $0x1082;
	[sflag:s4] =	ssyncset.s32 $0xFFFFF086  }
0x25: {  	[simem:s6], [sflag:s4] =	dma.local [hbm:s3], $0xF7A  }
0x26: {  	[smem:$0x3F97] =	sst s1;
	(tag) =	ssettag s2;
	_ =	strace s9  }
0x27: {  	s1 =	sld [smem:$0x3FA7]  }
0x28: {  	s2 =	sld [smem:$0x3FA8]  }
0x29: {  	s4 =	sld [smem:$0x3FAA]  }
0x2a: {  	p0 =	seq.s32 s5, $0x0;
	s5 =	sld [smem:$0x3FAB]  }
0x2b: {  	s6 =	sld [smem:$0x3FAC]  }
0x2c: {  	s7 =	sld [smem:$0x3FAD]  }
0x2d: {  	s3 =	simm.s32 $0x108;
	s8 =	sld [smem:$0x3FAE]  }
0x2e: {  	s3 =	simm.s32 @!p0 $0x1082;
	s9 =	sld [smem:$0x3FAF]  }
0x2f: {  	lr =	sadd.s32 s0, s3;
	s0 =	sld [smem:$0x3FA6]  }
0x30: {  	s3 =	sld [smem:$0x3FA9]  }
0x31: {  	[smem:$0x3FB2] =	sst s10  }
0x32: {  	s10 =	sld [smem:$0x3FB0];
	_ =	sdelay $0x3  }
0x33: {  	p0 =	seq.s32 s10, $0x1;
	s10 =	sld [smem:$0x3FB2];
	_ =	sdelay $0x3  }
0x34: {  	[smem:$0x3FB2] =	sst s10  }
0x35: {  	s10 =	sld [smem:$0x3FB1];
	_ =	sdelay $0x3  }
0x36: {  	p1 =	seq.s32 s10, $0x1;
	s10 =	sld [smem:$0x3FB2];
	_ =	sdelay $0x3  }
0x37: {  	[smem:$0x3FB2] =	sst s10  }
0x38: {  	s10 =	sld [smem:$0x3FB3]  }
0x39: {  	_ = 	snop;
	(pc) =	sbr.ind lr, $3  }
0x3a: {  	_ = 	snop  }
0x3b: {  	_ = 	snop  }
0x3c: {  	p2 =	seq.s32 s10, $0x1;
	s10 =	sld [smem:$0x3FB2]  }
0x3d: {  	_ =	shalt  }
0x3e: {  	_ =	shalt  }
0x3f: {  	_ =	shalt  }
0x40: {  	_ =	shalt  }
0x41: {  	_ =	shalt  }
0x42: {  	_ =	shalt  }
0x43: {  	_ =	shalt  }
0x44: {  	_ =	shalt  }
0x45: {  	_ =	shalt  }
0x46: {  	_ =	shalt  }
0x47: {  	_ =	shalt  }
0x48: {  	_ =	shalt  }
0x49: {  	_ =	shalt  }
0x4a: {  	_ =	shalt  }
0x4b: {  	_ =	shalt  }
0x4c: {  	_ =	shalt  }
0x4d: {  	_ =	shalt  }
0x4e: {  	_ =	shalt  }
0x4f: {  	_ =	shalt  }
0x50: {  	_ =	shalt  }
0x51: {  	_ =	shalt  }
0x52: {  	_ =	shalt  }
0x53: {  	_ =	shalt  }
0x54: {  	_ =	shalt  }
0x55: {  	_ =	shalt  }
0x56: {  	_ =	shalt  }
0x57: {  	_ =	shalt  }
0x58: {  	_ =	shalt  }
0x59: {  	_ =	shalt  }
0x5a: {  	_ =	shalt  }
0x5b: {  	_ =	shalt  }
0x5c: {  	_ =	shalt  }
0x5d: {  	_ =	shalt  }
0x5e: {  	_ =	shalt  }
0x5f: {  	_ =	shalt  }
0x60: {  	_ =	shalt  }
0x61: {  	_ =	shalt  }
0x62: {  	_ =	shalt  }
0x63: {  	_ =	shalt  }
0x64: {  	_ =	shalt  }
0x65: {  	_ =	shalt  }
0x66: {  	_ =	shalt  }
0x67: {  	_ =	shalt  }
0x68: {  	_ =	shalt  }
0x69: {  	_ =	shalt  }
0x6a: {  	_ =	shalt  }
0x6b: {  	_ =	shalt  }
0x6c: {  	_ =	shalt  }
0x6d: {  	_ =	shalt  }
0x6e: {  	_ =	shalt  }
0x6f: {  	_ =	shalt  }
0x70: {  	_ =	shalt  }
0x71: {  	_ =	shalt  }
0x72: {  	_ =	shalt  }
0x73: {  	_ =	shalt  }
0x74: {  	_ =	shalt  }
0x75: {  	_ =	shalt  }
0x76: {  	_ =	shalt  }
0x77: {  	_ =	shalt  }
0x78: {  	_ =	shalt  }
0x79: {  	_ =	shalt  }
0x7a: {  	_ =	shalt  }
0x7b: {  	_ =	shalt  }
0x7c: {  	_ =	shalt  }
0x7d: {  	_ =	shalt  }
0x7e: {  	_ =	shalt  }
0x7f: {  	_ =	shalt  }
0x80: {  	_ =	shalt  }
0x81: {  	_ =	shalt  }
0x82: {  	_ =	shalt  }
0x83: {  	_ =	shalt  }
0x84: {  	_ =	shalt  }
0x85: {  	_ =	shalt  }
0x86: {  	_ =	shalt  }
0x87: {  	_ =	shalt  }
.Lfunc_end0:
.L_simem_size_0:
called_computation.1_lowered:
.L_overlay_start_0:
0x88: {  	s2 =	sld [smem:$0x3FD9]  }
0x89: {  	s3 =	sld [smem:$0x3FFE];
	_ =	sdelay $0x1  }
0x8a: {  	s1 =	srdreg.scid  }
0x8b: {  	s0 =	sand.u32 $0x1, s1  }
0x8c: {  	s17 =	sshll.u32 s0, $0xA;
	s2 =	sadd.s32 s3, s2  }
0x8d: {  	s2 =	sadd.s32 s2, s17  }
0x8e: {  	[smem:$0x3FBE] =	sst s2  }
0x8f: {  	_ = 	snop  }
0x90: {  	s2 =	sld [smem:$0x3FD0];
	(tm) =	ssettm $0x1  }
0x91: {  	s18 =	sld [smem:$0x3FFB];
	_ =	sdelay $0x3  }
0x92: {  	_ =	strace s18  }
0x93: {  	s3 =	sld [smem:$0x3FFC];
	_ =	sdelay $0x3  }
0x94: {  	_ =	strace s3  }
0x95: {  	s3 =	sld [smem:$0x3FFD];
	_ =	sdelay $0x3  }
0x96: {  	_ =	strace s3  }
0x97: {  	_ =	strace $0x8FFFFFFF  }
0x98: {  	s19 =	sld [smem:$0x3FDB];
	_ =	sdelay $0x1  }
0x99: {  	s4 =	simm.s32 $_scs_section_size  }
0x9a: {  	s5 =	simm.s32 $_size__tile_overlayer_lowered;
	s6 =	simm.s32 $_tile_overlayer_lowered  }
0x9b: {  	s22 =	simm.s32 $0x1BFF;
	s21 =	sshll.u32 s6, $0x1;
	s3 =	sadd.s32 s4, s19  }
0x9c: {  	s7 =	simm.s32 $0x0;
	s20 =	sshll.u32 s5, $0x1;
	s5 =	sadd.s32 s21, s3  }
0x9d: {  	[timem:s7], [sflag:s22] =	dma.local [hbm:s5], s20  }
0x9e: {  	_ =	swait.ge [sflag:s22], s20  }
0x9f: {  	s4 =	ssub.s32 $0x0, s20;
	[sflag:s22] =	ssyncset.done $0x0  }
0xa0: {  	[sflag:s22] =	ssyncadd.s32 s4;
	_ =	sdelay $0x1  }
0xa1: {  	s23 =	simm.s32 $0x1B8B  }
0xa2: {  	_ =	swait.ge [sflag:s23], $0x1  }
0xa3: {  	[sflag:s23] =	ssyncset.done $0x0  }
0xa4: {  	s25 =	simm.s32 $0x1B8E;
	s24 =	sld [smem:$0x3FFE];
	[sflag:s23] =	ssyncadd.s32 $0xFFFFFFFF  }
0xa5: {  	s26 =	simm.s32 $execute0_lowered;
	[smem:$0x3FD2] =	sst s25  }
0xa6: {  	s5 =	sshll.u32 s26, $0x1;
	_ =	strace $0x80000049;
	[dreg:$0x1] =	wrdreg $0xFFFFFFFF  }
0xa7: {  	s28 =	simm.s32 $_size_execute0_lowered;
	s3 =	sadd.s32 s3, s5;
	[dreg:$0x0] =	wrdreg $0x0  }
0xa8: {  	s5 =	sshll.u32 s28, $0x1;
	[dreg:$0x2] =	wrdreg s3  }
0xa9: {  	[dreg:$0x3] =	wrdreg s5  }
0xaa: {  	[dreg:$0x4] =	wrdreg $0xC0  }
0xab: {  	_ =	task [dreg:s7], $0x5FFFF  }
0xac: {  	[dreg:$0x1] =	wrdreg $0xFFFFFFFF  }
0xad: {  	[dreg:$0x0] =	wrdreg $0x60  }
0xae: {  	[dreg:$0x2] =	wrdreg s24  }
0xaf: {  	[dreg:$0x3] =	wrdreg s2  }
0xb0: {  	[dreg:$0x4] =	wrdreg $0x84000  }
0xb1: {  	[dreg:$0x5] =	wrdreg $0x9  }
0xb2: {  	_ =	task.clear_ibuf [dreg:s7], $0x6FFFF;
	_ =	strace $0x90000049  }
0xb3: {  	s29 =	simm.s32 $0x9;
	_ =	strace $0x8000004B  }
0xb4: {  	_ =	swait.ge [sflag:s29], $0x1  }
0xb5: {  	[sflag:s29] =	ssyncadd.s32 $0xFFFFFFFF  }
0xb6: {  	_ =	strace $0x9000004B  }
0xb7: {  	_ =	sfence  }
0xb8: {  	s30 =	sld [smem:$0x0];
	_ =	sdelay $0x2  }
0xb9: {  	s31 =	sshll.u32 s1, $0xD;
	s1 =	sshrl.u32 s1, $0x2  }
0xba: {  	s3 =	sand.u32 $0x4000, s31;
	s1 =	sadd.s32 s1, s30  }
0xbb: {  	s0 =	sor.u32 s3, s0;
	s1 =	sshll.u32 s1, $0x11  }
0xbc: {  	s0 =	sor.u32 s1, s0  }
0xbd: {  	s0 =	sadd.s32 $0x8F2B, s0  }
0xbe: {  	[sflag:s0] =	ssyncadd.remote.s32 $0x1  }
0xbf: {  	_ =	sfence.sel $0xFFFF  }
0xc0: {  	[dreg:$0x0] =	wrdreg $0xFFFFFFFF;
	(pc) =	sbr.abs _section_cstart, $3  }
0xc1: {  	[dreg:$0x1] =	wrdreg $0xFFFFFFFF  }
0xc2: {  	_ =	task.clear_ibuf [dreg:s7], $0x2FFFF;
	_ =	strace $0x9FFFFFFF  }
0xc3: {  	(tm) =	ssettm $0x7FFFFFFF  }
tec
execute0_lowered:
.L_overlay_start_1:
0x0: {  	(tag) =	ssettag $0x1  }
0x1: {  	s0 =	rddreg [dreg:$0x0]  }
0x2: {  	s1 =	rddreg [dreg:$0x1]  }
0x3: {  	s2 =	rddreg [dreg:$0x2]  }
0x4: {  	s12 =	stileid.u32;
	s4 =	srdreg.scid;
	s3 =	simm.s32 $0x0  }
0x5: {  	s28 =	simm.s32 $0x40;
	s29 =	simm.s32 $0x400;
	s30 =	simm.s32 $0x2  }
0x6: {  	s31 =	simm.s32 $0x2400;
	s5 =	smul.u32 $0x14000, s12;
	s6 =	sand.u32 $0x1, s4  }
0x7: {  	[smem:$0x7FF] =	sst s3;
	s4 =	sadd.s32 $0x35800, s0;
	s10 =	smul.u32 $0x50000, s12  }
0x8: {  	s9 =	sadd.s32 $0x3400, s0;
	s16 =	sshll.u32 s12, $0x6;
	s7 =	smul.u32 $0x140000, s6  }
0x9: {  	_ =	strace $0x8000004A;
	s14 =	ssub.s32 $0x2, s6;
	p0 =	seq.s32 s6, $0x0  }
0xa: {  	s8 =	sshrl.u32 s5, $0x3;
	s11 =	sshrl.u32 s14, $0x1;
	s15 =	sshrl.u32 s10, $0x2  }
0xb: {  	s5 =	sadd.s32 s5, s7;
	s13 =	sadd.s32 s8, s0;
	s8 =	smul.u32 $0xA0, s12  }
0xc: {  	s10 =	sadd.s32 s15, s2;
	s12 =	simm.s32 $0x7;
	s15 =	simm.s32 $0xA  }
0xd: {  	s5 =	sshrl.u32 s5, $0x3;
	s7 =	sadd.s32 $0xD800, s13;
	s13 =	simm.s32 $0x8  }
0xe: {  	s0 =	sadd.s32 s5, s0;
	s6 =	sadd.s32 $0xA00, s8;
	s5 =	ssub.s32 s14, s11  }
0xf: {  	[dreg:$0x4] =	wrdreg s7;
	s11 =	simm.s32 $0x6;
	s14 =	simm.s32 $0x9  }
0x10: {  	s7 =	simm.s32 $0x0;
	s6 =	smov.u32 @p0 s8;
	s8 =	sor.u32 $0x1C0D, s16  }
0x11: {  	s0 =	sadd.s32 $0x5D800, s0;
	s26 =	smax.u32 s5, $0x1;
	[dreg:$0x11] =	wrdreg s7  }
0x12: {  	s5 =	simm.s32 $0x4;
	s16 =	simm.s32 $0xB;
	[dreg:$0xe] =	wrdreg s0  }
0x13: {  	s6 =	sshll.u32 s6, $0x3;
	[dreg:$0xf] =	wrdreg s26;
	s26 =	simm.s32 $0x1  }
0x14: {  	s0 =	simm.s32 $0x3;
	[dreg:$0x5] =	wrdreg s8;
	s18 =	sadd.s32 s1, s6  }
0x15: {  	s17 =	sor.u32 $0x8, s6;
	s19 =	sadd.s32 s9, s6;
	[dreg:$0x6] =	wrdreg s18  }
0x16: {  	s22 =	sor.u32 $0x10, s6;
	s6 =	sor.u32 $0x18, s6;
	[dreg:$0x7] =	wrdreg s19  }
0x17: {  	s20 =	sadd.s32 s1, s17;
	s21 =	sadd.s32 s9, s17;
	s23 =	sadd.s32 s1, s22  }
0x18: {  	s24 =	sadd.s32 s9, s22;
	s1 =	sadd.s32 s1, s6;
	[dreg:$0x8] =	wrdreg s20  }
0x19: {  	s25 =	sadd.s32 s9, s6;
	s17 =	sshrl.u32 s10, $0x3;
	[dreg:$0x9] =	wrdreg s21  }
0x1a: {  	s18 =	simm.s32 $0xD;
	s19 =	simm.s32 $0x200;
	[dreg:$0xa] =	wrdreg s23  }
.Ltmp0:
0x1b: {  	s22 =	simm.s32 $0x100;
	[dreg:$0xb] =	wrdreg s24;
	(pc) =	sbr.rel .LBB2_1-.Ltmp0, $4  }
0x1c: {  	s9 =	simm.s32 $0x6400;
	s10 =	simm.s32 $0x5;
	[dreg:$0xc] =	wrdreg s1  }
0x1d: {  	s6 =	simm.s32 $0xC;
	[dreg:$0xd] =	wrdreg s25;
	s20 =	simm.s32 $0x80  }
0x1e: {  	s21 =	simm.s32 $0x280;
	s23 =	simm.s32 $0x300;
	s24 =	simm.s32 $0x180  }
0x1f: {  	s25 =	simm.s32 $0x380;
	s1 =	simm.s32 $0x4400;
	[dreg:$0x10] =	wrdreg s17  }
.LBB2_4:
0x20: {  	_ =	swait.ge [sflag:s15], $0x2000  }
0x21: {  	[sflag:s15] =	ssyncset.done $0x0  }
0x22: {  	[sflag:s15] =	ssyncadd.s32 $0xFFFFE000  }
0x23: {  	_ =	swait.ge [sflag:s16], $0x2000  }
0x24: {  	[sflag:s16] =	ssyncset.done $0x0  }
0x25: {  	[sflag:s16] =	ssyncadd.s32 $0xFFFFE000  }
0x26: {  	_ =	swait.ge [sflag:s6], $0x2000  }
0x27: {  	[sflag:s6] =	ssyncset.done $0x0  }
0x28: {  	[sflag:s6] =	ssyncadd.s32 $0xFFFFE000  }
0x29: {  	[bflag:$0x0] =	sbarrier.arrive $0xFFFF  }
0x2a: {  	s8 =	rddreg [dreg:$0x5]  }
0x2b: {  	s7 =	rddreg [dreg:$0xe]  }
0x2c: {  	s18 =	simm.s32 $0xD;
	s17 =	rddreg [dreg:$0x10]  }
0x2d: {  	[hbm:s7], [sflag:s8] =	dma.local [spmem:s17], $0x2800  }
0x2e: {  	_ =	swait.ge [sflag:s18], $0x2800  }
0x2f: {  	s7 =	rddreg [dreg:$0x11]  }
0x30: {  	s8 =	sadd.s32 $0x1, s7;
	s7 =	rddreg [dreg:$0xf]  }
0x31: {  	p0 =	sne.s32 s8, s7  }
.Ltmp1:
0x32: {  	_ = 	snop;
	(pc) =	sbr.rel @!p0 .LBB2_5-.Ltmp1, $3  }
0x33: {  	_ =	sdelay $0x1  }
0x34: {  	[sflag:s18] =	ssyncset.done $0x0;
	[dreg:$0x11] =	wrdreg s8  }
0x35: {  	[sflag:s18] =	ssyncadd.s32 $0xFFFFD800;
	s8 =	rddreg [dreg:$0x5]  }
.LBB2_1:
0x36: {  	s7 =	rddreg [dreg:$0x4]  }
0x37: {  	[spmem:s17], [sflag:s8] =	dma.local [hbm:s7], $0x2800  }
0x38: {  	_ =	swait.ge [sflag:s18], $0x2800  }
0x39: {  	[sflag:s18] =	ssyncset.done $0x0  }
0x3a: {  	[sflag:s18] =	ssyncadd.s32 $0xFFFFD800  }
0x3b: {  	[bflag:$0x0] =	sbarrier.arrive $0xFFFF  }
0x3c: {  	s17 =	rddreg [dreg:$0x6]  }
0x3d: {  	[tilespmem:s3], [sflag:$0x1] =	stream.linear.gather [hbm4b:s17+s3], $0x40, $0x38;
	[tilespmem:$0x1C400] =	vst v63  }
0x3e: {  	s18 =	rddreg [dreg:$0x7]  }
0x3f: {  	[tilespmem:s19], [sflag:$0x1] =	stream.linear.gather [hbm4b:s18+s3], $0x40, $0x38;
	[tilespmem:$0x1C400] =	vst v63  }
0x40: {  	s8 =	rddreg [dreg:$0x8]  }
0x41: {  	[tilespmem:s20], [sflag:$0x2] =	stream.linear.gather [hbm4b:s8+s3], $0x40, $0x38;
	[tilespmem:$0x1C400] =	vst v63  }
0x42: {  	s17 =	rddreg [dreg:$0x9]  }
0x43: {  	[tilespmem:s21], [sflag:$0x2] =	stream.linear.gather [hbm4b:s17+s3], $0x40, $0x38;
	[tilespmem:$0x1C400] =	vst v63  }
0x44: {  	s18 =	rddreg [dreg:$0xa]  }
0x45: {  	[tilespmem:s22], [sflag:$0x3] =	stream.linear.gather [hbm4b:s18+s3], $0x40, $0x38;
	[tilespmem:$0x1C400] =	vst v63  }
0x46: {  	s8 =	rddreg [dreg:$0xb]  }
0x47: {  	[tilespmem:s23], [sflag:$0x3] =	stream.linear.gather [hbm4b:s8+s3], $0x40, $0x38;
	[tilespmem:$0x1C400] =	vst v63  }
0x48: {  	s17 =	rddreg [dreg:$0xc]  }
0x49: {  	[tilespmem:s24], [sflag:$0x4] =	stream.linear.gather [hbm4b:s17+s3], $0x40, $0x38;
	[tilespmem:$0x1C400] =	vst v63  }
0x4a: {  	s18 =	rddreg [dreg:$0xd]  }
0x4b: {  	[tilespmem:s25], [sflag:$0x4] =	stream.linear.gather [hbm4b:s18+s3], $0x40, $0x38;
	[tilespmem:$0x1C400] =	vst v63  }
0x4c: {  	s18 =	simm.s32 $0x0  }
.LBB2_2:
0x4d: {  	_ =	swait.ge [sflag:s26], $0x40  }
0x4e: {  	[sflag:s26] =	ssyncset.done $0x0  }
0x4f: {  	[sflag:s26] =	ssyncadd.s32 $0xFFFFFFC0  }
0x50: {  	_ =	swait.ge [sflag:s26], $0x40  }
0x51: {  	[sflag:s26] =	ssyncset.done $0x0  }
0x52: {  	[sflag:s26] =	ssyncadd.s32 $0xFFFFFFC0  }
0x53: {  	[tilespmem:s29], [sflag:$0x5] =	stream.indirect.gather [hbm4b:s4+s28], $0x80, s3, s28, $0xb8;
	[tilespmem:$0x1C400] =	vst v63  }
0x54: {  	_ =	swait.ge [sflag:s30], $0x40  }
0x55: {  	[sflag:s30] =	ssyncset.done $0x0  }
0x56: {  	[sflag:s30] =	ssyncadd.s32 $0xFFFFFFC0  }
0x57: {  	_ =	swait.ge [sflag:s30], $0x40  }
0x58: {  	[sflag:s30] =	ssyncset.done $0x0  }
0x59: {  	[sflag:s30] =	ssyncadd.s32 $0xFFFFFFC0  }
0x5a: {  	[tilespmem:s31], [sflag:$0x6] =	stream.indirect.gather [hbm4b:s4+s28], $0x80, s20, s28, $0xb8;
	[tilespmem:$0x1C400] =	vst v63  }
0x5b: {  	_ =	swait.ge [sflag:s0], $0x40  }
0x5c: {  	[sflag:s0] =	ssyncset.done $0x0  }
0x5d: {  	[sflag:s0] =	ssyncadd.s32 $0xFFFFFFC0  }
0x5e: {  	_ =	swait.ge [sflag:s0], $0x40  }
0x5f: {  	[sflag:s0] =	ssyncset.done $0x0  }
0x60: {  	[sflag:s0] =	ssyncadd.s32 $0xFFFFFFC0  }
0x61: {  	[tilespmem:s1], [sflag:$0x7] =	stream.indirect.gather [hbm4b:s4+s28], $0x80, s22, s28, $0xb8;
	[tilespmem:$0x1C400] =	vst v63  }
0x62: {  	_ =	swait.ge [sflag:s5], $0x40  }
0x63: {  	[sflag:s5] =	ssyncset.done $0x0  }
0x64: {  	[sflag:s5] =	ssyncadd.s32 $0xFFFFFFC0  }
0x65: {  	_ =	swait.ge [sflag:s5], $0x40  }
0x66: {  	[sflag:s5] =	ssyncset.done $0x0  }
0x67: {  	[sflag:s5] =	ssyncadd.s32 $0xFFFFFFC0  }
0x68: {  	[tilespmem:s9], [sflag:$0x8] =	stream.indirect.gather [hbm4b:s4+s28], $0x80, s24, s28, $0xb8;
	[tilespmem:$0x1C400] =	vst v63  }
0x69: {  	_ =	swait.ge [sflag:s10], $0x2000  }
0x6a: {  	[sflag:s10] =	ssyncset.done $0x0  }
0x6b: {  	[sflag:s10] =	ssyncadd.s32 $0xFFFFE000  }
0x6c: {  	[spmem:s2] =	stream.indirect.scatter.add.f32 [tilespmem:s29], [sflag:$0x9], $0x80, s19, s28, $0xb8;
	[tilespmem:$0x1C400] =	vst v63  }
0x6d: {  	_ =	swait.ge [sflag:s11], $0x2000  }
0x6e: {  	[sflag:s11] =	ssyncset.done $0x0  }
0x6f: {  	[sflag:s11] =	ssyncadd.s32 $0xFFFFE000  }
0x70: {  	[spmem:s2] =	stream.indirect.scatter.add.f32 [tilespmem:s31], [sflag:$0xA], $0x80, s21, s28, $0xb8;
	[tilespmem:$0x1C400] =	vst v63  }
0x71: {  	_ =	swait.ge [sflag:s12], $0x2000  }
0x72: {  	[sflag:s12] =	ssyncset.done $0x0  }
0x73: {  	[sflag:s12] =	ssyncadd.s32 $0xFFFFE000  }
0x74: {  	[spmem:s2] =	stream.indirect.scatter.add.f32 [tilespmem:s1], [sflag:$0xB], $0x80, s23, s28, $0xb8;
	[tilespmem:$0x1C400] =	vst v63  }
0x75: {  	_ =	swait.ge [sflag:s13], $0x2000  }
0x76: {  	p0 =	seq.s32 s18, $0x4E0;
	[sflag:s13] =	ssyncset.done $0x0  }
.Ltmp2:
0x77: {  	[sflag:s13] =	ssyncadd.s32 $0xFFFFE000;
	(pc) =	sbr.rel @p0 .LBB2_4-.Ltmp2, $4  }
0x78: {  	[spmem:s2] =	stream.indirect.scatter.add.f32 [tilespmem:s9], [sflag:$0xC], $0x80, s25, s28, $0xb8;
	[tilespmem:$0x1C400] =	vst v63  }
0x79: {  	_ =	swait.ge [sflag:s14], $0x2000  }
0x7a: {  	[sflag:s14] =	ssyncset.done $0x0  }
0x7b: {  	[sflag:s14] =	ssyncadd.s32 $0xFFFFE000  }
0x7c: {  	s7 =	rddreg [dreg:$0x6]  }
0x7d: {  	s17 =	sadd.s32 s18, s7  }
0x7e: {  	s8 =	rddreg [dreg:$0x7];
	s7 =	sadd.s32 $0x20, s17  }
0x7f: {  	[tilespmem:s3], [sflag:$0x1] =	stream.linear.gather [hbm4b:s7+s3], $0x40, $0x38;
	[tilespmem:$0x1C400] =	vst v63  }
0x80: {  	s7 =	sadd.s32 s18, s8  }
0x81: {  	s8 =	sadd.s32 $0x20, s7  }
0x82: {  	[tilespmem:s19], [sflag:$0x1] =	stream.linear.gather [hbm4b:s8+s3], $0x40, $0x38;
	[tilespmem:$0x1C400] =	vst v63  }
0x83: {  	_ =	swait.ge [sflag:s15], $0x2000  }
0x84: {  	[sflag:s15] =	ssyncset.done $0x0  }
0x85: {  	s8 =	sadd.s32 $0x28, s17;
	[sflag:s15] =	ssyncadd.s32 $0xFFFFE000  }
0x86: {  	[tilespmem:s20], [sflag:$0x2] =	stream.linear.gather [hbm4b:s8+s3], $0x40, $0x38;
	[tilespmem:$0x1C400] =	vst v63  }
0x87: {  	s8 =	sadd.s32 $0x28, s7  }
0x88: {  	[tilespmem:s21], [sflag:$0x2] =	stream.linear.gather [hbm4b:s8+s3], $0x40, $0x38;
	[tilespmem:$0x1C400] =	vst v63  }
0x89: {  	_ =	swait.ge [sflag:s16], $0x2000  }
0x8a: {  	[sflag:s16] =	ssyncset.done $0x0  }
0x8b: {  	s8 =	sadd.s32 $0x30, s17;
	[sflag:s16] =	ssyncadd.s32 $0xFFFFE000  }
0x8c: {  	[tilespmem:s22], [sflag:$0x3] =	stream.linear.gather [hbm4b:s8+s3], $0x40, $0x38;
	[tilespmem:$0x1C400] =	vst v63  }
0x8d: {  	s8 =	sadd.s32 $0x30, s7  }
0x8e: {  	[tilespmem:s23], [sflag:$0x3] =	stream.linear.gather [hbm4b:s8+s3], $0x40, $0x38;
	[tilespmem:$0x1C400] =	vst v63  }
0x8f: {  	_ =	swait.ge [sflag:s6], $0x2000  }
.Ltmp3:
0x90: {  	[sflag:s6] =	ssyncset.done $0x0;
	(pc) =	sbr.rel .LBB2_2-.Ltmp3, $4  }
0x91: {  	s17 =	sadd.s32 $0x38, s17;
	[sflag:s6] =	ssyncadd.s32 $0xFFFFE000  }
0x92: {  	[tilespmem:s24], [sflag:$0x4] =	stream.linear.gather [hbm4b:s17+s3], $0x40, $0x38;
	[tilespmem:$0x1C400] =	vst v63  }
0x93: {  	s18 =	sadd.s32 $0x20, s18;
	s7 =	sadd.s32 $0x38, s7  }
0x94: {  	[tilespmem:s25], [sflag:$0x4] =	stream.linear.gather [hbm4b:s7+s3], $0x40, $0x38;
	[tilespmem:$0x1C400] =	vst v63  }
.LBB2_5:
0x95: {  	_ =	sfence.sel $0x180000  }
0x96: {  	[bflag:$0x0] =	sbarrier.arrive $0xFFFF  }
0x97: {  	_ =	strace $0x9000004A  }
0x98: {  	s0 =	stileid.u32;
	[bflag:$0x2] =	sbarrier.arrive $0xFFFF  }
0x99: {  	p0 =	sne.s32 s0, $0x0;
	s0 =	rddreg [dreg:$0x3]  }
0x9a: {  	s0 =	sadd.s32 @!p0 $0x100000, s0  }
0x9b: {  	[sflag:s0] =	ssyncadd.tile.s32 @!p0 $0x1;
	_ =	shalt  }
.Lfunc_end2:
_tile_overlayer_lowered:
.L_overlay_start_2:
0x9c: {  	(tag) =	ssettag $0x2  }
0x9d: {  	s0 =	rddreg [dreg:$0x0];
	s2 =	stileid.u32  }
0x9e: {  	s1 =	rddreg [dreg:$0x1];
	p0 =	sne.s32 s2, $0x0  }
0x9f: {  	s3 =	rddreg [dreg:$0x2];
	[bflag:$0x3] =	sbarrier.arrive $0xFFFF;
	s2 =	simm.s32 @!p0 $0x1C0D  }
0xa0: {  	[timem:s3], [sflag:s2] =	dma.local @!p0 [hbm:s0], s1  }
0xa1: {  	s0 =	simm.s32 @!p0 $0xD  }
0xa2: {  	_ =	swait.ge @!p0 [sflag:s0], s1  }
0xa3: {  	s1 =	ssub.s32 @!p0 $0x0, s1;
	[sflag:s0] =	ssyncset.done @!p0 $0x0  }
0xa4: {  	[sflag:s0] =	ssyncadd.s32 @!p0 s1  }
0xa5: {  	[bflag:$0x3] =	sbarrier.arrive $0xFFFF  }
0xa6: {  	_ =	shalt  }

// kernel: kernel.14.cloned.1.call-start
scs
__scs_entry_jumppad:
0x0: {  	(pc) =	sbr.rel $0x88, $3  }
0x1: {  	(tag) =	ssettag $0x0;
	lr =	simm.s32 $0x1  }
0x2: {  	[smem:$0x3F97] =	sst lr;
	_ =	strace $0xD0000000  }
0x3: {  	_ = 	snop  }
0x4: {  	_ = 	snop  }
0x5: {  	_ = 	snop  }
0x6: {  	_ = 	snop  }
0x7: {  	_ = 	snop  }
__scs_overlays_trampoline_lowered:
0x8: {  	[smem:$0x3FA6] =	sst s0  }
0x9: {  	[smem:$0x3FA7] =	sst s1  }
0xa: {  	[smem:$0x3FA8] =	sst s2  }
0xb: {  	[smem:$0x3FA9] =	sst s3  }
0xc: {  	[smem:$0x3FAA] =	sst s4  }
0xd: {  	[smem:$0x3FAB] =	sst s5  }
0xe: {  	[smem:$0x3FAC] =	sst s6  }
0xf: {  	[smem:$0x3FAD] =	sst s7  }
0x10: {  	[smem:$0x3FAE] =	sst s8  }
0x11: {  	[smem:$0x3FAF] =	sst s9;
	s0 =	simm.s32 @!p0 $0x0  }
0x12: {  	s1 =	sld [smem:$0x3F95];
	s0 =	simm.s32 @p0 $0x1  }
0x13: {  	[smem:$0x3FB0] =	sst s0;
	s0 =	simm.s32 @!p1 $0x0  }
0x14: {  	s2 =	sld [smem:$0x3F94];
	s0 =	simm.s32 @p1 $0x1  }
0x15: {  	[smem:$0x3FB1] =	sst s0;
	s0 =	simm.s32 @!p2 $0x0  }
0x16: {  	s3 =	sld [smem:$0x3FDB];
	s0 =	simm.s32 @p2 $0x1  }
0x17: {  	s4 =	simm.s32 $0x1BF5;
	[smem:$0x3FB3] =	sst s0  }
0x18: {  	s0 =	sld [smem:$0x3F96];
	_ =	swait.ge [sflag:s4], $0x0  }
0x19: {  	s7 =	sld [smem:$0x3F97]  }
0x1a: {  	s8 =	sadd.s32 $0xFFFFE003, lr  }
0x1b: {  	s9 =	sadd.s32 $0xFFFFFEF7, lr;
	s5 =	simm.s32 $0xFFFFFFFF;
	p2 =	slt.u32 s8, $0xFFFFF086  }
0x1c: {  	p1 =	slt.u32 s9, $0xF7A;
	s5 =	simm.s32 @!p2 $0x0  }
0x1d: {  	s5 =	simm.s32 @p1 $0x1;
	p0 =	seq.s32 s7, s2  }
0x1e: {  	s7 =	smul.u32 @!p0 $0xF7A, s2;
	p2 =	seq.s32 @!p0 s5, $0x0  }
0x1f: {  	s9 =	smul.u32 $0xF7A, s1;
	s8 =	simm.s32 @!p0 $0x1BF5;
	p2 =	por !p2, p0  }
0x20: {  	[sflag:s8] =	ssyncset.s32 @!p0 $0xFFFFF086;
	s6 =	sadd.s32 @!p0 s3, s7;
	s7 =	simm.s32 @!p0 $0x108  }
0x21: {  	s3 =	sadd.s32 s3, s9;
	s6 =	sadd.s32 @!p0 $0x88, s6;
	s7 =	simm.s32 @p2 $0x1082  }
0x22: {  	[simem:s7], [sflag:s8] =	dma.local @!p0 [hbm:s6], $0xF7A  }
0x23: {  	s9 =	sor.u32 $0xD0000000, s2;
	s6 =	simm.s32 $0x108;
	_ =	swait.ge @!p0 [sflag:s8], $0x0  }
0x24: {  	s3 =	sadd.s32 $0x88, s3;
	s6 =	simm.s32 @!p1 $0x1082;
	[sflag:s4] =	ssyncset.s32 $0xFFFFF086  }
0x25: {  	[simem:s6], [sflag:s4] =	dma.local [hbm:s3], $0xF7A  }
0x26: {  	[smem:$0x3F97] =	sst s1;
	(tag) =	ssettag s2;
	_ =	strace s9  }
0x27: {  	s1 =	sld [smem:$0x3FA7]  }
0x28: {  	s2 =	sld [smem:$0x3FA8]  }
0x29: {  	s4 =	sld [smem:$0x3FAA]  }
0x2a: {  	p0 =	seq.s32 s5, $0x0;
	s5 =	sld [smem:$0x3FAB]  }
0x2b: {  	s6 =	sld [smem:$0x3FAC]  }
0x2c: {  	s7 =	sld [smem:$0x3FAD]  }
0x2d: {  	s3 =	simm.s32 $0x108;
	s8 =	sld [smem:$0x3FAE]  }
0x2e: {  	s3 =	simm.s32 @!p0 $0x1082;
	s9 =	sld [smem:$0x3FAF]  }
0x2f: {  	lr =	sadd.s32 s0, s3;
	s0 =	sld [smem:$0x3FA6]  }
0x30: {  	s3 =	sld [smem:$0x3FA9]  }
0x31: {  	[smem:$0x3FB2] =	sst s10  }
0x32: {  	s10 =	sld [smem:$0x3FB0];
	_ =	sdelay $0x3  }
0x33: {  	p0 =	seq.s32 s10, $0x1;
	s10 =	sld [smem:$0x3FB2];
	_ =	sdelay $0x3  }
0x34: {  	[smem:$0x3FB2] =	sst s10  }
0x35: {  	s10 =	sld [smem:$0x3FB1];
	_ =	sdelay $0x3  }
0x36: {  	p1 =	seq.s32 s10, $0x1;
	s10 =	sld [smem:$0x3FB2];
	_ =	sdelay $0x3  }
0x37: {  	[smem:$0x3FB2] =	sst s10  }
0x38: {  	s10 =	sld [smem:$0x3FB3]  }
0x39: {  	_ = 	snop;
	(pc) =	sbr.ind lr, $3  }
0x3a: {  	_ = 	snop  }
0x3b: {  	_ = 	snop  }
0x3c: {  	p2 =	seq.s32 s10, $0x1;
	s10 =	sld [smem:$0x3FB2]  }
0x3d: {  	_ =	shalt  }
0x3e: {  	_ =	shalt  }
0x3f: {  	_ =	shalt  }
0x40: {  	_ =	shalt  }
0x41: {  	_ =	shalt  }
0x42: {  	_ =	shalt  }
0x43: {  	_ =	shalt  }
0x44: {  	_ =	shalt  }
0x45: {  	_ =	shalt  }
0x46: {  	_ =	shalt  }
0x47: {  	_ =	shalt  }
0x48: {  	_ =	shalt  }
0x49: {  	_ =	shalt  }
0x4a: {  	_ =	shalt  }
0x4b: {  	_ =	shalt  }
0x4c: {  	_ =	shalt  }
0x4d: {  	_ =	shalt  }
0x4e: {  	_ =	shalt  }
0x4f: {  	_ =	shalt  }
0x50: {  	_ =	shalt  }
0x51: {  	_ =	shalt  }
0x52: {  	_ =	shalt  }
0x53: {  	_ =	shalt  }
0x54: {  	_ =	shalt  }
0x55: {  	_ =	shalt  }
0x56: {  	_ =	shalt  }
0x57: {  	_ =	shalt  }
0x58: {  	_ =	shalt  }
0x59: {  	_ =	shalt  }
0x5a: {  	_ =	shalt  }
0x5b: {  	_ =	shalt  }
0x5c: {  	_ =	shalt  }
0x5d: {  	_ =	shalt  }
0x5e: {  	_ =	shalt  }
0x5f: {  	_ =	shalt  }
0x60: {  	_ =	shalt  }
0x61: {  	_ =	shalt  }
0x62: {  	_ =	shalt  }
0x63: {  	_ =	shalt  }
0x64: {  	_ =	shalt  }
0x65: {  	_ =	shalt  }
0x66: {  	_ =	shalt  }
0x67: {  	_ =	shalt  }
0x68: {  	_ =	shalt  }
0x69: {  	_ =	shalt  }
0x6a: {  	_ =	shalt  }
0x6b: {  	_ =	shalt  }
0x6c: {  	_ =	shalt  }
0x6d: {  	_ =	shalt  }
0x6e: {  	_ =	shalt  }
0x6f: {  	_ =	shalt  }
0x70: {  	_ =	shalt  }
0x71: {  	_ =	shalt  }
0x72: {  	_ =	shalt  }
0x73: {  	_ =	shalt  }
0x74: {  	_ =	shalt  }
0x75: {  	_ =	shalt  }
0x76: {  	_ =	shalt  }
0x77: {  	_ =	shalt  }
0x78: {  	_ =	shalt  }
0x79: {  	_ =	shalt  }
0x7a: {  	_ =	shalt  }
0x7b: {  	_ =	shalt  }
0x7c: {  	_ =	shalt  }
0x7d: {  	_ =	shalt  }
0x7e: {  	_ =	shalt  }
0x7f: {  	_ =	shalt  }
0x80: {  	_ =	shalt  }
0x81: {  	_ =	shalt  }
0x82: {  	_ =	shalt  }
0x83: {  	_ =	shalt  }
0x84: {  	_ =	shalt  }
0x85: {  	_ =	shalt  }
0x86: {  	_ =	shalt  }
0x87: {  	_ =	shalt  }
.Lfunc_end0:
.L_simem_size_0:
called_computation.2_lowered:
.L_overlay_start_0:
0x88: {  	s2 =	sld [smem:$0x3FD9]  }
0x89: {  	s3 =	sld [smem:$0x3FFE];
	_ =	sdelay $0x1  }
0x8a: {  	s1 =	srdreg.scid  }
0x8b: {  	s0 =	sand.u32 $0x1, s1  }
0x8c: {  	s17 =	sshll.u32 s0, $0xA;
	s2 =	sadd.s32 s3, s2  }
0x8d: {  	s2 =	sadd.s32 s2, s17  }
0x8e: {  	[smem:$0x3FBE] =	sst s2  }
0x8f: {  	_ = 	snop  }
0x90: {  	s2 =	sld [smem:$0x3FD0];
	(tm) =	ssettm $0x1  }
0x91: {  	s18 =	sld [smem:$0x3FFB];
	_ =	sdelay $0x3  }
0x92: {  	_ =	strace s18  }
0x93: {  	s3 =	sld [smem:$0x3FFC];
	_ =	sdelay $0x3  }
0x94: {  	_ =	strace s3  }
0x95: {  	s3 =	sld [smem:$0x3FFD];
	_ =	sdelay $0x3  }
0x96: {  	_ =	strace s3  }
0x97: {  	_ =	strace $0x8FFFFFFF  }
0x98: {  	s19 =	sld [smem:$0x3FDB];
	_ =	sdelay $0x1  }
0x99: {  	s4 =	simm.s32 $_scs_section_size  }
0x9a: {  	s5 =	simm.s32 $_size__tile_overlayer_lowered;
	s6 =	simm.s32 $_tile_overlayer_lowered  }
0x9b: {  	s22 =	simm.s32 $0x1BFF;
	s21 =	sshll.u32 s6, $0x1;
	s3 =	sadd.s32 s4, s19  }
0x9c: {  	s7 =	simm.s32 $0x0;
	s20 =	sshll.u32 s5, $0x1;
	s5 =	sadd.s32 s21, s3  }
0x9d: {  	[timem:s7], [sflag:s22] =	dma.local [hbm:s5], s20  }
0x9e: {  	_ =	swait.ge [sflag:s22], s20  }
0x9f: {  	s4 =	ssub.s32 $0x0, s20;
	[sflag:s22] =	ssyncset.done $0x0  }
0xa0: {  	[sflag:s22] =	ssyncadd.s32 s4;
	_ =	sdelay $0x1  }
0xa1: {  	s23 =	simm.s32 $0x1B8B  }
0xa2: {  	_ =	swait.ge [sflag:s23], $0x1  }
0xa3: {  	[sflag:s23] =	ssyncset.done $0x0  }
0xa4: {  	s25 =	simm.s32 $0x1B8E;
	s24 =	sld [smem:$0x3FFE];
	[sflag:s23] =	ssyncadd.s32 $0xFFFFFFFF  }
0xa5: {  	s26 =	simm.s32 $execute0_lowered;
	[smem:$0x3FD2] =	sst s25  }
0xa6: {  	s5 =	sshll.u32 s26, $0x1;
	_ =	strace $0x8000004C;
	[dreg:$0x1] =	wrdreg $0xFFFFFFFF  }
0xa7: {  	s28 =	simm.s32 $_size_execute0_lowered;
	s3 =	sadd.s32 s3, s5;
	[dreg:$0x0] =	wrdreg $0x0  }
0xa8: {  	s5 =	sshll.u32 s28, $0x1;
	[dreg:$0x2] =	wrdreg s3  }
0xa9: {  	[dreg:$0x3] =	wrdreg s5  }
0xaa: {  	[dreg:$0x4] =	wrdreg $0xC0  }
0xab: {  	_ =	task [dreg:s7], $0x5FFFF  }
0xac: {  	[dreg:$0x1] =	wrdreg $0xFFFFFFFF  }
0xad: {  	[dreg:$0x0] =	wrdreg $0x60  }
0xae: {  	[dreg:$0x2] =	wrdreg s24  }
0xaf: {  	[dreg:$0x3] =	wrdreg s2  }
0xb0: {  	[dreg:$0x4] =	wrdreg $0x84000  }
0xb1: {  	[dreg:$0x5] =	wrdreg $0x9  }
0xb2: {  	_ =	task.clear_ibuf [dreg:s7], $0x6FFFF;
	_ =	strace $0x9000004C  }
0xb3: {  	s29 =	simm.s32 $0x9;
	_ =	strace $0x8000004E  }
0xb4: {  	_ =	swait.ge [sflag:s29], $0x1  }
0xb5: {  	[sflag:s29] =	ssyncadd.s32 $0xFFFFFFFF  }
0xb6: {  	_ =	strace $0x9000004E  }
0xb7: {  	_ =	sfence  }
0xb8: {  	s30 =	sld [smem:$0x0];
	_ =	sdelay $0x2  }
0xb9: {  	s31 =	sshll.u32 s1, $0xD;
	s1 =	sshrl.u32 s1, $0x2  }
0xba: {  	s3 =	sand.u32 $0x4000, s31;
	s1 =	sadd.s32 s1, s30  }
0xbb: {  	s0 =	sor.u32 s3, s0;
	s1 =	sshll.u32 s1, $0x11  }
0xbc: {  	s0 =	sor.u32 s1, s0  }
0xbd: {  	s0 =	sadd.s32 $0x8F2B, s0  }
0xbe: {  	[sflag:s0] =	ssyncadd.remote.s32 $0x1  }
0xbf: {  	_ =	sfence.sel $0xFFFF  }
0xc0: {  	[dreg:$0x0] =	wrdreg $0xFFFFFFFF;
	(pc) =	sbr.abs _section_cstart, $3  }
0xc1: {  	[dreg:$0x1] =	wrdreg $0xFFFFFFFF  }
0xc2: {  	_ =	task.clear_ibuf [dreg:s7], $0x2FFFF;
	_ =	strace $0x9FFFFFFF  }
0xc3: {  	(tm) =	ssettm $0x7FFFFFFF  }
tec
execute0_lowered:
.L_overlay_start_1:
0x0: {  	(tag) =	ssettag $0x1  }
0x1: {  	s0 =	rddreg [dreg:$0x0]  }
0x2: {  	s1 =	rddreg [dreg:$0x1]  }
0x3: {  	s2 =	rddreg [dreg:$0x2]  }
0x4: {  	s12 =	stileid.u32;
	s4 =	srdreg.scid;
	s3 =	simm.s32 $0x0  }
0x5: {  	s28 =	simm.s32 $0x40;
	s29 =	simm.s32 $0x400;
	s30 =	simm.s32 $0x2  }
0x6: {  	s31 =	simm.s32 $0x2400;
	s5 =	smul.u32 $0x14000, s12;
	s6 =	sand.u32 $0x1, s4  }
0x7: {  	[smem:$0x7FF] =	sst s3;
	s4 =	sadd.s32 $0x35800, s0;
	s10 =	smul.u32 $0x50000, s12  }
0x8: {  	s9 =	sadd.s32 $0x3400, s0;
	s16 =	sshll.u32 s12, $0x6;
	s7 =	smul.u32 $0x140000, s6  }
0x9: {  	_ =	strace $0x8000004D;
	s14 =	ssub.s32 $0x2, s6;
	p0 =	seq.s32 s6, $0x0  }
0xa: {  	s8 =	sshrl.u32 s5, $0x3;
	s11 =	sshrl.u32 s14, $0x1;
	s15 =	sshrl.u32 s10, $0x2  }
0xb: {  	s5 =	sadd.s32 s5, s7;
	s13 =	sadd.s32 s8, s0;
	s8 =	smul.u32 $0xA0, s12  }
0xc: {  	s10 =	sadd.s32 s15, s2;
	s12 =	simm.s32 $0x7;
	s15 =	simm.s32 $0xA  }
0xd: {  	s5 =	sshrl.u32 s5, $0x3;
	s7 =	sadd.s32 $0xD800, s13;
	s13 =	simm.s32 $0x8  }
0xe: {  	s0 =	sadd.s32 s5, s0;
	s6 =	sadd.s32 $0xA00, s8;
	s5 =	ssub.s32 s14, s11  }
0xf: {  	[dreg:$0x4] =	wrdreg s7;
	s11 =	simm.s32 $0x6;
	s14 =	simm.s32 $0x9  }
0x10: {  	s7 =	simm.s32 $0x0;
	s6 =	smov.u32 @p0 s8;
	s8 =	sor.u32 $0x1C0D, s16  }
0x11: {  	s0 =	sadd.s32 $0x5D800, s0;
	s26 =	smax.u32 s5, $0x1;
	[dreg:$0x11] =	wrdreg s7  }
0x12: {  	s5 =	simm.s32 $0x4;
	s16 =	simm.s32 $0xB;
	[dreg:$0xe] =	wrdreg s0  }
0x13: {  	s6 =	sshll.u32 s6, $0x3;
	[dreg:$0xf] =	wrdreg s26;
	s26 =	simm.s32 $0x1  }
0x14: {  	s0 =	simm.s32 $0x3;
	[dreg:$0x5] =	wrdreg s8;
	s18 =	sadd.s32 s1, s6  }
0x15: {  	s17 =	sor.u32 $0x8, s6;
	s19 =	sadd.s32 s9, s6;
	[dreg:$0x6] =	wrdreg s18  }
0x16: {  	s22 =	sor.u32 $0x10, s6;
	s6 =	sor.u32 $0x18, s6;
	[dreg:$0x7] =	wrdreg s19  }
0x17: {  	s20 =	sadd.s32 s1, s17;
	s21 =	sadd.s32 s9, s17;
	s23 =	sadd.s32 s1, s22  }
0x18: {  	s24 =	sadd.s32 s9, s22;
	s1 =	sadd.s32 s1, s6;
	[dreg:$0x8] =	wrdreg s20  }
0x19: {  	s25 =	sadd.s32 s9, s6;
	s17 =	sshrl.u32 s10, $0x3;
	[dreg:$0x9] =	wrdreg s21  }
0x1a: {  	s18 =	simm.s32 $0xD;
	s19 =	simm.s32 $0x200;
	[dreg:$0xa] =	wrdreg s23  }
.Ltmp0:
0x1b: {  	s22 =	simm.s32 $0x100;
	[dreg:$0xb] =	wrdreg s24;
	(pc) =	sbr.rel .LBB2_1-.Ltmp0, $4  }
0x1c: {  	s9 =	simm.s32 $0x6400;
	s10 =	simm.s32 $0x5;
	[dreg:$0xc] =	wrdreg s1  }
0x1d: {  	s6 =	simm.s32 $0xC;
	[dreg:$0xd] =	wrdreg s25;
	s20 =	simm.s32 $0x80  }
0x1e: {  	s21 =	simm.s32 $0x280;
	s23 =	simm.s32 $0x300;
	s24 =	simm.s32 $0x180  }
0x1f: {  	s25 =	simm.s32 $0x380;
	s1 =	simm.s32 $0x4400;
	[dreg:$0x10] =	wrdreg s17  }
.LBB2_4:
0x20: {  	_ =	swait.ge [sflag:s15], $0x2000  }
0x21: {  	[sflag:s15] =	ssyncset.done $0x0  }
0x22: {  	[sflag:s15] =	ssyncadd.s32 $0xFFFFE000  }
0x23: {  	_ =	swait.ge [sflag:s16], $0x2000  }
0x24: {  	[sflag:s16] =	ssyncset.done $0x0  }
0x25: {  	[sflag:s16] =	ssyncadd.s32 $0xFFFFE000  }
0x26: {  	_ =	swait.ge [sflag:s6], $0x2000  }
0x27: {  	[sflag:s6] =	ssyncset.done $0x0  }
0x28: {  	[sflag:s6] =	ssyncadd.s32 $0xFFFFE000  }
0x29: {  	[bflag:$0x0] =	sbarrier.arrive $0xFFFF  }
0x2a: {  	s8 =	rddreg [dreg:$0x5]  }
0x2b: {  	s7 =	rddreg [dreg:$0xe]  }
0x2c: {  	s18 =	simm.s32 $0xD;
	s17 =	rddreg [dreg:$0x10]  }
0x2d: {  	[hbm:s7], [sflag:s8] =	dma.local [spmem:s17], $0x2800  }
0x2e: {  	_ =	swait.ge [sflag:s18], $0x2800  }
0x2f: {  	s7 =	rddreg [dreg:$0x11]  }
0x30: {  	s8 =	sadd.s32 $0x1, s7;
	s7 =	rddreg [dreg:$0xf]  }
0x31: {  	p0 =	sne.s32 s8, s7  }
.Ltmp1:
0x32: {  	_ = 	snop;
	(pc) =	sbr.rel @!p0 .LBB2_5-.Ltmp1, $3  }
0x33: {  	_ =	sdelay $0x1  }
0x34: {  	[sflag:s18] =	ssyncset.done $0x0;
	[dreg:$0x11] =	wrdreg s8  }
0x35: {  	[sflag:s18] =	ssyncadd.s32 $0xFFFFD800;
	s8 =	rddreg [dreg:$0x5]  }
.LBB2_1:
0x36: {  	s7 =	rddreg [dreg:$0x4]  }
0x37: {  	[spmem:s17], [sflag:s8] =	dma.local [hbm:s7], $0x2800  }
0x38: {  	_ =	swait.ge [sflag:s18], $0x2800  }
0x39: {  	[sflag:s18] =	ssyncset.done $0x0  }
0x3a: {  	[sflag:s18] =	ssyncadd.s32 $0xFFFFD800  }
0x3b: {  	[bflag:$0x0] =	sbarrier.arrive $0xFFFF  }
0x3c: {  	s17 =	rddreg [dreg:$0x6]  }
0x3d: {  	[tilespmem:s3], [sflag:$0x1] =	stream.linear.gather [hbm4b:s17+s3], $0x40, $0x38;
	[tilespmem:$0x1C400] =	vst v63  }
0x3e: {  	s18 =	rddreg [dreg:$0x7]  }
0x3f: {  	[tilespmem:s19], [sflag:$0x1] =	stream.linear.gather [hbm4b:s18+s3], $0x40, $0x38;
	[tilespmem:$0x1C400] =	vst v63  }
0x40: {  	s8 =	rddreg [dreg:$0x8]  }
0x41: {  	[tilespmem:s20], [sflag:$0x2] =	stream.linear.gather [hbm4b:s8+s3], $0x40, $0x38;
	[tilespmem:$0x1C400] =	vst v63  }
0x42: {  	s17 =	rddreg [dreg:$0x9]  }
0x43: {  	[tilespmem:s21], [sflag:$0x2] =	stream.linear.gather [hbm4b:s17+s3], $0x40, $0x38;
	[tilespmem:$0x1C400] =	vst v63  }
0x44: {  	s18 =	rddreg [dreg:$0xa]  }
0x45: {  	[tilespmem:s22], [sflag:$0x3] =	stream.linear.gather [hbm4b:s18+s3], $0x40, $0x38;
	[tilespmem:$0x1C400] =	vst v63  }
0x46: {  	s8 =	rddreg [dreg:$0xb]  }
0x47: {  	[tilespmem:s23], [sflag:$0x3] =	stream.linear.gather [hbm4b:s8+s3], $0x40, $0x38;
	[tilespmem:$0x1C400] =	vst v63  }
0x48: {  	s17 =	rddreg [dreg:$0xc]  }
0x49: {  	[tilespmem:s24], [sflag:$0x4] =	stream.linear.gather [hbm4b:s17+s3], $0x40, $0x38;
	[tilespmem:$0x1C400] =	vst v63  }
0x4a: {  	s18 =	rddreg [dreg:$0xd]  }
0x4b: {  	[tilespmem:s25], [sflag:$0x4] =	stream.linear.gather [hbm4b:s18+s3], $0x40, $0x38;
	[tilespmem:$0x1C400] =	vst v63  }
0x4c: {  	s18 =	simm.s32 $0x0  }
.LBB2_2:
0x4d: {  	_ =	swait.ge [sflag:s26], $0x40  }
0x4e: {  	[sflag:s26] =	ssyncset.done $0x0  }
0x4f: {  	[sflag:s26] =	ssyncadd.s32 $0xFFFFFFC0  }
0x50: {  	_ =	swait.ge [sflag:s26], $0x40  }
0x51: {  	[sflag:s26] =	ssyncset.done $0x0  }
0x52: {  	[sflag:s26] =	ssyncadd.s32 $0xFFFFFFC0  }
0x53: {  	[tilespmem:s29], [sflag:$0x5] =	stream.indirect.gather [hbm4b:s4+s28], $0x80, s3, s28, $0xb8;
	[tilespmem:$0x1C400] =	vst v63  }
0x54: {  	_ =	swait.ge [sflag:s30], $0x40  }
0x55: {  	[sflag:s30] =	ssyncset.done $0x0  }
0x56: {  	[sflag:s30] =	ssyncadd.s32 $0xFFFFFFC0  }
0x57: {  	_ =	swait.ge [sflag:s30], $0x40  }
0x58: {  	[sflag:s30] =	ssyncset.done $0x0  }
0x59: {  	[sflag:s30] =	ssyncadd.s32 $0xFFFFFFC0  }
0x5a: {  	[tilespmem:s31], [sflag:$0x6] =	stream.indirect.gather [hbm4b:s4+s28], $0x80, s20, s28, $0xb8;
	[tilespmem:$0x1C400] =	vst v63  }
0x5b: {  	_ =	swait.ge [sflag:s0], $0x40  }
0x5c: {  	[sflag:s0] =	ssyncset.done $0x0  }
0x5d: {  	[sflag:s0] =	ssyncadd.s32 $0xFFFFFFC0  }
0x5e: {  	_ =	swait.ge [sflag:s0], $0x40  }
0x5f: {  	[sflag:s0] =	ssyncset.done $0x0  }
0x60: {  	[sflag:s0] =	ssyncadd.s32 $0xFFFFFFC0  }
0x61: {  	[tilespmem:s1], [sflag:$0x7] =	stream.indirect.gather [hbm4b:s4+s28], $0x80, s22, s28, $0xb8;
	[tilespmem:$0x1C400] =	vst v63  }
0x62: {  	_ =	swait.ge [sflag:s5], $0x40  }
0x63: {  	[sflag:s5] =	ssyncset.done $0x0  }
0x64: {  	[sflag:s5] =	ssyncadd.s32 $0xFFFFFFC0  }
0x65: {  	_ =	swait.ge [sflag:s5], $0x40  }
0x66: {  	[sflag:s5] =	ssyncset.done $0x0  }
0x67: {  	[sflag:s5] =	ssyncadd.s32 $0xFFFFFFC0  }
0x68: {  	[tilespmem:s9], [sflag:$0x8] =	stream.indirect.gather [hbm4b:s4+s28], $0x80, s24, s28, $0xb8;
	[tilespmem:$0x1C400] =	vst v63  }
0x69: {  	_ =	swait.ge [sflag:s10], $0x2000  }
0x6a: {  	[sflag:s10] =	ssyncset.done $0x0  }
0x6b: {  	[sflag:s10] =	ssyncadd.s32 $0xFFFFE000  }
0x6c: {  	[spmem:s2] =	stream.indirect.scatter.add.f32 [tilespmem:s29], [sflag:$0x9], $0x80, s19, s28, $0xb8;
	[tilespmem:$0x1C400] =	vst v63  }
0x6d: {  	_ =	swait.ge [sflag:s11], $0x2000  }
0x6e: {  	[sflag:s11] =	ssyncset.done $0x0  }
0x6f: {  	[sflag:s11] =	ssyncadd.s32 $0xFFFFE000  }
0x70: {  	[spmem:s2] =	stream.indirect.scatter.add.f32 [tilespmem:s31], [sflag:$0xA], $0x80, s21, s28, $0xb8;
	[tilespmem:$0x1C400] =	vst v63  }
0x71: {  	_ =	swait.ge [sflag:s12], $0x2000  }
0x72: {  	[sflag:s12] =	ssyncset.done $0x0  }
0x73: {  	[sflag:s12] =	ssyncadd.s32 $0xFFFFE000  }
0x74: {  	[spmem:s2] =	stream.indirect.scatter.add.f32 [tilespmem:s1], [sflag:$0xB], $0x80, s23, s28, $0xb8;
	[tilespmem:$0x1C400] =	vst v63  }
0x75: {  	_ =	swait.ge [sflag:s13], $0x2000  }
0x76: {  	p0 =	seq.s32 s18, $0x4E0;
	[sflag:s13] =	ssyncset.done $0x0  }
.Ltmp2:
0x77: {  	[sflag:s13] =	ssyncadd.s32 $0xFFFFE000;
	(pc) =	sbr.rel @p0 .LBB2_4-.Ltmp2, $4  }
0x78: {  	[spmem:s2] =	stream.indirect.scatter.add.f32 [tilespmem:s9], [sflag:$0xC], $0x80, s25, s28, $0xb8;
	[tilespmem:$0x1C400] =	vst v63  }
0x79: {  	_ =	swait.ge [sflag:s14], $0x2000  }
0x7a: {  	[sflag:s14] =	ssyncset.done $0x0  }
0x7b: {  	[sflag:s14] =	ssyncadd.s32 $0xFFFFE000  }
0x7c: {  	s7 =	rddreg [dreg:$0x6]  }
0x7d: {  	s17 =	sadd.s32 s18, s7  }
0x7e: {  	s8 =	rddreg [dreg:$0x7];
	s7 =	sadd.s32 $0x20, s17  }
0x7f: {  	[tilespmem:s3], [sflag:$0x1] =	stream.linear.gather [hbm4b:s7+s3], $0x40, $0x38;
	[tilespmem:$0x1C400] =	vst v63  }
0x80: {  	s7 =	sadd.s32 s18, s8  }
0x81: {  	s8 =	sadd.s32 $0x20, s7  }
0x82: {  	[tilespmem:s19], [sflag:$0x1] =	stream.linear.gather [hbm4b:s8+s3], $0x40, $0x38;
	[tilespmem:$0x1C400] =	vst v63  }
0x83: {  	_ =	swait.ge [sflag:s15], $0x2000  }
0x84: {  	[sflag:s15] =	ssyncset.done $0x0  }
0x85: {  	s8 =	sadd.s32 $0x28, s17;
	[sflag:s15] =	ssyncadd.s32 $0xFFFFE000  }
0x86: {  	[tilespmem:s20], [sflag:$0x2] =	stream.linear.gather [hbm4b:s8+s3], $0x40, $0x38;
	[tilespmem:$0x1C400] =	vst v63  }
0x87: {  	s8 =	sadd.s32 $0x28, s7  }
0x88: {  	[tilespmem:s21], [sflag:$0x2] =	stream.linear.gather [hbm4b:s8+s3], $0x40, $0x38;
	[tilespmem:$0x1C400] =	vst v63  }
0x89: {  	_ =	swait.ge [sflag:s16], $0x2000  }
0x8a: {  	[sflag:s16] =	ssyncset.done $0x0  }
0x8b: {  	s8 =	sadd.s32 $0x30, s17;
	[sflag:s16] =	ssyncadd.s32 $0xFFFFE000  }
0x8c: {  	[tilespmem:s22], [sflag:$0x3] =	stream.linear.gather [hbm4b:s8+s3], $0x40, $0x38;
	[tilespmem:$0x1C400] =	vst v63  }
0x8d: {  	s8 =	sadd.s32 $0x30, s7  }
0x8e: {  	[tilespmem:s23], [sflag:$0x3] =	stream.linear.gather [hbm4b:s8+s3], $0x40, $0x38;
	[tilespmem:$0x1C400] =	vst v63  }
0x8f: {  	_ =	swait.ge [sflag:s6], $0x2000  }
.Ltmp3:
0x90: {  	[sflag:s6] =	ssyncset.done $0x0;
	(pc) =	sbr.rel .LBB2_2-.Ltmp3, $4  }
0x91: {  	s17 =	sadd.s32 $0x38, s17;
	[sflag:s6] =	ssyncadd.s32 $0xFFFFE000  }
0x92: {  	[tilespmem:s24], [sflag:$0x4] =	stream.linear.gather [hbm4b:s17+s3], $0x40, $0x38;
	[tilespmem:$0x1C400] =	vst v63  }
0x93: {  	s18 =	sadd.s32 $0x20, s18;
	s7 =	sadd.s32 $0x38, s7  }
0x94: {  	[tilespmem:s25], [sflag:$0x4] =	stream.linear.gather [hbm4b:s7+s3], $0x40, $0x38;
	[tilespmem:$0x1C400] =	vst v63  }
.LBB2_5:
0x95: {  	_ =	sfence.sel $0x180000  }
0x96: {  	[bflag:$0x0] =	sbarrier.arrive $0xFFFF  }
0x97: {  	_ =	strace $0x9000004D  }
0x98: {  	s0 =	stileid.u32;
	[bflag:$0x2] =	sbarrier.arrive $0xFFFF  }
0x99: {  	p0 =	sne.s32 s0, $0x0;
	s0 =	rddreg [dreg:$0x3]  }
0x9a: {  	s0 =	sadd.s32 @!p0 $0x100000, s0  }
0x9b: {  	[sflag:s0] =	ssyncadd.tile.s32 @!p0 $0x1;
	_ =	shalt  }
.Lfunc_end2:
_tile_overlayer_lowered:
.L_overlay_start_2:
0x9c: {  	(tag) =	ssettag $0x2  }
0x9d: {  	s0 =	rddreg [dreg:$0x0];
	s2 =	stileid.u32  }
0x9e: {  	s1 =	rddreg [dreg:$0x1];
	p0 =	sne.s32 s2, $0x0  }
0x9f: {  	s3 =	rddreg [dreg:$0x2];
	[bflag:$0x3] =	sbarrier.arrive $0xFFFF;
	s2 =	simm.s32 @!p0 $0x1C0D  }
0xa0: {  	[timem:s3], [sflag:s2] =	dma.local @!p0 [hbm:s0], s1  }
0xa1: {  	s0 =	simm.s32 @!p0 $0xD  }
0xa2: {  	_ =	swait.ge @!p0 [sflag:s0], s1  }
0xa3: {  	s1 =	ssub.s32 @!p0 $0x0, s1;
	[sflag:s0] =	ssyncset.done @!p0 $0x0  }
0xa4: {  	[sflag:s0] =	ssyncadd.s32 @!p0 s1  }
0xa5: {  	[bflag:$0x3] =	sbarrier.arrive $0xFFFF  }
0xa6: {  	_ =	shalt  }

// kernel: kernel.8.cloned.1.call-start
scs
__scs_entry_jumppad:
0x0: {  	(pc) =	sbr.rel $0x88, $3  }
0x1: {  	(tag) =	ssettag $0x0;
	lr =	simm.s32 $0x1  }
0x2: {  	[smem:$0x3F97] =	sst lr;
	_ =	strace $0xD0000000  }
0x3: {  	_ = 	snop  }
0x4: {  	_ = 	snop  }
0x5: {  	_ = 	snop  }
0x6: {  	_ = 	snop  }
0x7: {  	_ = 	snop  }
__scs_overlays_trampoline_lowered:
0x8: {  	[smem:$0x3FA6] =	sst s0  }
0x9: {  	[smem:$0x3FA7] =	sst s1  }
0xa: {  	[smem:$0x3FA8] =	sst s2  }
0xb: {  	[smem:$0x3FA9] =	sst s3  }
0xc: {  	[smem:$0x3FAA] =	sst s4  }
0xd: {  	[smem:$0x3FAB] =	sst s5  }
0xe: {  	[smem:$0x3FAC] =	sst s6  }
0xf: {  	[smem:$0x3FAD] =	sst s7  }
0x10: {  	[smem:$0x3FAE] =	sst s8  }
0x11: {  	[smem:$0x3FAF] =	sst s9;
	s0 =	simm.s32 @!p0 $0x0  }
0x12: {  	s1 =	sld [smem:$0x3F95];
	s0 =	simm.s32 @p0 $0x1  }
0x13: {  	[smem:$0x3FB0] =	sst s0;
	s0 =	simm.s32 @!p1 $0x0  }
0x14: {  	s2 =	sld [smem:$0x3F94];
	s0 =	simm.s32 @p1 $0x1  }
0x15: {  	[smem:$0x3FB1] =	sst s0;
	s0 =	simm.s32 @!p2 $0x0  }
0x16: {  	s3 =	sld [smem:$0x3FDB];
	s0 =	simm.s32 @p2 $0x1  }
0x17: {  	s4 =	simm.s32 $0x1BF5;
	[smem:$0x3FB3] =	sst s0  }
0x18: {  	s0 =	sld [smem:$0x3F96];
	_ =	swait.ge [sflag:s4], $0x0  }
0x19: {  	s7 =	sld [smem:$0x3F97]  }
0x1a: {  	s8 =	sadd.s32 $0xFFFFE003, lr  }
0x1b: {  	s9 =	sadd.s32 $0xFFFFFEF7, lr;
	s5 =	simm.s32 $0xFFFFFFFF;
	p2 =	slt.u32 s8, $0xFFFFF086  }
0x1c: {  	p1 =	slt.u32 s9, $0xF7A;
	s5 =	simm.s32 @!p2 $0x0  }
0x1d: {  	s5 =	simm.s32 @p1 $0x1;
	p0 =	seq.s32 s7, s2  }
0x1e: {  	s7 =	smul.u32 @!p0 $0xF7A, s2;
	p2 =	seq.s32 @!p0 s5, $0x0  }
0x1f: {  	s9 =	smul.u32 $0xF7A, s1;
	s8 =	simm.s32 @!p0 $0x1BF5;
	p2 =	por !p2, p0  }
0x20: {  	[sflag:s8] =	ssyncset.s32 @!p0 $0xFFFFF086;
	s6 =	sadd.s32 @!p0 s3, s7;
	s7 =	simm.s32 @!p0 $0x108  }
0x21: {  	s3 =	sadd.s32 s3, s9;
	s6 =	sadd.s32 @!p0 $0x88, s6;
	s7 =	simm.s32 @p2 $0x1082  }
0x22: {  	[simem:s7], [sflag:s8] =	dma.local @!p0 [hbm:s6], $0xF7A  }
0x23: {  	s9 =	sor.u32 $0xD0000000, s2;
	s6 =	simm.s32 $0x108;
	_ =	swait.ge @!p0 [sflag:s8], $0x0  }
0x24: {  	s3 =	sadd.s32 $0x88, s3;
	s6 =	simm.s32 @!p1 $0x1082;
	[sflag:s4] =	ssyncset.s32 $0xFFFFF086  }
0x25: {  	[simem:s6], [sflag:s4] =	dma.local [hbm:s3], $0xF7A  }
0x26: {  	[smem:$0x3F97] =	sst s1;
	(tag) =	ssettag s2;
	_ =	strace s9  }
0x27: {  	s1 =	sld [smem:$0x3FA7]  }
0x28: {  	s2 =	sld [smem:$0x3FA8]  }
0x29: {  	s4 =	sld [smem:$0x3FAA]  }
0x2a: {  	p0 =	seq.s32 s5, $0x0;
	s5 =	sld [smem:$0x3FAB]  }
0x2b: {  	s6 =	sld [smem:$0x3FAC]  }
0x2c: {  	s7 =	sld [smem:$0x3FAD]  }
0x2d: {  	s3 =	simm.s32 $0x108;
	s8 =	sld [smem:$0x3FAE]  }
0x2e: {  	s3 =	simm.s32 @!p0 $0x1082;
	s9 =	sld [smem:$0x3FAF]  }
0x2f: {  	lr =	sadd.s32 s0, s3;
	s0 =	sld [smem:$0x3FA6]  }
0x30: {  	s3 =	sld [smem:$0x3FA9]  }
0x31: {  	[smem:$0x3FB2] =	sst s10  }
0x32: {  	s10 =	sld [smem:$0x3FB0];
	_ =	sdelay $0x3  }
0x33: {  	p0 =	seq.s32 s10, $0x1;
	s10 =	sld [smem:$0x3FB2];
	_ =	sdelay $0x3  }
0x34: {  	[smem:$0x3FB2] =	sst s10  }
0x35: {  	s10 =	sld [smem:$0x3FB1];
	_ =	sdelay $0x3  }
0x36: {  	p1 =	seq.s32 s10, $0x1;
	s10 =	sld [smem:$0x3FB2];
	_ =	sdelay $0x3  }
0x37: {  	[smem:$0x3FB2] =	sst s10  }
0x38: {  	s10 =	sld [smem:$0x3FB3]  }
0x39: {  	_ = 	snop;
	(pc) =	sbr.ind lr, $3  }
0x3a: {  	_ = 	snop  }
0x3b: {  	_ = 	snop  }
0x3c: {  	p2 =	seq.s32 s10, $0x1;
	s10 =	sld [smem:$0x3FB2]  }
0x3d: {  	_ =	shalt  }
0x3e: {  	_ =	shalt  }
0x3f: {  	_ =	shalt  }
0x40: {  	_ =	shalt  }
0x41: {  	_ =	shalt  }
0x42: {  	_ =	shalt  }
0x43: {  	_ =	shalt  }
0x44: {  	_ =	shalt  }
0x45: {  	_ =	shalt  }
0x46: {  	_ =	shalt  }
0x47: {  	_ =	shalt  }
0x48: {  	_ =	shalt  }
0x49: {  	_ =	shalt  }
0x4a: {  	_ =	shalt  }
0x4b: {  	_ =	shalt  }
0x4c: {  	_ =	shalt  }
0x4d: {  	_ =	shalt  }
0x4e: {  	_ =	shalt  }
0x4f: {  	_ =	shalt  }
0x50: {  	_ =	shalt  }
0x51: {  	_ =	shalt  }
0x52: {  	_ =	shalt  }
0x53: {  	_ =	shalt  }
0x54: {  	_ =	shalt  }
0x55: {  	_ =	shalt  }
0x56: {  	_ =	shalt  }
0x57: {  	_ =	shalt  }
0x58: {  	_ =	shalt  }
0x59: {  	_ =	shalt  }
0x5a: {  	_ =	shalt  }
0x5b: {  	_ =	shalt  }
0x5c: {  	_ =	shalt  }
0x5d: {  	_ =	shalt  }
0x5e: {  	_ =	shalt  }
0x5f: {  	_ =	shalt  }
0x60: {  	_ =	shalt  }
0x61: {  	_ =	shalt  }
0x62: {  	_ =	shalt  }
0x63: {  	_ =	shalt  }
0x64: {  	_ =	shalt  }
0x65: {  	_ =	shalt  }
0x66: {  	_ =	shalt  }
0x67: {  	_ =	shalt  }
0x68: {  	_ =	shalt  }
0x69: {  	_ =	shalt  }
0x6a: {  	_ =	shalt  }
0x6b: {  	_ =	shalt  }
0x6c: {  	_ =	shalt  }
0x6d: {  	_ =	shalt  }
0x6e: {  	_ =	shalt  }
0x6f: {  	_ =	shalt  }
0x70: {  	_ =	shalt  }
0x71: {  	_ =	shalt  }
0x72: {  	_ =	shalt  }
0x73: {  	_ =	shalt  }
0x74: {  	_ =	shalt  }
0x75: {  	_ =	shalt  }
0x76: {  	_ =	shalt  }
0x77: {  	_ =	shalt  }
0x78: {  	_ =	shalt  }
0x79: {  	_ =	shalt  }
0x7a: {  	_ =	shalt  }
0x7b: {  	_ =	shalt  }
0x7c: {  	_ =	shalt  }
0x7d: {  	_ =	shalt  }
0x7e: {  	_ =	shalt  }
0x7f: {  	_ =	shalt  }
0x80: {  	_ =	shalt  }
0x81: {  	_ =	shalt  }
0x82: {  	_ =	shalt  }
0x83: {  	_ =	shalt  }
0x84: {  	_ =	shalt  }
0x85: {  	_ =	shalt  }
0x86: {  	_ =	shalt  }
0x87: {  	_ =	shalt  }
.Lfunc_end0:
.L_simem_size_0:
called_computation_lowered:
.L_overlay_start_0:
0x88: {  	s2 =	sld [smem:$0x3FD9]  }
0x89: {  	s3 =	sld [smem:$0x3FFE];
	_ =	sdelay $0x1  }
0x8a: {  	s1 =	srdreg.scid  }
0x8b: {  	s0 =	sand.u32 $0x1, s1  }
0x8c: {  	s16 =	sshll.u32 s0, $0xA;
	s2 =	sadd.s32 s3, s2  }
0x8d: {  	s2 =	sadd.s32 s2, s16  }
0x8e: {  	[smem:$0x3FBE] =	sst s2  }
0x8f: {  	_ = 	snop  }
0x90: {  	(tm) =	ssettm $0x1  }
0x91: {  	s17 =	sld [smem:$0x3FFB];
	_ =	sdelay $0x3  }
0x92: {  	_ =	strace s17  }
0x93: {  	s2 =	sld [smem:$0x3FFC];
	_ =	sdelay $0x3  }
0x94: {  	_ =	strace s2  }
0x95: {  	s2 =	sld [smem:$0x3FFD];
	_ =	sdelay $0x3  }
0x96: {  	_ =	strace s2  }
0x97: {  	_ =	strace $0x8FFFFFFF  }
0x98: {  	s18 =	sld [smem:$0x3FDB];
	_ =	sdelay $0x1  }
0x99: {  	s19 =	simm.s32 $_scs_section_size  }
0x9a: {  	s4 =	simm.s32 $_size__tile_overlayer_lowered;
	s5 =	simm.s32 $_tile_overlayer_lowered  }
0x9b: {  	s22 =	simm.s32 $0x1BFF;
	s21 =	sshll.u32 s5, $0x1;
	s2 =	sadd.s32 s19, s18  }
0x9c: {  	s6 =	simm.s32 $0x0;
	s20 =	sshll.u32 s4, $0x1;
	s4 =	sadd.s32 s21, s2  }
0x9d: {  	[timem:s6], [sflag:s22] =	dma.local [hbm:s4], s20  }
0x9e: {  	_ =	swait.ge [sflag:s22], s20  }
0x9f: {  	s3 =	ssub.s32 $0x0, s20;
	[sflag:s22] =	ssyncset.done $0x0  }
0xa0: {  	[sflag:s22] =	ssyncadd.s32 s3;
	_ =	sdelay $0x1  }
0xa1: {  	s23 =	simm.s32 $0x1B8B  }
0xa2: {  	_ =	swait.ge [sflag:s23], $0x1  }
0xa3: {  	[sflag:s23] =	ssyncset.done $0x0  }
0xa4: {  	s25 =	simm.s32 $0x1B8E;
	s24 =	sld [smem:$0x3FFE];
	[sflag:s23] =	ssyncadd.s32 $0xFFFFFFFF  }
0xa5: {  	s26 =	simm.s32 $execute0_lowered;
	[smem:$0x3FD2] =	sst s25  }
0xa6: {  	s4 =	sshll.u32 s26, $0x1;
	_ =	strace $0x80000046;
	[dreg:$0x1] =	wrdreg $0xFFFFFFFF  }
0xa7: {  	s28 =	simm.s32 $_size_execute0_lowered;
	s2 =	sadd.s32 s2, s4;
	[dreg:$0x0] =	wrdreg $0x0  }
0xa8: {  	s4 =	sshll.u32 s28, $0x1;
	[dreg:$0x2] =	wrdreg s2  }
0xa9: {  	[dreg:$0x3] =	wrdreg s4  }
0xaa: {  	[dreg:$0x4] =	wrdreg $0xC0  }
0xab: {  	_ =	task [dreg:s6], $0x5FFFF  }
0xac: {  	[dreg:$0x1] =	wrdreg $0xFFFFFFFF  }
0xad: {  	[dreg:$0x0] =	wrdreg $0x60  }
0xae: {  	[dreg:$0x2] =	wrdreg s24  }
0xaf: {  	[dreg:$0x3] =	wrdreg $0x41000  }
0xb0: {  	[dreg:$0x4] =	wrdreg $0x9  }
0xb1: {  	_ =	task.clear_ibuf [dreg:s6], $0x5FFFF;
	_ =	strace $0x90000046  }
0xb2: {  	s29 =	simm.s32 $0x9;
	_ =	strace $0x80000048  }
0xb3: {  	_ =	swait.ge [sflag:s29], $0x1  }
0xb4: {  	[sflag:s29] =	ssyncadd.s32 $0xFFFFFFFF  }
0xb5: {  	_ =	strace $0x90000048  }
0xb6: {  	_ =	sfence  }
0xb7: {  	s30 =	sld [smem:$0x0];
	_ =	sdelay $0x2  }
0xb8: {  	s31 =	sshll.u32 s1, $0xD;
	s1 =	sshrl.u32 s1, $0x2  }
0xb9: {  	s3 =	sand.u32 $0x4000, s31;
	s1 =	sadd.s32 s1, s30  }
0xba: {  	s0 =	sor.u32 s3, s0;
	s1 =	sshll.u32 s1, $0x11  }
0xbb: {  	s0 =	sor.u32 s1, s0  }
0xbc: {  	s0 =	sadd.s32 $0x8F2B, s0  }
0xbd: {  	[sflag:s0] =	ssyncadd.remote.s32 $0x1  }
0xbe: {  	_ =	sfence.sel $0xFFFF  }
0xbf: {  	[dreg:$0x0] =	wrdreg $0xFFFFFFFF;
	(pc) =	sbr.abs _section_cstart, $3  }
0xc0: {  	[dreg:$0x1] =	wrdreg $0xFFFFFFFF  }
0xc1: {  	_ =	task.clear_ibuf [dreg:s6], $0x2FFFF;
	_ =	strace $0x9FFFFFFF  }
0xc2: {  	(tm) =	ssettm $0x7FFFFFFF  }
0xc3: {  	_ =	shalt  }
tec
execute0_lowered:
.L_overlay_start_1:
0x0: {  	(tag) =	ssettag $0x1  }
0x1: {  	s5 =	rddreg [dreg:$0x0];
	s0 =	stileid.u32  }
0x2: {  	s1 =	srdreg.scid;
	s2 =	rddreg [dreg:$0x1]  }
0x3: {  	s3 =	simm.s32 $0x0;
	s15 =	simm.s32 $0x100;
	s16 =	simm.s32 $0x2100  }
0x4: {  	s17 =	simm.s32 $0x80;
	s18 =	simm.s32 $0x1;
	s19 =	simm.s32 $0x40  }
0x5: {  	s20 =	simm.s32 $0x2;
	s21 =	simm.s32 $0x3;
	s22 =	simm.s32 $0x4  }
0x6: {  	s6 =	smul.u32 $0x14000, s0;
	s7 =	sand.u32 $0x1, s1;
	s1 =	rddreg [dreg:$0x2]  }
0x7: {  	s23 =	simm.s32 $0x0;
	[smem:$0x7FF] =	sst s3;
	s28 =	smul.u32 $0x50000, s0  }
0x8: {  	s9 =	sadd.s32 $0x3400, s5;
	s13 =	smul.u32 $0xA0, s0;
	s31 =	sshll.u32 s0, $0x6  }
0x9: {  	s4 =	smul.u32 $0x140000, s7;
	_ =	strace $0x80000047;
	s29 =	ssub.s32 $0x2, s7  }
0xa: {  	s11 =	sshll.u32 s7, $0x4;
	s7 =	smul.u32 $0xA00, s7;
	s12 =	sshrl.u32 s29, $0x1  }
0xb: {  	s11 =	sor.u32 s0, s11;
	s8 =	sadd.s32 s6, s4;
	s4 =	sadd.s32 $0xD400, s5  }
0xc: {  	s6 =	sshrl.u32 s6, $0x3;
	s12 =	ssub.s32 s29, s12;
	s30 =	smul.u32 $0x500, s11  }
0xd: {  	s7 =	sadd.s32 s13, s7;
	s8 =	sshrl.u32 s8, $0x3;
	s6 =	sadd.s32 s6, s5  }
0xe: {  	s13 =	sshll.u32 s7, $0x3;
	s10 =	sadd.s32 s8, s5;
	s5 =	sshrl.u32 s28, $0x2  }
0xf: {  	s7 =	sor.u32 $0x1C05, s31;
	s13 =	sadd.s32 s13, s9;
	s14 =	sadd.s32 s5, s2  }
0x10: {  	s5 =	sadd.s32 $0xD800, s6;
	s6 =	sadd.s32 s9, s30;
	s9 =	sadd.s32 $0x35800, s10  }
0x11: {  	s10 =	smax.u32 s12, $0x1;
	s11 =	sadd.s32 $0x18, s13;
	s12 =	sadd.s32 $0x10, s13  }
0x12: {  	s8 =	sadd.s32 $0x8, s6;
	s13 =	sshrl.u32 s14, $0x3;
	s14 =	simm.s32 $0x5  }
.LBB2_1:
0x13: {  	[spmem:s13], [sflag:s7] =	dma.local [hbm:s5], $0x2800  }
0x14: {  	_ =	swait.ge [sflag:s14], $0x2800  }
0x15: {  	[sflag:s14] =	ssyncset.done $0x0  }
0x16: {  	[sflag:s14] =	ssyncadd.s32 $0xFFFFD800  }
0x17: {  	[tilespmem:s15], [sflag:$0x5] =	stream.linear.gather [hbm4b:s4+s3], $0x2000, $0x38;
	[tilespmem:$0x18100] =	vst v63  }
0x18: {  	_ =	swait.ge [sflag:s14], $0x2000  }
0x19: {  	[sflag:s14] =	ssyncset.done $0x0  }
0x1a: {  	[sflag:s14] =	ssyncadd.s32 $0xFFFFE000  }
0x1b: {  	[tilespmem:s16], [sflag:$0x5] =	stream.linear.gather [hbm4b:s4+s3], $0x2000, $0x38;
	[tilespmem:$0x18100] =	vst v63  }
0x1c: {  	_ =	swait.ge [sflag:s14], $0x2000  }
0x1d: {  	[sflag:s14] =	ssyncset.done $0x0  }
0x1e: {  	[sflag:s14] =	ssyncadd.s32 $0xFFFFE000  }
0x1f: {  	[bflag:$0x0] =	sbarrier.arrive $0xFFFF  }
0x20: {  	[tilespmem:s3], [sflag:$0x1] =	stream.linear.gather [hbm4b:s6+s3], $0x40, $0x38;
	[tilespmem:$0x18100] =	vst v63  }
0x21: {  	_ = 	snop  }
0x22: {  	[tilespmem:s17], [sflag:$0x2] =	stream.linear.gather [hbm4b:s8+s3], $0x40, $0x38;
	[tilespmem:$0x18100] =	vst v63  }
0x23: {  	_ =	swait.ge [sflag:s18], $0x40  }
0x24: {  	[sflag:s18] =	ssyncset.done $0x0  }
0x25: {  	[sflag:s18] =	ssyncadd.s32 $0xFFFFFFC0  }
0x26: {  	[spmem:s2] =	stream.indirect.scatter.add.f32 [tilespmem:s15], [sflag:$0x3], $0x80, s3, s19, $0xb8;
	[tilespmem:$0x18100] =	vst v63  }
0x27: {  	_ =	swait.ge [sflag:s20], $0x40  }
0x28: {  	[sflag:s20] =	ssyncset.done $0x0  }
0x29: {  	[sflag:s20] =	ssyncadd.s32 $0xFFFFFFC0  }
0x2a: {  	[spmem:s2] =	stream.indirect.scatter.add.f32 [tilespmem:s16], [sflag:$0x4], $0x80, s17, s19, $0xb8;
	[tilespmem:$0x18100] =	vst v63  }
0x2b: {  	_ =	swait.ge [sflag:s21], $0x2000  }
0x2c: {  	[sflag:s21] =	ssyncset.done $0x0  }
0x2d: {  	s24 =	sadd.s32 $0x0, s12;
	[sflag:s21] =	ssyncadd.s32 $0xFFFFE000  }
0x2e: {  	[tilespmem:s3], [sflag:$0x1] =	stream.linear.gather [hbm4b:s24+s3], $0x40, $0x38;
	[tilespmem:$0x18100] =	vst v63  }
0x2f: {  	_ =	swait.ge [sflag:s22], $0x2000  }
0x30: {  	[sflag:s22] =	ssyncset.done $0x0  }
0x31: {  	s25 =	sadd.s32 $0x0, s11;
	s24 =	simm.s32 $0x10;
	[sflag:s22] =	ssyncadd.s32 $0xFFFFE000  }
.LBB2_2:
0x32: {  	[tilespmem:s17], [sflag:$0x2] =	stream.linear.gather [hbm4b:s25+s3], $0x40, $0x38;
	[tilespmem:$0x18100] =	vst v63  }
0x33: {  	s25 =	smov.u32 s24  }
0x34: {  	p0 =	sne.s32 s24, $0x4E0;
	s24 =	sadd.s32 $0x10, s24;
	_ =	swait.ge [sflag:s18], $0x40  }
0x35: {  	[sflag:s18] =	ssyncset.done $0x0  }
0x36: {  	[sflag:s18] =	ssyncadd.s32 $0xFFFFFFC0  }
0x37: {  	[spmem:s2] =	stream.indirect.scatter.add.f32 [tilespmem:s15], [sflag:$0x3], $0x80, s3, s19, $0xb8;
	[tilespmem:$0x18100] =	vst v63  }
0x38: {  	_ =	swait.ge [sflag:s20], $0x40  }
0x39: {  	[sflag:s20] =	ssyncset.done $0x0  }
0x3a: {  	[sflag:s20] =	ssyncadd.s32 $0xFFFFFFC0  }
0x3b: {  	[spmem:s2] =	stream.indirect.scatter.add.f32 [tilespmem:s16], [sflag:$0x4], $0x80, s17, s19, $0xb8;
	[tilespmem:$0x18100] =	vst v63  }
0x3c: {  	_ =	swait.ge [sflag:s21], $0x2000  }
0x3d: {  	[sflag:s21] =	ssyncset.done $0x0  }
.Ltmp0:
0x3e: {  	s26 =	sadd.s32 s25, s12;
	[sflag:s21] =	ssyncadd.s32 $0xFFFFE000;
	(pc) =	sbr.rel @p0 .LBB2_2-.Ltmp0, $4  }
0x3f: {  	[tilespmem:s3], [sflag:$0x1] =	stream.linear.gather [hbm4b:s26+s3], $0x40, $0x38;
	[tilespmem:$0x18100] =	vst v63  }
0x40: {  	_ =	swait.ge [sflag:s22], $0x2000  }
0x41: {  	[sflag:s22] =	ssyncset.done $0x0  }
0x42: {  	s25 =	sadd.s32 s25, s11;
	[sflag:s22] =	ssyncadd.s32 $0xFFFFE000  }
0x43: {  	[tilespmem:s17], [sflag:$0x2] =	stream.linear.gather [hbm4b:s25+s3], $0x40, $0x38;
	[tilespmem:$0x18100] =	vst v63  }
0x44: {  	_ =	swait.ge [sflag:s18], $0x40  }
0x45: {  	[sflag:s18] =	ssyncset.done $0x0  }
0x46: {  	[sflag:s18] =	ssyncadd.s32 $0xFFFFFFC0  }
0x47: {  	[spmem:s2] =	stream.indirect.scatter.add.f32 [tilespmem:s15], [sflag:$0x3], $0x80, s3, s19, $0xb8;
	[tilespmem:$0x18100] =	vst v63  }
0x48: {  	_ =	swait.ge [sflag:s20], $0x40  }
0x49: {  	[sflag:s20] =	ssyncset.done $0x0  }
0x4a: {  	[sflag:s20] =	ssyncadd.s32 $0xFFFFFFC0  }
0x4b: {  	[spmem:s2] =	stream.indirect.scatter.add.f32 [tilespmem:s16], [sflag:$0x4], $0x80, s17, s19, $0xb8;
	[tilespmem:$0x18100] =	vst v63  }
0x4c: {  	_ =	swait.ge [sflag:s21], $0x2000  }
0x4d: {  	[sflag:s21] =	ssyncset.done $0x0  }
0x4e: {  	[sflag:s21] =	ssyncadd.s32 $0xFFFFE000  }
0x4f: {  	_ =	swait.ge [sflag:s22], $0x2000  }
0x50: {  	s23 =	sadd.s32 $0x1, s23;
	[sflag:s22] =	ssyncset.done $0x0  }
0x51: {  	p0 =	sne.s32 s23, s10;
	[sflag:s22] =	ssyncadd.s32 $0xFFFFE000  }
.Ltmp1:
0x52: {  	[bflag:$0x0] =	sbarrier.arrive $0xFFFF;
	(pc) =	sbr.rel @p0 .LBB2_1-.Ltmp1, $4  }
0x53: {  	[hbm:s9], [sflag:s7] =	dma.local [spmem:s13], $0x2800  }
0x54: {  	_ =	swait.ge [sflag:s14], $0x2800  }
0x55: {  	[sflag:s14] =	ssyncset.done $0x0  }
0x56: {  	[sflag:s14] =	ssyncadd.s32 $0xFFFFD800  }
0x57: {  	_ =	sfence.sel $0x180000  }
0x58: {  	[bflag:$0x0] =	sbarrier.arrive $0xFFFF  }
0x59: {  	p0 =	sne.s32 s0, $0x0;
	_ =	strace $0x90000047  }
0x5a: {  	s0 =	sadd.s32 @!p0 $0x100000, s1;
	[bflag:$0x2] =	sbarrier.arrive $0xFFFF  }
0x5b: {  	[sflag:s0] =	ssyncadd.tile.s32 @!p0 $0x1;
	_ =	shalt  }
.Lfunc_end2:
_tile_overlayer_lowered:
.L_overlay_start_2:
0x5c: {  	(tag) =	ssettag $0x2  }
0x5d: {  	s0 =	rddreg [dreg:$0x0];
	s2 =	stileid.u32  }
0x5e: {  	s1 =	rddreg [dreg:$0x1];
	p0 =	sne.s32 s2, $0x0  }
0x5f: {  	s3 =	rddreg [dreg:$0x2];
	[bflag:$0x3] =	sbarrier.arrive $0xFFFF;
	s2 =	simm.s32 @!p0 $0x1C05  }
0x60: {  	[timem:s3], [sflag:s2] =	dma.local @!p0 [hbm:s0], s1  }
0x61: {  	s0 =	simm.s32 @!p0 $0x5  }
0x62: {  	_ =	swait.ge @!p0 [sflag:s0], s1  }
0x63: {  	s1 =	ssub.s32 @!p0 $0x0, s1;
	[sflag:s0] =	ssyncset.done @!p0 $0x0  }
0x64: {  	[sflag:s0] =	ssyncadd.s32 @!p0 s1  }
0x65: {  	[bflag:$0x3] =	sbarrier.arrive $0xFFFF  }
0x66: {  	_ =	shalt  }

</sc_bundles>
